<compile_context>
chip_gen: v7x
topology: tpu7x:2x2x1
jax: 0.10.2.dev20260603
libtpu: 0.0.44.dev20260713+nightly
codegen_flags: <defaults>
</compile_context>

<pallas_src>
import functools

import jax
import jax.numpy as jnp
from jax import lax
from jax.experimental import pallas as pl
from jax.experimental.pallas import tpu as pltpu
from jax.experimental.pallas import tpu_sc as plsc

N = 50000
E = 800000
D = 64
P = 10

K = 128
W = 32
NCH = E // K
CPW = 196
NP = 51200
NS = NP // 16
B = 2048
G = NP // B
BP = 2048
GP = NP // BP

def _sc_deg_body(ei2d, zeros1, deg_out, deg_sh, idx0, idx1, ones_v, tmp_v,
                 is0, is1):
    c = lax.axis_index("c")
    s = lax.axis_index("s")
    wid = c * 16 + s
    for i in range(K // 16):
        ones_v[pl.ds(i * 16, 16)] = jnp.ones((16,), jnp.float32)
    pltpu.sync_copy(zeros1.at[pl.ds(s * NS, NS)], tmp_v)
    pltpu.sync_copy(tmp_v, deg_sh.at[pl.ds(s * NS, NS)])
    plsc.subcore_barrier()

    def fire(t, idx_b, is_b):
        @pl.when(t < NCH)
        def _():
            pltpu.async_copy(ei2d.at[NCH + t], idx_b, is_b)

    def drain(t, idx_b, is_b):
        @pl.when(t < NCH)
        def _():
            pltpu.make_async_copy(ei2d.at[0], idx_b, is_b).wait()
            pltpu.sync_copy(ones_v, deg_sh.at[idx_b], add=True)

    t0 = wid * CPW
    fire(t0, idx0, is0)
    fire(t0 + 1, idx1, is1)

    def body(j, carry):
        t = t0 + 2 * j
        drain(t, idx0, is0)
        fire(t + 2, idx0, is0)
        drain(t + 1, idx1, is1)
        fire(t + 3, idx1, is1)
        return carry

    lax.fori_loop(0, CPW // 2 - 1, body, 0)
    drain(t0 + CPW - 2, idx0, is0)
    drain(t0 + CPW - 1, idx1, is1)
    plsc.subcore_barrier()
    pltpu.sync_copy(deg_sh.at[pl.ds(s * NS, NS)], tmp_v)
    pltpu.sync_copy(tmp_v, deg_out.at[pl.ds(c * NP + s * NS, NS)])


def _sc_agg_body(ei2d, y_tab, zeros16, a_out, a_sh, ids0, idd0, ids1, idd1,
                 rows0, rows1, tmp_v, is0, is1, gs0, gs1):
    c = lax.axis_index("c")
    s = lax.axis_index("s")
    wid = c * 16 + s
    pltpu.sync_copy(zeros16.at[pl.ds(s * NS, NS)], tmp_v)
    pltpu.sync_copy(tmp_v, a_sh.at[pl.ds(s * NS, NS)])
    plsc.subcore_barrier()

    def fire_idx(t, ids_b, idd_b, is_b):
        @pl.when(t < NCH)
        def _():
            pltpu.async_copy(ei2d.at[t], ids_b, is_b)
            pltpu.async_copy(ei2d.at[NCH + t], idd_b, is_b)

    def start_gather(t, ids_b, idd_b, rows_b, is_b, gs_b):
        @pl.when(t < NCH)
        def _():
            pltpu.make_async_copy(ei2d.at[0], ids_b, is_b).wait()
            pltpu.make_async_copy(ei2d.at[0], idd_b, is_b).wait()
            pltpu.async_copy(y_tab.at[ids_b], rows_b, gs_b)

    def drain(t, idd_b, rows_b, gs_b):
        @pl.when(t < NCH)
        def _():
            pltpu.make_async_copy(y_tab.at[pl.ds(0, K)], rows_b, gs_b).wait()
            pltpu.sync_copy(rows_b, a_sh.at[idd_b], add=True)

    t0 = wid * CPW
    fire_idx(t0, ids0, idd0, is0)
    fire_idx(t0 + 1, ids1, idd1, is1)
    start_gather(t0, ids0, idd0, rows0, is0, gs0)
    start_gather(t0 + 1, ids1, idd1, rows1, is1, gs1)

    def body(j, carry):
        t = t0 + 2 * j
        drain(t, idd0, rows0, gs0)
        fire_idx(t + 2, ids0, idd0, is0)
        drain(t + 1, idd1, rows1, gs1)
        fire_idx(t + 3, ids1, idd1, is1)
        start_gather(t + 2, ids0, idd0, rows0, is0, gs0)
        start_gather(t + 3, ids1, idd1, rows1, is1, gs1)
        return carry

    lax.fori_loop(0, CPW // 2 - 1, body, 0)
    drain(t0 + CPW - 2, idd0, rows0, gs0)
    drain(t0 + CPW - 1, idd1, rows1, gs1)
    plsc.subcore_barrier()
    pltpu.sync_copy(a_sh.at[pl.ds(s * NS, NS)], tmp_v)
    pltpu.sync_copy(tmp_v, a_out.at[pl.ds(c * NP + s * NS, NS)])


@functools.lru_cache(maxsize=None)
def _sc_kernels():
    mesh = plsc.VectorSubcoreMesh(core_axis_name="c", subcore_axis_name="s")
    sc_deg = pl.kernel(
        _sc_deg_body,
        mesh=mesh,
        out_type=jax.ShapeDtypeStruct((2 * NP,), jnp.float32),
        scratch_types=[
            pltpu.VMEM_SHARED((NP,), jnp.float32),
            pltpu.VMEM((K,), jnp.int32),
            pltpu.VMEM((K,), jnp.int32),
            pltpu.VMEM((K,), jnp.float32),
            pltpu.VMEM((NS,), jnp.float32),
            pltpu.SemaphoreType.DMA,
            pltpu.SemaphoreType.DMA,
        ],
    )
    sc_agg = pl.kernel(
        _sc_agg_body,
        mesh=mesh,
        out_type=jax.ShapeDtypeStruct((2 * NP, 16), jnp.float32),
        scratch_types=[
            pltpu.VMEM_SHARED((NP, 16), jnp.float32),
            pltpu.VMEM((K,), jnp.int32),
            pltpu.VMEM((K,), jnp.int32),
            pltpu.VMEM((K,), jnp.int32),
            pltpu.VMEM((K,), jnp.int32),
            pltpu.VMEM((K, 16), jnp.float32),
            pltpu.VMEM((K, 16), jnp.float32),
            pltpu.VMEM((NS, 16), jnp.float32),
            pltpu.SemaphoreType.DMA,
            pltpu.SemaphoreType.DMA,
            pltpu.SemaphoreType.DMA,
            pltpu.SemaphoreType.DMA,
        ],
        compiler_params=pltpu.CompilerParams(use_tc_tiling_on_sc=False),
    )
    return sc_deg, sc_agg


def _tc_prep_body(d0, d1, xp, y, d16):
    deg = d0[...] + d1[...] + 1.0
    dv = jnp.reshape(1.0 / jnp.sqrt(deg), (BP, 1))
    d16[...] = jnp.broadcast_to(dv, (BP, 16))
    y[...] = xp[...] * dv


def _tc_cell_body(a0, a1, y, d16, Lz, Lr, Lh, Wz, Wr, Wh, bzc, brc, bhc,
                  bz, br, bh, att, Wo, bo, out):
    Lz_t, Lz_b = Lz[:D, :], Lz[D:, :]
    Lr_t, Lr_b = Lr[:D, :], Lr[D:, :]
    Lh_t, Lh_b = Lh[:D, :], Lh[D:, :]
    Wzr, Wrr, Whr = Wz[...], Wr[...], Wh[...]
    bzcv, brcv, bhcv = bzc[...], brc[...], bhc[...]

    a = att[...]
    e = jnp.exp(a - jnp.max(a))
    probs = e / jnp.sum(e)

    S = d16[...] * (a0[...] + a1[...] + y[...])
    H = jnp.zeros((B, D), jnp.float32)
    Hacc = jnp.zeros((B, D), jnp.float32)
    for p in range(P):
        sp = S[:, p:p + 1]
        cz = sp * Wzr + bzcv
        cr = sp * Wrr + brcv
        ch = sp * Whr + bhcv
        Z = jax.nn.sigmoid(jnp.dot(cz, Lz_t) + jnp.dot(H, Lz_b) + bz[...])
        R = jax.nn.sigmoid(jnp.dot(cr, Lr_t) + jnp.dot(H, Lr_b) + br[...])
        ht = jnp.tanh(jnp.dot(ch, Lh_t) + jnp.dot(H * R, Lh_b) + bh[...])
        H = ht + Z * (H - ht)
        Hacc = Hacc + probs[:, p:p + 1] * H
    o = jnp.dot(jax.nn.relu(Hacc), Wo[...]) + bo[...]
    out[...] = o[:, 0]


def kernel(x, edge_index, attention, Wz, bz_conv, Wr, br_conv, Wh, bh_conv,
           Lz, bz, Lr, br, Lh, bh, W_out, b_out):
    xr = x.reshape(N, P)
    x_pad = jnp.pad(xr, ((0, NP - N), (0, 16 - P)))
    ei2d = edge_index.reshape(2 * NCH, K)
    zeros1 = jnp.zeros((NP,), jnp.float32)
    zeros16 = jnp.zeros((NP, 16), jnp.float32)

    sc_deg, sc_agg = _sc_kernels()
    deg_flat = sc_deg(ei2d, zeros1)

    y, d16 = pl.pallas_call(
        _tc_prep_body,
        grid=(GP,),
        in_specs=[
            pl.BlockSpec((BP,), lambda i: (i,)),
            pl.BlockSpec((BP,), lambda i: (i + GP,)),
            pl.BlockSpec((BP, 16), lambda i: (i, 0)),
        ],
        out_specs=[
            pl.BlockSpec((BP, 16), lambda i: (i, 0)),
            pl.BlockSpec((BP, 16), lambda i: (i, 0)),
        ],
        out_shape=[
            jax.ShapeDtypeStruct((NP, 16), jnp.float32),
            jax.ShapeDtypeStruct((NP, 16), jnp.float32),
        ],
    )(deg_flat, deg_flat, x_pad)

    a_flat = sc_agg(ei2d, y, zeros16)

    att_pad = jnp.pad(attention, (0, 16 - P),
                      constant_values=-1e30).reshape(1, 16)
    blk = lambda r, c_: pl.BlockSpec((r, c_), lambda i: (0, 0))
    outp = pl.pallas_call(
        _tc_cell_body,
        grid=(G,),
        in_specs=[
            pl.BlockSpec((B, 16), lambda i: (i, 0)),
            pl.BlockSpec((B, 16), lambda i: (i + G, 0)),
            pl.BlockSpec((B, 16), lambda i: (i, 0)),
            pl.BlockSpec((B, 16), lambda i: (i, 0)),
            blk(2 * D, D), blk(2 * D, D), blk(2 * D, D),
            blk(1, D), blk(1, D), blk(1, D),
            blk(1, D), blk(1, D), blk(1, D),
            blk(1, D), blk(1, D), blk(1, D),
            blk(1, 16), blk(D, 1), blk(1, 1),
        ],
        out_specs=pl.BlockSpec((B,), lambda i: (i,)),
        out_shape=jax.ShapeDtypeStruct((N,), jnp.float32),
    )(a_flat, a_flat, y, d16, Lz, Lr, Lh, Wz, Wr, Wh,
      bz_conv.reshape(1, D), br_conv.reshape(1, D), bh_conv.reshape(1, D),
      bz.reshape(1, D), br.reshape(1, D), bh.reshape(1, D),
      att_pad, W_out, b_out.reshape(1, 1))

    return outp

# --- scband reference (transcript-rebuilt; emitter-appended) ---
"""Pipeline reference for scband-a3-tgcnmodel-11742440587921 (READ-ONLY COPY).

The authoritative reference and input builder live on the scoring server;
editing this copy changes nothing except your own understanding.
"""

import jax, jax.numpy as jnp
import numpy as np

N = 50000
E = 800000
D = 64
P = 10


def setup_inputs(seed: int = 0) -> dict:
    key = jax.random.key(seed)
    ks = jax.random.split(key, 20)
    s = 0.1
    inp = {
        'x': jax.random.normal(ks[0], (N, 1, P), dtype=jnp.float32),
        'edge_index': jax.random.randint(ks[1], (2, E), 0, N, dtype=jnp.int32),
        'attention': jax.random.uniform(ks[2], (P,), dtype=jnp.float32),
        # GCNConv weights for z, r, h gates: [in=1, out=D] plus conv bias [D]
        'Wz': jax.random.normal(ks[3], (1, D), dtype=jnp.float32) * s,
        'bz_conv': jnp.zeros((D,), dtype=jnp.float32),
        'Wr': jax.random.normal(ks[4], (1, D), dtype=jnp.float32) * s,
        'br_conv': jnp.zeros((D,), dtype=jnp.float32),
        'Wh': jax.random.normal(ks[5], (1, D), dtype=jnp.float32) * s,
        'bh_conv': jnp.zeros((D,), dtype=jnp.float32),
        # Linear layers of TGCN cell: [2D, D] plus bias [D]
        'Lz': jax.random.normal(ks[6], (2 * D, D), dtype=jnp.float32) * s,
        'bz': jnp.zeros((D,), dtype=jnp.float32),
        'Lr': jax.random.normal(ks[7], (2 * D, D), dtype=jnp.float32) * s,
        'br': jnp.zeros((D,), dtype=jnp.float32),
        'Lh': jax.random.normal(ks[8], (2 * D, D), dtype=jnp.float32) * s,
        'bh': jnp.zeros((D,), dtype=jnp.float32),
        # final readout linear [D, 1] + bias [1]
        'W_out': jax.random.normal(ks[9], (D, 1), dtype=jnp.float32) * s,
        'b_out': jnp.zeros((1,), dtype=jnp.float32),
    }
    return inp


def _gcn(xw, src, dst, dinv, b):
    # GCNConv with self-loops and symmetric normalization, edge_weight = 1
    norm = dinv[src] * dinv[dst]
    agg = jnp.zeros_like(xw).at[dst].add(xw[src] * norm[:, None])
    agg = agg + xw * (dinv * dinv)[:, None]  # self-loop contribution
    return agg + b


def reference(x, edge_index, attention, Wz, bz_conv, Wr, br_conv, Wh, bh_conv,
              Lz, bz, Lr, br, Lh, bh, W_out, b_out):
    src = edge_index[0]
    dst = edge_index[1]
    n = x.shape[0]
    deg = jnp.zeros((n,), dtype=jnp.float32).at[dst].add(1.0) + 1.0  # +1 self-loop
    dinv = jnp.where(deg > 0, 1.0 / jnp.sqrt(deg), 0.0)

    def cell(x_t, H):
        cz = _gcn(x_t @ Wz, src, dst, dinv, bz_conv)
        Z = jax.nn.sigmoid(jnp.concatenate([cz, H], axis=1) @ Lz + bz)
        cr = _gcn(x_t @ Wr, src, dst, dinv, br_conv)
        R = jax.nn.sigmoid(jnp.concatenate([cr, H], axis=1) @ Lr + br)
        ch = _gcn(x_t @ Wh, src, dst, dinv, bh_conv)
        H_tilde = jnp.tanh(jnp.concatenate([ch, H * R], axis=1) @ Lh + bh)
        return Z * H + (1.0 - Z) * H_tilde

    probs = jax.nn.softmax(attention)
    H = jnp.zeros((n, D), dtype=jnp.float32)
    H_accum = jnp.zeros((n, D), dtype=jnp.float32)
    for p in range(P):
        H = cell(x[:, :, p], H)
        H_accum = H_accum + probs[p] * H

    out = jax.nn.relu(H_accum)
    out = out @ W_out + b_out
    return out.squeeze(-1)

if __name__ == "__main__":
    import jax
    _d = setup_inputs()
    print(jax.jit(kernel)(*tuple(_d.values())))

</pallas_src>

<mosaic_0001>
#map = affine_map<(d0, d1) -> (0, 0)>
#map1 = affine_map<(d0, d1) -> (0)>
module attributes {stable_mosaic.version = 14 : i64} {
  func.func @_sc_deg_body(%arg0: i32, %arg1: i32, %arg2: memref<12500x128xi32, #tpu.memory_space<hbm>>, %arg3: memref<51200xf32, #tpu.memory_space<hbm>>, %arg4: memref<102400xf32, #tpu.memory_space<hbm>>, %arg5: memref<51200xf32, #tpu.memory_space<vmem_shared>>, %arg6: memref<128xi32, #tpu.memory_space<vmem>>, %arg7: memref<128xi32, #tpu.memory_space<vmem>>, %arg8: memref<128xf32, #tpu.memory_space<vmem>>, %arg9: memref<3200xf32, #tpu.memory_space<vmem>>, %arg10: memref<!tpu.dma_semaphore, #tpu.memory_space<semaphore_mem>>, %arg11: memref<!tpu.dma_semaphore, #tpu.memory_space<semaphore_mem>>) attributes {dimension_semantics = [#tpu.dimension_semantics<core_parallel>, #tpu.dimension_semantics<subcore_parallel>], iteration_bounds = array<i64: 2, 16>, scalar_prefetch = 0 : i64, scratch_operands = 7 : i64, tpu.core_type = #tpu.core_type<sc_vector_subcore>, window_params = [{transform_indices = #map}, {transform_indices = #map1}, {transform_indices = #map1}]} {
    %mul3A = arith.constant 16 : i32
    %mul3A_0 = arith.muli %arg0, %mul3A : i32
    %add3A = arith.addi %mul3A_0, %arg1 : i32
    %broadcast_in_dim3A = arith.constant 1.000000e+00 : f32
    %broadcast_in_dim3A_1 = vector.broadcast %broadcast_in_dim3A : f32 to vector<16xf32>
    %swap3A = arith.constant 0 : index
    %swap3A_2 = tpu.vector_load %arg8[%swap3A] {strides = array<i32>} : memref<128xf32, #tpu.memory_space<vmem>>, vector<16xf32>,
    %swap3A_3 = vector.shape_cast %swap3A_2 : vector<16xf32> to vector<16xf32>
    %swap3A_4 = vector.shape_cast %broadcast_in_dim3A_1 : vector<16xf32> to vector<16xf32>
    tpu.vector_store %arg8[%swap3A], %swap3A_4 {strides = array<i32>} : memref<128xf32, #tpu.memory_space<vmem>>, vector<16xf32>,
    %broadcast_in_dim3A_5 = arith.constant 1.000000e+00 : f32
    %broadcast_in_dim3A_6 = vector.broadcast %broadcast_in_dim3A_5 : f32 to vector<16xf32>
    %swap3A_7 = arith.constant 16 : index
    %swap3A_8 = tpu.vector_load %arg8[%swap3A_7] {strides = array<i32>} : memref<128xf32, #tpu.memory_space<vmem>>, vector<16xf32>,
    %swap3A_9 = vector.shape_cast %swap3A_8 : vector<16xf32> to vector<16xf32>
    %swap3A_10 = vector.shape_cast %broadcast_in_dim3A_6 : vector<16xf32> to vector<16xf32>
    tpu.vector_store %arg8[%swap3A_7], %swap3A_10 {strides = array<i32>} : memref<128xf32, #tpu.memory_space<vmem>>, vector<16xf32>,
    %broadcast_in_dim3A_11 = arith.constant 1.000000e+00 : f32
    %broadcast_in_dim3A_12 = vector.broadcast %broadcast_in_dim3A_11 : f32 to vector<16xf32>
    %swap3A_13 = arith.constant 32 : index
    %swap3A_14 = tpu.vector_load %arg8[%swap3A_13] {strides = array<i32>} : memref<128xf32, #tpu.memory_space<vmem>>, vector<16xf32>,
    %swap3A_15 = vector.shape_cast %swap3A_14 : vector<16xf32> to vector<16xf32>
    %swap3A_16 = vector.shape_cast %broadcast_in_dim3A_12 : vector<16xf32> to vector<16xf32>
    tpu.vector_store %arg8[%swap3A_13], %swap3A_16 {strides = array<i32>} : memref<128xf32, #tpu.memory_space<vmem>>, vector<16xf32>,
    %broadcast_in_dim3A_17 = arith.constant 1.000000e+00 : f32
    %broadcast_in_dim3A_18 = vector.broadcast %broadcast_in_dim3A_17 : f32 to vector<16xf32>
    %swap3A_19 = arith.constant 48 : index
    %swap3A_20 = tpu.vector_load %arg8[%swap3A_19] {strides = array<i32>} : memref<128xf32, #tpu.memory_space<vmem>>, vector<16xf32>,
    %swap3A_21 = vector.shape_cast %swap3A_20 : vector<16xf32> to vector<16xf32>
    %swap3A_22 = vector.shape_cast %broadcast_in_dim3A_18 : vector<16xf32> to vector<16xf32>
    tpu.vector_store %arg8[%swap3A_19], %swap3A_22 {strides = array<i32>} : memref<128xf32, #tpu.memory_space<vmem>>, vector<16xf32>,
    %broadcast_in_dim3A_23 = arith.constant 1.000000e+00 : f32
    %broadcast_in_dim3A_24 = vector.broadcast %broadcast_in_dim3A_23 : f32 to vector<16xf32>
    %swap3A_25 = arith.constant 64 : index
    %swap3A_26 = tpu.vector_load %arg8[%swap3A_25] {strides = array<i32>} : memref<128xf32, #tpu.memory_space<vmem>>, vector<16xf32>,
    %swap3A_27 = vector.shape_cast %swap3A_26 : vector<16xf32> to vector<16xf32>
    %swap3A_28 = vector.shape_cast %broadcast_in_dim3A_24 : vector<16xf32> to vector<16xf32>
    tpu.vector_store %arg8[%swap3A_25], %swap3A_28 {strides = array<i32>} : memref<128xf32, #tpu.memory_space<vmem>>, vector<16xf32>,
    %broadcast_in_dim3A_29 = arith.constant 1.000000e+00 : f32
    %broadcast_in_dim3A_30 = vector.broadcast %broadcast_in_dim3A_29 : f32 to vector<16xf32>
    %swap3A_31 = arith.constant 80 : index
    %swap3A_32 = tpu.vector_load %arg8[%swap3A_31] {strides = array<i32>} : memref<128xf32, #tpu.memory_space<vmem>>, vector<16xf32>,
    %swap3A_33 = vector.shape_cast %swap3A_32 : vector<16xf32> to vector<16xf32>
    %swap3A_34 = vector.shape_cast %broadcast_in_dim3A_30 : vector<16xf32> to vector<16xf32>
    tpu.vector_store %arg8[%swap3A_31], %swap3A_34 {strides = array<i32>} : memref<128xf32, #tpu.memory_space<vmem>>, vector<16xf32>,
    %broadcast_in_dim3A_35 = arith.constant 1.000000e+00 : f32
    %broadcast_in_dim3A_36 = vector.broadcast %broadcast_in_dim3A_35 : f32 to vector<16xf32>
    %swap3A_37 = arith.constant 96 : index
    %swap3A_38 = tpu.vector_load %arg8[%swap3A_37] {strides = array<i32>} : memref<128xf32, #tpu.memory_space<vmem>>, vector<16xf32>,
    %swap3A_39 = vector.shape_cast %swap3A_38 : vector<16xf32> to vector<16xf32>
    %swap3A_40 = vector.shape_cast %broadcast_in_dim3A_36 : vector<16xf32> to vector<16xf32>
    tpu.vector_store %arg8[%swap3A_37], %swap3A_40 {strides = array<i32>} : memref<128xf32, #tpu.memory_space<vmem>>, vector<16xf32>,
    %broadcast_in_dim3A_41 = arith.constant 1.000000e+00 : f32
    %broadcast_in_dim3A_42 = vector.broadcast %broadcast_in_dim3A_41 : f32 to vector<16xf32>
    %swap3A_43 = arith.constant 112 : index
    %swap3A_44 = tpu.vector_load %arg8[%swap3A_43] {strides = array<i32>} : memref<128xf32, #tpu.memory_space<vmem>>, vector<16xf32>,
    %swap3A_45 = vector.shape_cast %swap3A_44 : vector<16xf32> to vector<16xf32>
    %swap3A_46 = vector.shape_cast %broadcast_in_dim3A_42 : vector<16xf32> to vector<16xf32>
    tpu.vector_store %arg8[%swap3A_43], %swap3A_46 {strides = array<i32>} : memref<128xf32, #tpu.memory_space<vmem>>, vector<16xf32>,
    %mul3A_47 = arith.constant 3200 : i32
    %mul3A_48 = arith.muli %arg1, %mul3A_47 : i32
    "tpu.region"() ({
      %run_scoped3A = tpu.sem_alloc : memref<!tpu.dma_semaphore, #tpu.memory_space<semaphore_mem>>
      %dma_start3A = tpu.memref_slice %arg3[%mul3A_48] : memref<51200xf32, #tpu.memory_space<hbm>> -> memref<3200xf32, #tpu.memory_space<hbm>>
      %dma_start3A_92 = tpu.memref_slice %arg3[%mul3A_48] : memref<51200xf32, #tpu.memory_space<hbm>> -> memref<3200xf32, #tpu.memory_space<hbm>>
      tpu.enqueue_dma source(%dma_start3A_92 : memref<3200xf32, #tpu.memory_space<hbm>>) target(%arg9 : memref<3200xf32, #tpu.memory_space<vmem>>) target_semaphore(%run_scoped3A : memref<!tpu.dma_semaphore, #tpu.memory_space<semaphore_mem>>)
      %dma_wait3A = tpu.memref_slice %arg3[%mul3A_48] : memref<51200xf32, #tpu.memory_space<hbm>> -> memref<3200xf32, #tpu.memory_space<hbm>>
      %dma_wait3A_93 = tpu.memref_slice %arg3[%mul3A_48] : memref<51200xf32, #tpu.memory_space<hbm>> -> memref<3200xf32, #tpu.memory_space<hbm>>
      tpu.wait_dma2 semaphore(%run_scoped3A : memref<!tpu.dma_semaphore, #tpu.memory_space<semaphore_mem>>) src(%dma_wait3A_93 : memref<3200xf32, #tpu.memory_space<hbm>>) dst(%arg9 : memref<3200xf32, #tpu.memory_space<vmem>>)
      tpu.yield
    }) : () -> ()
    %mul3A_49 = arith.constant 3200 : i32
    %mul3A_50 = arith.muli %arg1, %mul3A_49 : i32
    "tpu.region"() ({
      %run_scoped3A = tpu.sem_alloc : memref<!tpu.dma_semaphore, #tpu.memory_space<semaphore_mem>>
      %dma_start3A = tpu.memref_slice %arg5[%mul3A_50] : memref<51200xf32, #tpu.memory_space<vmem_shared>> -> memref<3200xf32, #tpu.memory_space<vmem_shared>>
      %dma_start3A_92 = tpu.memref_slice %arg5[%mul3A_50] : memref<51200xf32, #tpu.memory_space<vmem_shared>> -> memref<3200xf32, #tpu.memory_space<vmem_shared>>
      tpu.enqueue_dma source(%arg9 : memref<3200xf32, #tpu.memory_space<vmem>>) target(%dma_start3A_92 : memref<3200xf32, #tpu.memory_space<vmem_shared>>) target_semaphore(%run_scoped3A : memref<!tpu.dma_semaphore, #tpu.memory_space<semaphore_mem>>)
      %dma_wait3A = tpu.memref_slice %arg5[%mul3A_50] : memref<51200xf32, #tpu.memory_space<vmem_shared>> -> memref<3200xf32, #tpu.memory_space<vmem_shared>>
      %dma_wait3A_93 = tpu.memref_slice %arg5[%mul3A_50] : memref<51200xf32, #tpu.memory_space<vmem_shared>> -> memref<3200xf32, #tpu.memory_space<vmem_shared>>
      tpu.wait_dma2 semaphore(%run_scoped3A : memref<!tpu.dma_semaphore, #tpu.memory_space<semaphore_mem>>) src(%arg9 : memref<3200xf32, #tpu.memory_space<vmem>>) dst(%dma_wait3A_93 : memref<3200xf32, #tpu.memory_space<vmem_shared>>)
      tpu.yield
    }) : () -> ()
    %barrier3A = arith.constant 0 : index
    tpu.barrier barrier_id(%barrier3A)
    %mul3A_51 = arith.constant 196 : i32
    %mul3A_52 = arith.muli %add3A, %mul3A_51 : i32
    %lt3A = arith.constant 6250 : i32
    %lt3A_53 = arith.cmpi slt, %mul3A_52, %lt3A : i32
    %convert_element_type3A = arith.extui %lt3A_53 : i1 to i32
    %cond3A = arith.constant 0 : i32
    %cond3A_54 = arith.cmpi ne, %convert_element_type3A, %cond3A : i32
    scf.if %cond3A_54 {
      %add3A_92 = arith.constant 6250 : i32
      %add3A_93 = arith.addi %add3A_92, %mul3A_52 : i32
      %dma_start3A = arith.constant 0 : i32
      %dma_start3A_94 = tpu.memref_slice %arg2[%add3A_93, %dma_start3A] : memref<12500x128xi32, #tpu.memory_space<hbm>> -> memref<1x128xi32, #tpu.memory_space<hbm>>
      %dma_start3A_95 = tpu.memref_squeeze %dma_start3A_94 : memref<1x128xi32, #tpu.memory_space<hbm>> -> memref<128xi32, #tpu.memory_space<hbm>>
      %dma_start3A_96 = arith.constant 0 : i32
      %dma_start3A_97 = tpu.memref_slice %arg2[%add3A_93, %dma_start3A_96] : memref<12500x128xi32, #tpu.memory_space<hbm>> -> memref<1x128xi32, #tpu.memory_space<hbm>>
      %dma_start3A_98 = tpu.memref_squeeze %dma_start3A_97 : memref<1x128xi32, #tpu.memory_space<hbm>> -> memref<128xi32, #tpu.memory_space<hbm>>
      tpu.enqueue_dma source(%dma_start3A_98 : memref<128xi32, #tpu.memory_space<hbm>>) target(%arg6 : memref<128xi32, #tpu.memory_space<vmem>>) target_semaphore(%arg10 : memref<!tpu.dma_semaphore, #tpu.memory_space<semaphore_mem>>)
    } else {
    }
    %add3A_55 = arith.constant 1 : i32
    %add3A_56 = arith.addi %mul3A_52, %add3A_55 : i32
    %lt3A_57 = arith.constant 6250 : i32
    %lt3A_58 = arith.cmpi slt, %add3A_56, %lt3A_57 : i32
    %convert_element_type3A_59 = arith.extui %lt3A_58 : i1 to i32
    %cond3A_60 = arith.constant 0 : i32
    %cond3A_61 = arith.cmpi ne, %convert_element_type3A_59, %cond3A_60 : i32
    scf.if %cond3A_61 {
      %add3A_92 = arith.constant 6250 : i32
      %add3A_93 = arith.addi %add3A_92, %add3A_56 : i32
      %dma_start3A = arith.constant 0 : i32
      %dma_start3A_94 = tpu.memref_slice %arg2[%add3A_93, %dma_start3A] : memref<12500x128xi32, #tpu.memory_space<hbm>> -> memref<1x128xi32, #tpu.memory_space<hbm>>
      %dma_start3A_95 = tpu.memref_squeeze %dma_start3A_94 : memref<1x128xi32, #tpu.memory_space<hbm>> -> memref<128xi32, #tpu.memory_space<hbm>>
      %dma_start3A_96 = arith.constant 0 : i32
      %dma_start3A_97 = tpu.memref_slice %arg2[%add3A_93, %dma_start3A_96] : memref<12500x128xi32, #tpu.memory_space<hbm>> -> memref<1x128xi32, #tpu.memory_space<hbm>>
      %dma_start3A_98 = tpu.memref_squeeze %dma_start3A_97 : memref<1x128xi32, #tpu.memory_space<hbm>> -> memref<128xi32, #tpu.memory_space<hbm>>
      tpu.enqueue_dma source(%dma_start3A_98 : memref<128xi32, #tpu.memory_space<hbm>>) target(%arg7 : memref<128xi32, #tpu.memory_space<vmem>>) target_semaphore(%arg11 : memref<!tpu.dma_semaphore, #tpu.memory_space<semaphore_mem>>)
    } else {
    }
    %scan3A = arith.constant 0 : i32
    %scan3A_62 = arith.constant 0 : i32
    %scan3A_63 = arith.constant 97 : i32
    %scan3A_64 = arith.addi %scan3A_62, %scan3A_63 : i32
    %scan3A_65 = arith.constant 1 : i32
    scf.for %scan3A_92 = %scan3A_62 to %scan3A_64 step %scan3A_65  : i32 {
      %mul3A_93 = arith.constant 2 : i32
      %mul3A_94 = arith.muli %mul3A_93, %scan3A_92 : i32
      %add3A_95 = arith.addi %mul3A_52, %mul3A_94 : i32
      %lt3A_96 = arith.constant 6250 : i32
      %lt3A_97 = arith.cmpi slt, %add3A_95, %lt3A_96 : i32
      %convert_element_type3A_98 = arith.extui %lt3A_97 : i1 to i32
      %cond3A_99 = arith.constant 0 : i32
      %cond3A_100 = arith.cmpi ne, %convert_element_type3A_98, %cond3A_99 : i32
      scf.if %cond3A_100 {
        %dma_wait3A = arith.constant 0 : i32
        %dma_wait3A_122 = arith.constant 0 : i32
        %dma_wait3A_123 = tpu.memref_slice %arg2[%dma_wait3A, %dma_wait3A_122] : memref<12500x128xi32, #tpu.memory_space<hbm>> -> memref<1x128xi32, #tpu.memory_space<hbm>>
        %dma_wait3A_124 = tpu.memref_squeeze %dma_wait3A_123 : memref<1x128xi32, #tpu.memory_space<hbm>> -> memref<128xi32, #tpu.memory_space<hbm>>
        %dma_wait3A_125 = arith.constant 0 : i32
        %dma_wait3A_126 = tpu.memref_slice %arg2[%dma_wait3A, %dma_wait3A_125] : memref<12500x128xi32, #tpu.memory_space<hbm>> -> memref<1x128xi32, #tpu.memory_space<hbm>>
        %dma_wait3A_127 = tpu.memref_squeeze %dma_wait3A_126 : memref<1x128xi32, #tpu.memory_space<hbm>> -> memref<128xi32, #tpu.memory_space<hbm>>
        tpu.wait_dma2 semaphore(%arg10 : memref<!tpu.dma_semaphore, #tpu.memory_space<semaphore_mem>>) src(%dma_wait3A_127 : memref<128xi32, #tpu.memory_space<hbm>>) dst(%arg6 : memref<128xi32, #tpu.memory_space<vmem>>)
        "tpu.region"() ({
          %run_scoped3A = tpu.sem_alloc : memref<!tpu.dma_semaphore, #tpu.memory_space<semaphore_mem>>
          %dma_start3A = arith.constant 0 : i32
          %dma_start3A_128 = tpu.memref_slice %arg5[%dma_start3A] : memref<51200xf32, #tpu.memory_space<vmem_shared>> -> memref<51200xf32, #tpu.memory_space<vmem_shared>>
          tpu.enqueue_indirect_dma source(%arg8 : memref<128xf32, #tpu.memory_space<vmem>>) target(%dma_start3A_128 : memref<51200xf32, #tpu.memory_space<vmem_shared>>) offsets(%arg6 : memref<128xi32, #tpu.memory_space<vmem>>) semaphore(%run_scoped3A : memref<!tpu.dma_semaphore, #tpu.memory_space<semaphore_mem>>) {add = true}
          %dma_wait3A_129 = arith.constant 0 : i32
          %dma_wait3A_130 = tpu.memref_slice %arg5[%dma_wait3A_129] : memref<51200xf32, #tpu.memory_space<vmem_shared>> -> memref<51200xf32, #tpu.memory_space<vmem_shared>>
          tpu.wait_indirect_dma semaphore(%run_scoped3A : memref<!tpu.dma_semaphore, #tpu.memory_space<semaphore_mem>>) src(%arg8 : memref<128xf32, #tpu.memory_space<vmem>>) dst(%dma_wait3A_130 : memref<51200xf32, #tpu.memory_space<vmem_shared>>)
          tpu.yield
        }) : () -> ()
      } else {
      }
      %add3A_101 = arith.constant 2 : i32
      %add3A_102 = arith.addi %add3A_95, %add3A_101 : i32
      %lt3A_103 = arith.constant 6250 : i32
      %lt3A_104 = arith.cmpi slt, %add3A_102, %lt3A_103 : i32
      %convert_element_type3A_105 = arith.extui %lt3A_104 : i1 to i32
      %cond3A_106 = arith.constant 0 : i32
      %cond3A_107 = arith.cmpi ne, %convert_element_type3A_105, %cond3A_106 : i32
      scf.if %cond3A_107 {
        %add3A_122 = arith.constant 6250 : i32
        %add3A_123 = arith.addi %add3A_122, %add3A_102 : i32
        %dma_start3A = arith.constant 0 : i32
        %dma_start3A_124 = tpu.memref_slice %arg2[%add3A_123, %dma_start3A] : memref<12500x128xi32, #tpu.memory_space<hbm>> -> memref<1x128xi32, #tpu.memory_space<hbm>>
        %dma_start3A_125 = tpu.memref_squeeze %dma_start3A_124 : memref<1x128xi32, #tpu.memory_space<hbm>> -> memref<128xi32, #tpu.memory_space<hbm>>
        %dma_start3A_126 = arith.constant 0 : i32
        %dma_start3A_127 = tpu.memref_slice %arg2[%add3A_123, %dma_start3A_126] : memref<12500x128xi32, #tpu.memory_space<hbm>> -> memref<1x128xi32, #tpu.memory_space<hbm>>
        %dma_start3A_128 = tpu.memref_squeeze %dma_start3A_127 : memref<1x128xi32, #tpu.memory_space<hbm>> -> memref<128xi32, #tpu.memory_space<hbm>>
        tpu.enqueue_dma source(%dma_start3A_128 : memref<128xi32, #tpu.memory_space<hbm>>) target(%arg6 : memref<128xi32, #tpu.memory_space<vmem>>) target_semaphore(%arg10 : memref<!tpu.dma_semaphore, #tpu.memory_space<semaphore_mem>>)
      } else {
      }
      %add3A_108 = arith.constant 1 : i32
      %add3A_109 = arith.addi %add3A_95, %add3A_108 : i32
      %lt3A_110 = arith.constant 6250 : i32
      %lt3A_111 = arith.cmpi slt, %add3A_109, %lt3A_110 : i32
      %convert_element_type3A_112 = arith.extui %lt3A_111 : i1 to i32
      %cond3A_113 = arith.constant 0 : i32
      %cond3A_114 = arith.cmpi ne, %convert_element_type3A_112, %cond3A_113 : i32
      scf.if %cond3A_114 {
        %dma_wait3A = arith.constant 0 : i32
        %dma_wait3A_122 = arith.constant 0 : i32
        %dma_wait3A_123 = tpu.memref_slice %arg2[%dma_wait3A, %dma_wait3A_122] : memref<12500x128xi32, #tpu.memory_space<hbm>> -> memref<1x128xi32, #tpu.memory_space<hbm>>
        %dma_wait3A_124 = tpu.memref_squeeze %dma_wait3A_123 : memref<1x128xi32, #tpu.memory_space<hbm>> -> memref<128xi32, #tpu.memory_space<hbm>>
        %dma_wait3A_125 = arith.constant 0 : i32
        %dma_wait3A_126 = tpu.memref_slice %arg2[%dma_wait3A, %dma_wait3A_125] : memref<12500x128xi32, #tpu.memory_space<hbm>> -> memref<1x128xi32, #tpu.memory_space<hbm>>
        %dma_wait3A_127 = tpu.memref_squeeze %dma_wait3A_126 : memref<1x128xi32, #tpu.memory_space<hbm>> -> memref<128xi32, #tpu.memory_space<hbm>>
        tpu.wait_dma2 semaphore(%arg11 : memref<!tpu.dma_semaphore, #tpu.memory_space<semaphore_mem>>) src(%dma_wait3A_127 : memref<128xi32, #tpu.memory_space<hbm>>) dst(%arg7 : memref<128xi32, #tpu.memory_space<vmem>>)
        "tpu.region"() ({
          %run_scoped3A = tpu.sem_alloc : memref<!tpu.dma_semaphore, #tpu.memory_space<semaphore_mem>>
          %dma_start3A = arith.constant 0 : i32
          %dma_start3A_128 = tpu.memref_slice %arg5[%dma_start3A] : memref<51200xf32, #tpu.memory_space<vmem_shared>> -> memref<51200xf32, #tpu.memory_space<vmem_shared>>
          tpu.enqueue_indirect_dma source(%arg8 : memref<128xf32, #tpu.memory_space<vmem>>) target(%dma_start3A_128 : memref<51200xf32, #tpu.memory_space<vmem_shared>>) offsets(%arg7 : memref<128xi32, #tpu.memory_space<vmem>>) semaphore(%run_scoped3A : memref<!tpu.dma_semaphore, #tpu.memory_space<semaphore_mem>>) {add = true}
          %dma_wait3A_129 = arith.constant 0 : i32
          %dma_wait3A_130 = tpu.memref_slice %arg5[%dma_wait3A_129] : memref<51200xf32, #tpu.memory_space<vmem_shared>> -> memref<51200xf32, #tpu.memory_space<vmem_shared>>
          tpu.wait_indirect_dma semaphore(%run_scoped3A : memref<!tpu.dma_semaphore, #tpu.memory_space<semaphore_mem>>) src(%arg8 : memref<128xf32, #tpu.memory_space<vmem>>) dst(%dma_wait3A_130 : memref<51200xf32, #tpu.memory_space<vmem_shared>>)
          tpu.yield
        }) : () -> ()
      } else {
      }
      %add3A_115 = arith.constant 3 : i32
      %add3A_116 = arith.addi %add3A_95, %add3A_115 : i32
      %lt3A_117 = arith.constant 6250 : i32
      %lt3A_118 = arith.cmpi slt, %add3A_116, %lt3A_117 : i32
      %convert_element_type3A_119 = arith.extui %lt3A_118 : i1 to i32
      %cond3A_120 = arith.constant 0 : i32
      %cond3A_121 = arith.cmpi ne, %convert_element_type3A_119, %cond3A_120 : i32
      scf.if %cond3A_121 {
        %add3A_122 = arith.constant 6250 : i32
        %add3A_123 = arith.addi %add3A_122, %add3A_116 : i32
        %dma_start3A = arith.constant 0 : i32
        %dma_start3A_124 = tpu.memref_slice %arg2[%add3A_123, %dma_start3A] : memref<12500x128xi32, #tpu.memory_space<hbm>> -> memref<1x128xi32, #tpu.memory_space<hbm>>
        %dma_start3A_125 = tpu.memref_squeeze %dma_start3A_124 : memref<1x128xi32, #tpu.memory_space<hbm>> -> memref<128xi32, #tpu.memory_space<hbm>>
        %dma_start3A_126 = arith.constant 0 : i32
        %dma_start3A_127 = tpu.memref_slice %arg2[%add3A_123, %dma_start3A_126] : memref<12500x128xi32, #tpu.memory_space<hbm>> -> memref<1x128xi32, #tpu.memory_space<hbm>>
        %dma_start3A_128 = tpu.memref_squeeze %dma_start3A_127 : memref<1x128xi32, #tpu.memory_space<hbm>> -> memref<128xi32, #tpu.memory_space<hbm>>
        tpu.enqueue_dma source(%dma_start3A_128 : memref<128xi32, #tpu.memory_space<hbm>>) target(%arg7 : memref<128xi32, #tpu.memory_space<vmem>>) target_semaphore(%arg11 : memref<!tpu.dma_semaphore, #tpu.memory_space<semaphore_mem>>)
      } else {
      }
    }
    %scan3A_66 = arith.constant 97 : i32
    %add3A_67 = arith.constant 196 : i32
    %add3A_68 = arith.addi %mul3A_52, %add3A_67 : i32
    %sub3A = arith.constant 2 : i32
    %sub3A_69 = arith.subi %add3A_68, %sub3A : i32
    %lt3A_70 = arith.constant 6250 : i32
    %lt3A_71 = arith.cmpi slt, %sub3A_69, %lt3A_70 : i32
    %convert_element_type3A_72 = arith.extui %lt3A_71 : i1 to i32
    %cond3A_73 = arith.constant 0 : i32
    %cond3A_74 = arith.cmpi ne, %convert_element_type3A_72, %cond3A_73 : i32
    scf.if %cond3A_74 {
      %dma_wait3A = arith.constant 0 : i32
      %dma_wait3A_92 = arith.constant 0 : i32
      %dma_wait3A_93 = tpu.memref_slice %arg2[%dma_wait3A, %dma_wait3A_92] : memref<12500x128xi32, #tpu.memory_space<hbm>> -> memref<1x128xi32, #tpu.memory_space<hbm>>
      %dma_wait3A_94 = tpu.memref_squeeze %dma_wait3A_93 : memref<1x128xi32, #tpu.memory_space<hbm>> -> memref<128xi32, #tpu.memory_space<hbm>>
      %dma_wait3A_95 = arith.constant 0 : i32
      %dma_wait3A_96 = tpu.memref_slice %arg2[%dma_wait3A, %dma_wait3A_95] : memref<12500x128xi32, #tpu.memory_space<hbm>> -> memref<1x128xi32, #tpu.memory_space<hbm>>
      %dma_wait3A_97 = tpu.memref_squeeze %dma_wait3A_96 : memref<1x128xi32, #tpu.memory_space<hbm>> -> memref<128xi32, #tpu.memory_space<hbm>>
      tpu.wait_dma2 semaphore(%arg10 : memref<!tpu.dma_semaphore, #tpu.memory_space<semaphore_mem>>) src(%dma_wait3A_97 : memref<128xi32, #tpu.memory_space<hbm>>) dst(%arg6 : memref<128xi32, #tpu.memory_space<vmem>>)
      "tpu.region"() ({
        %run_scoped3A = tpu.sem_alloc : memref<!tpu.dma_semaphore, #tpu.memory_space<semaphore_mem>>
        %dma_start3A = arith.constant 0 : i32
        %dma_start3A_98 = tpu.memref_slice %arg5[%dma_start3A] : memref<51200xf32, #tpu.memory_space<vmem_shared>> -> memref<51200xf32, #tpu.memory_space<vmem_shared>>
        tpu.enqueue_indirect_dma source(%arg8 : memref<128xf32, #tpu.memory_space<vmem>>) target(%dma_start3A_98 : memref<51200xf32, #tpu.memory_space<vmem_shared>>) offsets(%arg6 : memref<128xi32, #tpu.memory_space<vmem>>) semaphore(%run_scoped3A : memref<!tpu.dma_semaphore, #tpu.memory_space<semaphore_mem>>) {add = true}
        %dma_wait3A_99 = arith.constant 0 : i32
        %dma_wait3A_100 = tpu.memref_slice %arg5[%dma_wait3A_99] : memref<51200xf32, #tpu.memory_space<vmem_shared>> -> memref<51200xf32, #tpu.memory_space<vmem_shared>>
        tpu.wait_indirect_dma semaphore(%run_scoped3A : memref<!tpu.dma_semaphore, #tpu.memory_space<semaphore_mem>>) src(%arg8 : memref<128xf32, #tpu.memory_space<vmem>>) dst(%dma_wait3A_100 : memref<51200xf32, #tpu.memory_space<vmem_shared>>)
        tpu.yield
      }) : () -> ()
    } else {
    }
    %add3A_75 = arith.constant 196 : i32
    %add3A_76 = arith.addi %mul3A_52, %add3A_75 : i32
    %sub3A_77 = arith.constant 1 : i32
    %sub3A_78 = arith.subi %add3A_76, %sub3A_77 : i32
    %lt3A_79 = arith.constant 6250 : i32
    %lt3A_80 = arith.cmpi slt, %sub3A_78, %lt3A_79 : i32
    %convert_element_type3A_81 = arith.extui %lt3A_80 : i1 to i32
    %cond3A_82 = arith.constant 0 : i32
    %cond3A_83 = arith.cmpi ne, %convert_element_type3A_81, %cond3A_82 : i32
    scf.if %cond3A_83 {
      %dma_wait3A = arith.constant 0 : i32
      %dma_wait3A_92 = arith.constant 0 : i32
      %dma_wait3A_93 = tpu.memref_slice %arg2[%dma_wait3A, %dma_wait3A_92] : memref<12500x128xi32, #tpu.memory_space<hbm>> -> memref<1x128xi32, #tpu.memory_space<hbm>>
      %dma_wait3A_94 = tpu.memref_squeeze %dma_wait3A_93 : memref<1x128xi32, #tpu.memory_space<hbm>> -> memref<128xi32, #tpu.memory_space<hbm>>
      %dma_wait3A_95 = arith.constant 0 : i32
      %dma_wait3A_96 = tpu.memref_slice %arg2[%dma_wait3A, %dma_wait3A_95] : memref<12500x128xi32, #tpu.memory_space<hbm>> -> memref<1x128xi32, #tpu.memory_space<hbm>>
      %dma_wait3A_97 = tpu.memref_squeeze %dma_wait3A_96 : memref<1x128xi32, #tpu.memory_space<hbm>> -> memref<128xi32, #tpu.memory_space<hbm>>
      tpu.wait_dma2 semaphore(%arg11 : memref<!tpu.dma_semaphore, #tpu.memory_space<semaphore_mem>>) src(%dma_wait3A_97 : memref<128xi32, #tpu.memory_space<hbm>>) dst(%arg7 : memref<128xi32, #tpu.memory_space<vmem>>)
      "tpu.region"() ({
        %run_scoped3A = tpu.sem_alloc : memref<!tpu.dma_semaphore, #tpu.memory_space<semaphore_mem>>
        %dma_start3A = arith.constant 0 : i32
        %dma_start3A_98 = tpu.memref_slice %arg5[%dma_start3A] : memref<51200xf32, #tpu.memory_space<vmem_shared>> -> memref<51200xf32, #tpu.memory_space<vmem_shared>>
        tpu.enqueue_indirect_dma source(%arg8 : memref<128xf32, #tpu.memory_space<vmem>>) target(%dma_start3A_98 : memref<51200xf32, #tpu.memory_space<vmem_shared>>) offsets(%arg7 : memref<128xi32, #tpu.memory_space<vmem>>) semaphore(%run_scoped3A : memref<!tpu.dma_semaphore, #tpu.memory_space<semaphore_mem>>) {add = true}
        %dma_wait3A_99 = arith.constant 0 : i32
        %dma_wait3A_100 = tpu.memref_slice %arg5[%dma_wait3A_99] : memref<51200xf32, #tpu.memory_space<vmem_shared>> -> memref<51200xf32, #tpu.memory_space<vmem_shared>>
        tpu.wait_indirect_dma semaphore(%run_scoped3A : memref<!tpu.dma_semaphore, #tpu.memory_space<semaphore_mem>>) src(%arg8 : memref<128xf32, #tpu.memory_space<vmem>>) dst(%dma_wait3A_100 : memref<51200xf32, #tpu.memory_space<vmem_shared>>)
        tpu.yield
      }) : () -> ()
    } else {
    }
    %barrier3A_84 = arith.constant 0 : index
    tpu.barrier barrier_id(%barrier3A_84)
    %mul3A_85 = arith.constant 3200 : i32
    %mul3A_86 = arith.muli %arg1, %mul3A_85 : i32
    "tpu.region"() ({
      %run_scoped3A = tpu.sem_alloc : memref<!tpu.dma_semaphore, #tpu.memory_space<semaphore_mem>>
      %dma_start3A = tpu.memref_slice %arg5[%mul3A_86] : memref<51200xf32, #tpu.memory_space<vmem_shared>> -> memref<3200xf32, #tpu.memory_space<vmem_shared>>
      %dma_start3A_92 = tpu.memref_slice %arg5[%mul3A_86] : memref<51200xf32, #tpu.memory_space<vmem_shared>> -> memref<3200xf32, #tpu.memory_space<vmem_shared>>
      tpu.enqueue_dma source(%dma_start3A_92 : memref<3200xf32, #tpu.memory_space<vmem_shared>>) target(%arg9 : memref<3200xf32, #tpu.memory_space<vmem>>) target_semaphore(%run_scoped3A : memref<!tpu.dma_semaphore, #tpu.memory_space<semaphore_mem>>)
      %dma_wait3A = tpu.memref_slice %arg5[%mul3A_86] : memref<51200xf32, #tpu.memory_space<vmem_shared>> -> memref<3200xf32, #tpu.memory_space<vmem_shared>>
      %dma_wait3A_93 = tpu.memref_slice %arg5[%mul3A_86] : memref<51200xf32, #tpu.memory_space<vmem_shared>> -> memref<3200xf32, #tpu.memory_space<vmem_shared>>
      tpu.wait_dma2 semaphore(%run_scoped3A : memref<!tpu.dma_semaphore, #tpu.memory_space<semaphore_mem>>) src(%dma_wait3A_93 : memref<3200xf32, #tpu.memory_space<vmem_shared>>) dst(%arg9 : memref<3200xf32, #tpu.memory_space<vmem>>)
      tpu.yield
    }) : () -> ()
    %mul3A_87 = arith.constant 51200 : i32
    %mul3A_88 = arith.muli %arg0, %mul3A_87 : i32
    %mul3A_89 = arith.constant 3200 : i32
    %mul3A_90 = arith.muli %arg1, %mul3A_89 : i32
    %add3A_91 = arith.addi %mul3A_88, %mul3A_90 : i32
    "tpu.region"() ({
      %run_scoped3A = tpu.sem_alloc : memref<!tpu.dma_semaphore, #tpu.memory_space<semaphore_mem>>
      %dma_start3A = tpu.memref_slice %arg4[%add3A_91] : memref<102400xf32, #tpu.memory_space<hbm>> -> memref<3200xf32, #tpu.memory_space<hbm>>
      %dma_start3A_92 = tpu.memref_slice %arg4[%add3A_91] : memref<102400xf32, #tpu.memory_space<hbm>> -> memref<3200xf32, #tpu.memory_space<hbm>>
      tpu.enqueue_dma source(%arg9 : memref<3200xf32, #tpu.memory_space<vmem>>) target(%dma_start3A_92 : memref<3200xf32, #tpu.memory_space<hbm>>) target_semaphore(%run_scoped3A : memref<!tpu.dma_semaphore, #tpu.memory_space<semaphore_mem>>)
      %dma_wait3A = tpu.memref_slice %arg4[%add3A_91] : memref<102400xf32, #tpu.memory_space<hbm>> -> memref<3200xf32, #tpu.memory_space<hbm>>
      %dma_wait3A_93 = tpu.memref_slice %arg4[%add3A_91] : memref<102400xf32, #tpu.memory_space<hbm>> -> memref<3200xf32, #tpu.memory_space<hbm>>
      tpu.wait_dma2 semaphore(%run_scoped3A : memref<!tpu.dma_semaphore, #tpu.memory_space<semaphore_mem>>) src(%arg9 : memref<3200xf32, #tpu.memory_space<vmem>>) dst(%dma_wait3A_93 : memref<3200xf32, #tpu.memory_space<hbm>>)
      tpu.yield
    }) : () -> ()
    return
  }
}

#map = affine_map<(d0, d1) -> (0, 0)>
module attributes {stable_mosaic.version = 14 : i64} {
  func.func @_sc_agg_body(%arg0: i32, %arg1: i32, %arg2: memref<12500x128xi32, #tpu.memory_space<hbm>>, %arg3: memref<51200x16xf32, #tpu.memory_space<hbm>>, %arg4: memref<51200x16xf32, #tpu.memory_space<hbm>>, %arg5: memref<102400x16xf32, #tpu.memory_space<hbm>>, %arg6: memref<51200x16xf32, #tpu.memory_space<vmem_shared>>, %arg7: memref<128xi32, #tpu.memory_space<vmem>>, %arg8: memref<128xi32, #tpu.memory_space<vmem>>, %arg9: memref<128xi32, #tpu.memory_space<vmem>>, %arg10: memref<128xi32, #tpu.memory_space<vmem>>, %arg11: memref<128x16xf32, #tpu.memory_space<vmem>>, %arg12: memref<128x16xf32, #tpu.memory_space<vmem>>, %arg13: memref<3200x16xf32, #tpu.memory_space<vmem>>, %arg14: memref<!tpu.dma_semaphore, #tpu.memory_space<semaphore_mem>>, %arg15: memref<!tpu.dma_semaphore, #tpu.memory_space<semaphore_mem>>, %arg16: memref<!tpu.dma_semaphore, #tpu.memory_space<semaphore_mem>>, %arg17: memref<!tpu.dma_semaphore, #tpu.memory_space<semaphore_mem>>) attributes {dimension_semantics = [#tpu.dimension_semantics<core_parallel>, #tpu.dimension_semantics<subcore_parallel>], iteration_bounds = array<i64: 2, 16>, scalar_prefetch = 0 : i64, scratch_operands = 12 : i64, tpu.core_type = #tpu.core_type<sc_vector_subcore>, window_params = [{transform_indices = #map}, {transform_indices = #map}, {transform_indices = #map}, {transform_indices = #map}]} {
    %mul3A = arith.constant 16 : i32
    %mul3A_0 = arith.muli %arg0, %mul3A : i32
    %add3A = arith.addi %mul3A_0, %arg1 : i32
    %mul3A_1 = arith.constant 3200 : i32
    %mul3A_2 = arith.muli %arg1, %mul3A_1 : i32
    "tpu.region"() ({
      %run_scoped3A = tpu.sem_alloc : memref<!tpu.dma_semaphore, #tpu.memory_space<semaphore_mem>>
      %dma_start3A = arith.constant 0 : i32
      %dma_start3A_58 = tpu.memref_slice %arg4[%mul3A_2, %dma_start3A] : memref<51200x16xf32, #tpu.memory_space<hbm>> -> memref<3200x16xf32, #tpu.memory_space<hbm>>
      %dma_start3A_59 = arith.constant 0 : i32
      %dma_start3A_60 = tpu.memref_slice %arg4[%mul3A_2, %dma_start3A_59] : memref<51200x16xf32, #tpu.memory_space<hbm>> -> memref<3200x16xf32, #tpu.memory_space<hbm>>
      tpu.enqueue_dma source(%dma_start3A_60 : memref<3200x16xf32, #tpu.memory_space<hbm>>) target(%arg13 : memref<3200x16xf32, #tpu.memory_space<vmem>>) target_semaphore(%run_scoped3A : memref<!tpu.dma_semaphore, #tpu.memory_space<semaphore_mem>>)
      %dma_wait3A = arith.constant 0 : i32
      %dma_wait3A_61 = tpu.memref_slice %arg4[%mul3A_2, %dma_wait3A] : memref<51200x16xf32, #tpu.memory_space<hbm>> -> memref<3200x16xf32, #tpu.memory_space<hbm>>
      %dma_wait3A_62 = arith.constant 0 : i32
      %dma_wait3A_63 = tpu.memref_slice %arg4[%mul3A_2, %dma_wait3A_62] : memref<51200x16xf32, #tpu.memory_space<hbm>> -> memref<3200x16xf32, #tpu.memory_space<hbm>>
      tpu.wait_dma2 semaphore(%run_scoped3A : memref<!tpu.dma_semaphore, #tpu.memory_space<semaphore_mem>>) src(%dma_wait3A_63 : memref<3200x16xf32, #tpu.memory_space<hbm>>) dst(%arg13 : memref<3200x16xf32, #tpu.memory_space<vmem>>)
      tpu.yield
    }) : () -> ()
    %mul3A_3 = arith.constant 3200 : i32
    %mul3A_4 = arith.muli %arg1, %mul3A_3 : i32
    "tpu.region"() ({
      %run_scoped3A = tpu.sem_alloc : memref<!tpu.dma_semaphore, #tpu.memory_space<semaphore_mem>>
      %dma_start3A = arith.constant 0 : i32
      %dma_start3A_58 = tpu.memref_slice %arg6[%mul3A_4, %dma_start3A] : memref<51200x16xf32, #tpu.memory_space<vmem_shared>> -> memref<3200x16xf32, #tpu.memory_space<vmem_shared>>
      %dma_start3A_59 = arith.constant 0 : i32
      %dma_start3A_60 = tpu.memref_slice %arg6[%mul3A_4, %dma_start3A_59] : memref<51200x16xf32, #tpu.memory_space<vmem_shared>> -> memref<3200x16xf32, #tpu.memory_space<vmem_shared>>
      tpu.enqueue_dma source(%arg13 : memref<3200x16xf32, #tpu.memory_space<vmem>>) target(%dma_start3A_60 : memref<3200x16xf32, #tpu.memory_space<vmem_shared>>) target_semaphore(%run_scoped3A : memref<!tpu.dma_semaphore, #tpu.memory_space<semaphore_mem>>)
      %dma_wait3A = arith.constant 0 : i32
      %dma_wait3A_61 = tpu.memref_slice %arg6[%mul3A_4, %dma_wait3A] : memref<51200x16xf32, #tpu.memory_space<vmem_shared>> -> memref<3200x16xf32, #tpu.memory_space<vmem_shared>>
      %dma_wait3A_62 = arith.constant 0 : i32
      %dma_wait3A_63 = tpu.memref_slice %arg6[%mul3A_4, %dma_wait3A_62] : memref<51200x16xf32, #tpu.memory_space<vmem_shared>> -> memref<3200x16xf32, #tpu.memory_space<vmem_shared>>
      tpu.wait_dma2 semaphore(%run_scoped3A : memref<!tpu.dma_semaphore, #tpu.memory_space<semaphore_mem>>) src(%arg13 : memref<3200x16xf32, #tpu.memory_space<vmem>>) dst(%dma_wait3A_63 : memref<3200x16xf32, #tpu.memory_space<vmem_shared>>)
      tpu.yield
    }) : () -> ()
    %barrier3A = arith.constant 0 : index
    tpu.barrier barrier_id(%barrier3A)
    %mul3A_5 = arith.constant 196 : i32
    %mul3A_6 = arith.muli %add3A, %mul3A_5 : i32
    %lt3A = arith.constant 6250 : i32
    %lt3A_7 = arith.cmpi slt, %mul3A_6, %lt3A : i32
    %convert_element_type3A = arith.extui %lt3A_7 : i1 to i32
    %cond3A = arith.constant 0 : i32
    %cond3A_8 = arith.cmpi ne, %convert_element_type3A, %cond3A : i32
    scf.if %cond3A_8 {
      %dma_start3A = arith.constant 0 : i32
      %dma_start3A_58 = tpu.memref_slice %arg2[%mul3A_6, %dma_start3A] : memref<12500x128xi32, #tpu.memory_space<hbm>> -> memref<1x128xi32, #tpu.memory_space<hbm>>
      %dma_start3A_59 = tpu.memref_squeeze %dma_start3A_58 : memref<1x128xi32, #tpu.memory_space<hbm>> -> memref<128xi32, #tpu.memory_space<hbm>>
      %dma_start3A_60 = arith.constant 0 : i32
      %dma_start3A_61 = tpu.memref_slice %arg2[%mul3A_6, %dma_start3A_60] : memref<12500x128xi32, #tpu.memory_space<hbm>> -> memref<1x128xi32, #tpu.memory_space<hbm>>
      %dma_start3A_62 = tpu.memref_squeeze %dma_start3A_61 : memref<1x128xi32, #tpu.memory_space<hbm>> -> memref<128xi32, #tpu.memory_space<hbm>>
      tpu.enqueue_dma source(%dma_start3A_62 : memref<128xi32, #tpu.memory_space<hbm>>) target(%arg7 : memref<128xi32, #tpu.memory_space<vmem>>) target_semaphore(%arg14 : memref<!tpu.dma_semaphore, #tpu.memory_space<semaphore_mem>>)
      %add3A_63 = arith.constant 6250 : i32
      %add3A_64 = arith.addi %add3A_63, %mul3A_6 : i32
      %dma_start3A_65 = arith.constant 0 : i32
      %dma_start3A_66 = tpu.memref_slice %arg2[%add3A_64, %dma_start3A_65] : memref<12500x128xi32, #tpu.memory_space<hbm>> -> memref<1x128xi32, #tpu.memory_space<hbm>>
      %dma_start3A_67 = tpu.memref_squeeze %dma_start3A_66 : memref<1x128xi32, #tpu.memory_space<hbm>> -> memref<128xi32, #tpu.memory_space<hbm>>
      %dma_start3A_68 = arith.constant 0 : i32
      %dma_start3A_69 = tpu.memref_slice %arg2[%add3A_64, %dma_start3A_68] : memref<12500x128xi32, #tpu.memory_space<hbm>> -> memref<1x128xi32, #tpu.memory_space<hbm>>
      %dma_start3A_70 = tpu.memref_squeeze %dma_start3A_69 : memref<1x128xi32, #tpu.memory_space<hbm>> -> memref<128xi32, #tpu.memory_space<hbm>>
      tpu.enqueue_dma source(%dma_start3A_70 : memref<128xi32, #tpu.memory_space<hbm>>) target(%arg8 : memref<128xi32, #tpu.memory_space<vmem>>) target_semaphore(%arg14 : memref<!tpu.dma_semaphore, #tpu.memory_space<semaphore_mem>>)
    } else {
    }
    %add3A_9 = arith.constant 1 : i32
    %add3A_10 = arith.addi %mul3A_6, %add3A_9 : i32
    %lt3A_11 = arith.constant 6250 : i32
    %lt3A_12 = arith.cmpi slt, %add3A_10, %lt3A_11 : i32
    %convert_element_type3A_13 = arith.extui %lt3A_12 : i1 to i32
    %cond3A_14 = arith.constant 0 : i32
    %cond3A_15 = arith.cmpi ne, %convert_element_type3A_13, %cond3A_14 : i32
    scf.if %cond3A_15 {
      %dma_start3A = arith.constant 0 : i32
      %dma_start3A_58 = tpu.memref_slice %arg2[%add3A_10, %dma_start3A] : memref<12500x128xi32, #tpu.memory_space<hbm>> -> memref<1x128xi32, #tpu.memory_space<hbm>>
      %dma_start3A_59 = tpu.memref_squeeze %dma_start3A_58 : memref<1x128xi32, #tpu.memory_space<hbm>> -> memref<128xi32, #tpu.memory_space<hbm>>
      %dma_start3A_60 = arith.constant 0 : i32
      %dma_start3A_61 = tpu.memref_slice %arg2[%add3A_10, %dma_start3A_60] : memref<12500x128xi32, #tpu.memory_space<hbm>> -> memref<1x128xi32, #tpu.memory_space<hbm>>
      %dma_start3A_62 = tpu.memref_squeeze %dma_start3A_61 : memref<1x128xi32, #tpu.memory_space<hbm>> -> memref<128xi32, #tpu.memory_space<hbm>>
      tpu.enqueue_dma source(%dma_start3A_62 : memref<128xi32, #tpu.memory_space<hbm>>) target(%arg9 : memref<128xi32, #tpu.memory_space<vmem>>) target_semaphore(%arg15 : memref<!tpu.dma_semaphore, #tpu.memory_space<semaphore_mem>>)
      %add3A_63 = arith.constant 6250 : i32
      %add3A_64 = arith.addi %add3A_63, %add3A_10 : i32
      %dma_start3A_65 = arith.constant 0 : i32
      %dma_start3A_66 = tpu.memref_slice %arg2[%add3A_64, %dma_start3A_65] : memref<12500x128xi32, #tpu.memory_space<hbm>> -> memref<1x128xi32, #tpu.memory_space<hbm>>
      %dma_start3A_67 = tpu.memref_squeeze %dma_start3A_66 : memref<1x128xi32, #tpu.memory_space<hbm>> -> memref<128xi32, #tpu.memory_space<hbm>>
      %dma_start3A_68 = arith.constant 0 : i32
      %dma_start3A_69 = tpu.memref_slice %arg2[%add3A_64, %dma_start3A_68] : memref<12500x128xi32, #tpu.memory_space<hbm>> -> memref<1x128xi32, #tpu.memory_space<hbm>>
      %dma_start3A_70 = tpu.memref_squeeze %dma_start3A_69 : memref<1x128xi32, #tpu.memory_space<hbm>> -> memref<128xi32, #tpu.memory_space<hbm>>
      tpu.enqueue_dma source(%dma_start3A_70 : memref<128xi32, #tpu.memory_space<hbm>>) target(%arg10 : memref<128xi32, #tpu.memory_space<vmem>>) target_semaphore(%arg15 : memref<!tpu.dma_semaphore, #tpu.memory_space<semaphore_mem>>)
    } else {
    }
    %lt3A_16 = arith.constant 6250 : i32
    %lt3A_17 = arith.cmpi slt, %mul3A_6, %lt3A_16 : i32
    %convert_element_type3A_18 = arith.extui %lt3A_17 : i1 to i32
    %cond3A_19 = arith.constant 0 : i32
    %cond3A_20 = arith.cmpi ne, %convert_element_type3A_18, %cond3A_19 : i32
    scf.if %cond3A_20 {
      %dma_wait3A = arith.constant 0 : i32
      %dma_wait3A_58 = arith.constant 0 : i32
      %dma_wait3A_59 = tpu.memref_slice %arg2[%dma_wait3A, %dma_wait3A_58] : memref<12500x128xi32, #tpu.memory_space<hbm>> -> memref<1x128xi32, #tpu.memory_space<hbm>>
      %dma_wait3A_60 = tpu.memref_squeeze %dma_wait3A_59 : memref<1x128xi32, #tpu.memory_space<hbm>> -> memref<128xi32, #tpu.memory_space<hbm>>
      %dma_wait3A_61 = arith.constant 0 : i32
      %dma_wait3A_62 = tpu.memref_slice %arg2[%dma_wait3A, %dma_wait3A_61] : memref<12500x128xi32, #tpu.memory_space<hbm>> -> memref<1x128xi32, #tpu.memory_space<hbm>>
      %dma_wait3A_63 = tpu.memref_squeeze %dma_wait3A_62 : memref<1x128xi32, #tpu.memory_space<hbm>> -> memref<128xi32, #tpu.memory_space<hbm>>
      tpu.wait_dma2 semaphore(%arg14 : memref<!tpu.dma_semaphore, #tpu.memory_space<semaphore_mem>>) src(%dma_wait3A_63 : memref<128xi32, #tpu.memory_space<hbm>>) dst(%arg7 : memref<128xi32, #tpu.memory_space<vmem>>)
      %dma_wait3A_64 = arith.constant 0 : i32
      %dma_wait3A_65 = arith.constant 0 : i32
      %dma_wait3A_66 = tpu.memref_slice %arg2[%dma_wait3A_64, %dma_wait3A_65] : memref<12500x128xi32, #tpu.memory_space<hbm>> -> memref<1x128xi32, #tpu.memory_space<hbm>>
      %dma_wait3A_67 = tpu.memref_squeeze %dma_wait3A_66 : memref<1x128xi32, #tpu.memory_space<hbm>> -> memref<128xi32, #tpu.memory_space<hbm>>
      %dma_wait3A_68 = arith.constant 0 : i32
      %dma_wait3A_69 = tpu.memref_slice %arg2[%dma_wait3A_64, %dma_wait3A_68] : memref<12500x128xi32, #tpu.memory_space<hbm>> -> memref<1x128xi32, #tpu.memory_space<hbm>>
      %dma_wait3A_70 = tpu.memref_squeeze %dma_wait3A_69 : memref<1x128xi32, #tpu.memory_space<hbm>> -> memref<128xi32, #tpu.memory_space<hbm>>
      tpu.wait_dma2 semaphore(%arg14 : memref<!tpu.dma_semaphore, #tpu.memory_space<semaphore_mem>>) src(%dma_wait3A_70 : memref<128xi32, #tpu.memory_space<hbm>>) dst(%arg8 : memref<128xi32, #tpu.memory_space<vmem>>)
      %dma_start3A = arith.constant 0 : i32
      %dma_start3A_71 = arith.constant 0 : i32
      %dma_start3A_72 = tpu.memref_slice %arg3[%dma_start3A, %dma_start3A_71] : memref<51200x16xf32, #tpu.memory_space<hbm>> -> memref<51200x16xf32, #tpu.memory_space<hbm>>
      tpu.enqueue_indirect_dma source(%dma_start3A_72 : memref<51200x16xf32, #tpu.memory_space<hbm>>) target(%arg11 : memref<128x16xf32, #tpu.memory_space<vmem>>) offsets(%arg7 : memref<128xi32, #tpu.memory_space<vmem>>) semaphore(%arg16 : memref<!tpu.dma_semaphore, #tpu.memory_space<semaphore_mem>>)
    } else {
    }
    %add3A_21 = arith.constant 1 : i32
    %add3A_22 = arith.addi %mul3A_6, %add3A_21 : i32
    %lt3A_23 = arith.constant 6250 : i32
    %lt3A_24 = arith.cmpi slt, %add3A_22, %lt3A_23 : i32
    %convert_element_type3A_25 = arith.extui %lt3A_24 : i1 to i32
    %cond3A_26 = arith.constant 0 : i32
    %cond3A_27 = arith.cmpi ne, %convert_element_type3A_25, %cond3A_26 : i32
    scf.if %cond3A_27 {
      %dma_wait3A = arith.constant 0 : i32
      %dma_wait3A_58 = arith.constant 0 : i32
      %dma_wait3A_59 = tpu.memref_slice %arg2[%dma_wait3A, %dma_wait3A_58] : memref<12500x128xi32, #tpu.memory_space<hbm>> -> memref<1x128xi32, #tpu.memory_space<hbm>>
      %dma_wait3A_60 = tpu.memref_squeeze %dma_wait3A_59 : memref<1x128xi32, #tpu.memory_space<hbm>> -> memref<128xi32, #tpu.memory_space<hbm>>
      %dma_wait3A_61 = arith.constant 0 : i32
      %dma_wait3A_62 = tpu.memref_slice %arg2[%dma_wait3A, %dma_wait3A_61] : memref<12500x128xi32, #tpu.memory_space<hbm>> -> memref<1x128xi32, #tpu.memory_space<hbm>>
      %dma_wait3A_63 = tpu.memref_squeeze %dma_wait3A_62 : memref<1x128xi32, #tpu.memory_space<hbm>> -> memref<128xi32, #tpu.memory_space<hbm>>
      tpu.wait_dma2 semaphore(%arg15 : memref<!tpu.dma_semaphore, #tpu.memory_space<semaphore_mem>>) src(%dma_wait3A_63 : memref<128xi32, #tpu.memory_space<hbm>>) dst(%arg9 : memref<128xi32, #tpu.memory_space<vmem>>)
      %dma_wait3A_64 = arith.constant 0 : i32
      %dma_wait3A_65 = arith.constant 0 : i32
      %dma_wait3A_66 = tpu.memref_slice %arg2[%dma_wait3A_64, %dma_wait3A_65] : memref<12500x128xi32, #tpu.memory_space<hbm>> -> memref<1x128xi32, #tpu.memory_space<hbm>>
      %dma_wait3A_67 = tpu.memref_squeeze %dma_wait3A_66 : memref<1x128xi32, #tpu.memory_space<hbm>> -> memref<128xi32, #tpu.memory_space<hbm>>
      %dma_wait3A_68 = arith.constant 0 : i32
      %dma_wait3A_69 = tpu.memref_slice %arg2[%dma_wait3A_64, %dma_wait3A_68] : memref<12500x128xi32, #tpu.memory_space<hbm>> -> memref<1x128xi32, #tpu.memory_space<hbm>>
      %dma_wait3A_70 = tpu.memref_squeeze %dma_wait3A_69 : memref<1x128xi32, #tpu.memory_space<hbm>> -> memref<128xi32, #tpu.memory_space<hbm>>
      tpu.wait_dma2 semaphore(%arg15 : memref<!tpu.dma_semaphore, #tpu.memory_space<semaphore_mem>>) src(%dma_wait3A_70 : memref<128xi32, #tpu.memory_space<hbm>>) dst(%arg10 : memref<128xi32, #tpu.memory_space<vmem>>)
      %dma_start3A = arith.constant 0 : i32
      %dma_start3A_71 = arith.constant 0 : i32
      %dma_start3A_72 = tpu.memref_slice %arg3[%dma_start3A, %dma_start3A_71] : memref<51200x16xf32, #tpu.memory_space<hbm>> -> memref<51200x16xf32, #tpu.memory_space<hbm>>
      tpu.enqueue_indirect_dma source(%dma_start3A_72 : memref<51200x16xf32, #tpu.memory_space<hbm>>) target(%arg12 : memref<128x16xf32, #tpu.memory_space<vmem>>) offsets(%arg9 : memref<128xi32, #tpu.memory_space<vmem>>) semaphore(%arg17 : memref<!tpu.dma_semaphore, #tpu.memory_space<semaphore_mem>>)
    } else {
    }
    %scan3A = arith.constant 0 : i32
    %scan3A_28 = arith.constant 0 : i32
    %scan3A_29 = arith.constant 97 : i32
    %scan3A_30 = arith.addi %scan3A_28, %scan3A_29 : i32
    %scan3A_31 = arith.constant 1 : i32
    scf.for %scan3A_58 = %scan3A_28 to %scan3A_30 step %scan3A_31  : i32 {
      %mul3A_59 = arith.constant 2 : i32
      %mul3A_60 = arith.muli %mul3A_59, %scan3A_58 : i32
      %add3A_61 = arith.addi %mul3A_6, %mul3A_60 : i32
      %lt3A_62 = arith.constant 6250 : i32
      %lt3A_63 = arith.cmpi slt, %add3A_61, %lt3A_62 : i32
      %convert_element_type3A_64 = arith.extui %lt3A_63 : i1 to i32
      %cond3A_65 = arith.constant 0 : i32
      %cond3A_66 = arith.cmpi ne, %convert_element_type3A_64, %cond3A_65 : i32
      scf.if %cond3A_66 {
        %dma_wait3A = arith.constant 0 : i32
        %dma_wait3A_102 = arith.constant 0 : i32
        %dma_wait3A_103 = tpu.memref_slice %arg3[%dma_wait3A, %dma_wait3A_102] : memref<51200x16xf32, #tpu.memory_space<hbm>> -> memref<128x16xf32, #tpu.memory_space<hbm>>
        %dma_wait3A_104 = arith.constant 0 : i32
        %dma_wait3A_105 = arith.constant 0 : i32
        %dma_wait3A_106 = tpu.memref_slice %arg3[%dma_wait3A_104, %dma_wait3A_105] : memref<51200x16xf32, #tpu.memory_space<hbm>> -> memref<128x16xf32, #tpu.memory_space<hbm>>
        tpu.wait_dma2 semaphore(%arg16 : memref<!tpu.dma_semaphore, #tpu.memory_space<semaphore_mem>>) src(%dma_wait3A_106 : memref<128x16xf32, #tpu.memory_space<hbm>>) dst(%arg11 : memref<128x16xf32, #tpu.memory_space<vmem>>)
        "tpu.region"() ({
          %run_scoped3A = tpu.sem_alloc : memref<!tpu.dma_semaphore, #tpu.memory_space<semaphore_mem>>
          %dma_start3A = arith.constant 0 : i32
          %dma_start3A_107 = arith.constant 0 : i32
          %dma_start3A_108 = tpu.memref_slice %arg6[%dma_start3A, %dma_start3A_107] : memref<51200x16xf32, #tpu.memory_space<vmem_shared>> -> memref<51200x16xf32, #tpu.memory_space<vmem_shared>>
          tpu.enqueue_indirect_dma source(%arg11 : memref<128x16xf32, #tpu.memory_space<vmem>>) target(%dma_start3A_108 : memref<51200x16xf32, #tpu.memory_space<vmem_shared>>) offsets(%arg8 : memref<128xi32, #tpu.memory_space<vmem>>) semaphore(%run_scoped3A : memref<!tpu.dma_semaphore, #tpu.memory_space<semaphore_mem>>) {add = true}
          %dma_wait3A_109 = arith.constant 0 : i32
          %dma_wait3A_110 = arith.constant 0 : i32
          %dma_wait3A_111 = tpu.memref_slice %arg6[%dma_wait3A_109, %dma_wait3A_110] : memref<51200x16xf32, #tpu.memory_space<vmem_shared>> -> memref<51200x16xf32, #tpu.memory_space<vmem_shared>>
          tpu.wait_indirect_dma semaphore(%run_scoped3A : memref<!tpu.dma_semaphore, #tpu.memory_space<semaphore_mem>>) src(%arg11 : memref<128x16xf32, #tpu.memory_space<vmem>>) dst(%dma_wait3A_111 : memref<51200x16xf32, #tpu.memory_space<vmem_shared>>)
          tpu.yield
        }) : () -> ()
      } else {
      }
      %add3A_67 = arith.constant 2 : i32
      %add3A_68 = arith.addi %add3A_61, %add3A_67 : i32
      %lt3A_69 = arith.constant 6250 : i32
      %lt3A_70 = arith.cmpi slt, %add3A_68, %lt3A_69 : i32
      %convert_element_type3A_71 = arith.extui %lt3A_70 : i1 to i32
      %cond3A_72 = arith.constant 0 : i32
      %cond3A_73 = arith.cmpi ne, %convert_element_type3A_71, %cond3A_72 : i32
      scf.if %cond3A_73 {
        %dma_start3A = arith.constant 0 : i32
        %dma_start3A_102 = tpu.memref_slice %arg2[%add3A_68, %dma_start3A] : memref<12500x128xi32, #tpu.memory_space<hbm>> -> memref<1x128xi32, #tpu.memory_space<hbm>>
        %dma_start3A_103 = tpu.memref_squeeze %dma_start3A_102 : memref<1x128xi32, #tpu.memory_space<hbm>> -> memref<128xi32, #tpu.memory_space<hbm>>
        %dma_start3A_104 = arith.constant 0 : i32
        %dma_start3A_105 = tpu.memref_slice %arg2[%add3A_68, %dma_start3A_104] : memref<12500x128xi32, #tpu.memory_space<hbm>> -> memref<1x128xi32, #tpu.memory_space<hbm>>
        %dma_start3A_106 = tpu.memref_squeeze %dma_start3A_105 : memref<1x128xi32, #tpu.memory_space<hbm>> -> memref<128xi32, #tpu.memory_space<hbm>>
        tpu.enqueue_dma source(%dma_start3A_106 : memref<128xi32, #tpu.memory_space<hbm>>) target(%arg7 : memref<128xi32, #tpu.memory_space<vmem>>) target_semaphore(%arg14 : memref<!tpu.dma_semaphore, #tpu.memory_space<semaphore_mem>>)
        %add3A_107 = arith.constant 6250 : i32
        %add3A_108 = arith.addi %add3A_107, %add3A_68 : i32
        %dma_start3A_109 = arith.constant 0 : i32
        %dma_start3A_110 = tpu.memref_slice %arg2[%add3A_108, %dma_start3A_109] : memref<12500x128xi32, #tpu.memory_space<hbm>> -> memref<1x128xi32, #tpu.memory_space<hbm>>
        %dma_start3A_111 = tpu.memref_squeeze %dma_start3A_110 : memref<1x128xi32, #tpu.memory_space<hbm>> -> memref<128xi32, #tpu.memory_space<hbm>>
        %dma_start3A_112 = arith.constant 0 : i32
        %dma_start3A_113 = tpu.memref_slice %arg2[%add3A_108, %dma_start3A_112] : memref<12500x128xi32, #tpu.memory_space<hbm>> -> memref<1x128xi32, #tpu.memory_space<hbm>>
        %dma_start3A_114 = tpu.memref_squeeze %dma_start3A_113 : memref<1x128xi32, #tpu.memory_space<hbm>> -> memref<128xi32, #tpu.memory_space<hbm>>
        tpu.enqueue_dma source(%dma_start3A_114 : memref<128xi32, #tpu.memory_space<hbm>>) target(%arg8 : memref<128xi32, #tpu.memory_space<vmem>>) target_semaphore(%arg14 : memref<!tpu.dma_semaphore, #tpu.memory_space<semaphore_mem>>)
      } else {
      }
      %add3A_74 = arith.constant 1 : i32
      %add3A_75 = arith.addi %add3A_61, %add3A_74 : i32
      %lt3A_76 = arith.constant 6250 : i32
      %lt3A_77 = arith.cmpi slt, %add3A_75, %lt3A_76 : i32
      %convert_element_type3A_78 = arith.extui %lt3A_77 : i1 to i32
      %cond3A_79 = arith.constant 0 : i32
      %cond3A_80 = arith.cmpi ne, %convert_element_type3A_78, %cond3A_79 : i32
      scf.if %cond3A_80 {
        %dma_wait3A = arith.constant 0 : i32
        %dma_wait3A_102 = arith.constant 0 : i32
        %dma_wait3A_103 = tpu.memref_slice %arg3[%dma_wait3A, %dma_wait3A_102] : memref<51200x16xf32, #tpu.memory_space<hbm>> -> memref<128x16xf32, #tpu.memory_space<hbm>>
        %dma_wait3A_104 = arith.constant 0 : i32
        %dma_wait3A_105 = arith.constant 0 : i32
        %dma_wait3A_106 = tpu.memref_slice %arg3[%dma_wait3A_104, %dma_wait3A_105] : memref<51200x16xf32, #tpu.memory_space<hbm>> -> memref<128x16xf32, #tpu.memory_space<hbm>>
        tpu.wait_dma2 semaphore(%arg17 : memref<!tpu.dma_semaphore, #tpu.memory_space<semaphore_mem>>) src(%dma_wait3A_106 : memref<128x16xf32, #tpu.memory_space<hbm>>) dst(%arg12 : memref<128x16xf32, #tpu.memory_space<vmem>>)
        "tpu.region"() ({
          %run_scoped3A = tpu.sem_alloc : memref<!tpu.dma_semaphore, #tpu.memory_space<semaphore_mem>>
          %dma_start3A = arith.constant 0 : i32
          %dma_start3A_107 = arith.constant 0 : i32
          %dma_start3A_108 = tpu.memref_slice %arg6[%dma_start3A, %dma_start3A_107] : memref<51200x16xf32, #tpu.memory_space<vmem_shared>> -> memref<51200x16xf32, #tpu.memory_space<vmem_shared>>
          tpu.enqueue_indirect_dma source(%arg12 : memref<128x16xf32, #tpu.memory_space<vmem>>) target(%dma_start3A_108 : memref<51200x16xf32, #tpu.memory_space<vmem_shared>>) offsets(%arg10 : memref<128xi32, #tpu.memory_space<vmem>>) semaphore(%run_scoped3A : memref<!tpu.dma_semaphore, #tpu.memory_space<semaphore_mem>>) {add = true}
          %dma_wait3A_109 = arith.constant 0 : i32
          %dma_wait3A_110 = arith.constant 0 : i32
          %dma_wait3A_111 = tpu.memref_slice %arg6[%dma_wait3A_109, %dma_wait3A_110] : memref<51200x16xf32, #tpu.memory_space<vmem_shared>> -> memref<51200x16xf32, #tpu.memory_space<vmem_shared>>
          tpu.wait_indirect_dma semaphore(%run_scoped3A : memref<!tpu.dma_semaphore, #tpu.memory_space<semaphore_mem>>) src(%arg12 : memref<128x16xf32, #tpu.memory_space<vmem>>) dst(%dma_wait3A_111 : memref<51200x16xf32, #tpu.memory_space<vmem_shared>>)
          tpu.yield
        }) : () -> ()
      } else {
      }
      %add3A_81 = arith.constant 3 : i32
      %add3A_82 = arith.addi %add3A_61, %add3A_81 : i32
      %lt3A_83 = arith.constant 6250 : i32
      %lt3A_84 = arith.cmpi slt, %add3A_82, %lt3A_83 : i32
      %convert_element_type3A_85 = arith.extui %lt3A_84 : i1 to i32
      %cond3A_86 = arith.constant 0 : i32
      %cond3A_87 = arith.cmpi ne, %convert_element_type3A_85, %cond3A_86 : i32
      scf.if %cond3A_87 {
        %dma_start3A = arith.constant 0 : i32
        %dma_start3A_102 = tpu.memref_slice %arg2[%add3A_82, %dma_start3A] : memref<12500x128xi32, #tpu.memory_space<hbm>> -> memref<1x128xi32, #tpu.memory_space<hbm>>
        %dma_start3A_103 = tpu.memref_squeeze %dma_start3A_102 : memref<1x128xi32, #tpu.memory_space<hbm>> -> memref<128xi32, #tpu.memory_space<hbm>>
        %dma_start3A_104 = arith.constant 0 : i32
        %dma_start3A_105 = tpu.memref_slice %arg2[%add3A_82, %dma_start3A_104] : memref<12500x128xi32, #tpu.memory_space<hbm>> -> memref<1x128xi32, #tpu.memory_space<hbm>>
        %dma_start3A_106 = tpu.memref_squeeze %dma_start3A_105 : memref<1x128xi32, #tpu.memory_space<hbm>> -> memref<128xi32, #tpu.memory_space<hbm>>
        tpu.enqueue_dma source(%dma_start3A_106 : memref<128xi32, #tpu.memory_space<hbm>>) target(%arg9 : memref<128xi32, #tpu.memory_space<vmem>>) target_semaphore(%arg15 : memref<!tpu.dma_semaphore, #tpu.memory_space<semaphore_mem>>)
        %add3A_107 = arith.constant 6250 : i32
        %add3A_108 = arith.addi %add3A_107, %add3A_82 : i32
        %dma_start3A_109 = arith.constant 0 : i32
        %dma_start3A_110 = tpu.memref_slice %arg2[%add3A_108, %dma_start3A_109] : memref<12500x128xi32, #tpu.memory_space<hbm>> -> memref<1x128xi32, #tpu.memory_space<hbm>>
        %dma_start3A_111 = tpu.memref_squeeze %dma_start3A_110 : memref<1x128xi32, #tpu.memory_space<hbm>> -> memref<128xi32, #tpu.memory_space<hbm>>
        %dma_start3A_112 = arith.constant 0 : i32
        %dma_start3A_113 = tpu.memref_slice %arg2[%add3A_108, %dma_start3A_112] : memref<12500x128xi32, #tpu.memory_space<hbm>> -> memref<1x128xi32, #tpu.memory_space<hbm>>
        %dma_start3A_114 = tpu.memref_squeeze %dma_start3A_113 : memref<1x128xi32, #tpu.memory_space<hbm>> -> memref<128xi32, #tpu.memory_space<hbm>>
        tpu.enqueue_dma source(%dma_start3A_114 : memref<128xi32, #tpu.memory_space<hbm>>) target(%arg10 : memref<128xi32, #tpu.memory_space<vmem>>) target_semaphore(%arg15 : memref<!tpu.dma_semaphore, #tpu.memory_space<semaphore_mem>>)
      } else {
      }
      %add3A_88 = arith.constant 2 : i32
      %add3A_89 = arith.addi %add3A_61, %add3A_88 : i32
      %lt3A_90 = arith.constant 6250 : i32
      %lt3A_91 = arith.cmpi slt, %add3A_89, %lt3A_90 : i32
      %convert_element_type3A_92 = arith.extui %lt3A_91 : i1 to i32
      %cond3A_93 = arith.constant 0 : i32
      %cond3A_94 = arith.cmpi ne, %convert_element_type3A_92, %cond3A_93 : i32
      scf.if %cond3A_94 {
        %dma_wait3A = arith.constant 0 : i32
        %dma_wait3A_102 = arith.constant 0 : i32
        %dma_wait3A_103 = tpu.memref_slice %arg2[%dma_wait3A, %dma_wait3A_102] : memref<12500x128xi32, #tpu.memory_space<hbm>> -> memref<1x128xi32, #tpu.memory_space<hbm>>
        %dma_wait3A_104 = tpu.memref_squeeze %dma_wait3A_103 : memref<1x128xi32, #tpu.memory_space<hbm>> -> memref<128xi32, #tpu.memory_space<hbm>>
        %dma_wait3A_105 = arith.constant 0 : i32
        %dma_wait3A_106 = tpu.memref_slice %arg2[%dma_wait3A, %dma_wait3A_105] : memref<12500x128xi32, #tpu.memory_space<hbm>> -> memref<1x128xi32, #tpu.memory_space<hbm>>
        %dma_wait3A_107 = tpu.memref_squeeze %dma_wait3A_106 : memref<1x128xi32, #tpu.memory_space<hbm>> -> memref<128xi32, #tpu.memory_space<hbm>>
        tpu.wait_dma2 semaphore(%arg14 : memref<!tpu.dma_semaphore, #tpu.memory_space<semaphore_mem>>) src(%dma_wait3A_107 : memref<128xi32, #tpu.memory_space<hbm>>) dst(%arg7 : memref<128xi32, #tpu.memory_space<vmem>>)
        %dma_wait3A_108 = arith.constant 0 : i32
        %dma_wait3A_109 = arith.constant 0 : i32
        %dma_wait3A_110 = tpu.memref_slice %arg2[%dma_wait3A_108, %dma_wait3A_109] : memref<12500x128xi32, #tpu.memory_space<hbm>> -> memref<1x128xi32, #tpu.memory_space<hbm>>
        %dma_wait3A_111 = tpu.memref_squeeze %dma_wait3A_110 : memref<1x128xi32, #tpu.memory_space<hbm>> -> memref<128xi32, #tpu.memory_space<hbm>>
        %dma_wait3A_112 = arith.constant 0 : i32
        %dma_wait3A_113 = tpu.memref_slice %arg2[%dma_wait3A_108, %dma_wait3A_112] : memref<12500x128xi32, #tpu.memory_space<hbm>> -> memref<1x128xi32, #tpu.memory_space<hbm>>
        %dma_wait3A_114 = tpu.memref_squeeze %dma_wait3A_113 : memref<1x128xi32, #tpu.memory_space<hbm>> -> memref<128xi32, #tpu.memory_space<hbm>>
        tpu.wait_dma2 semaphore(%arg14 : memref<!tpu.dma_semaphore, #tpu.memory_space<semaphore_mem>>) src(%dma_wait3A_114 : memref<128xi32, #tpu.memory_space<hbm>>) dst(%arg8 : memref<128xi32, #tpu.memory_space<vmem>>)
        %dma_start3A = arith.constant 0 : i32
        %dma_start3A_115 = arith.constant 0 : i32
        %dma_start3A_116 = tpu.memref_slice %arg3[%dma_start3A, %dma_start3A_115] : memref<51200x16xf32, #tpu.memory_space<hbm>> -> memref<51200x16xf32, #tpu.memory_space<hbm>>
        tpu.enqueue_indirect_dma source(%dma_start3A_116 : memref<51200x16xf32, #tpu.memory_space<hbm>>) target(%arg11 : memref<128x16xf32, #tpu.memory_space<vmem>>) offsets(%arg7 : memref<128xi32, #tpu.memory_space<vmem>>) semaphore(%arg16 : memref<!tpu.dma_semaphore, #tpu.memory_space<semaphore_mem>>)
      } else {
      }
      %add3A_95 = arith.constant 3 : i32
      %add3A_96 = arith.addi %add3A_61, %add3A_95 : i32
      %lt3A_97 = arith.constant 6250 : i32
      %lt3A_98 = arith.cmpi slt, %add3A_96, %lt3A_97 : i32
      %convert_element_type3A_99 = arith.extui %lt3A_98 : i1 to i32
      %cond3A_100 = arith.constant 0 : i32
      %cond3A_101 = arith.cmpi ne, %convert_element_type3A_99, %cond3A_100 : i32
      scf.if %cond3A_101 {
        %dma_wait3A = arith.constant 0 : i32
        %dma_wait3A_102 = arith.constant 0 : i32
        %dma_wait3A_103 = tpu.memref_slice %arg2[%dma_wait3A, %dma_wait3A_102] : memref<12500x128xi32, #tpu.memory_space<hbm>> -> memref<1x128xi32, #tpu.memory_space<hbm>>
        %dma_wait3A_104 = tpu.memref_squeeze %dma_wait3A_103 : memref<1x128xi32, #tpu.memory_space<hbm>> -> memref<128xi32, #tpu.memory_space<hbm>>
        %dma_wait3A_105 = arith.constant 0 : i32
        %dma_wait3A_106 = tpu.memref_slice %arg2[%dma_wait3A, %dma_wait3A_105] : memref<12500x128xi32, #tpu.memory_space<hbm>> -> memref<1x128xi32, #tpu.memory_space<hbm>>
        %dma_wait3A_107 = tpu.memref_squeeze %dma_wait3A_106 : memref<1x128xi32, #tpu.memory_space<hbm>> -> memref<128xi32, #tpu.memory_space<hbm>>
        tpu.wait_dma2 semaphore(%arg15 : memref<!tpu.dma_semaphore, #tpu.memory_space<semaphore_mem>>) src(%dma_wait3A_107 : memref<128xi32, #tpu.memory_space<hbm>>) dst(%arg9 : memref<128xi32, #tpu.memory_space<vmem>>)
        %dma_wait3A_108 = arith.constant 0 : i32
        %dma_wait3A_109 = arith.constant 0 : i32
        %dma_wait3A_110 = tpu.memref_slice %arg2[%dma_wait3A_108, %dma_wait3A_109] : memref<12500x128xi32, #tpu.memory_space<hbm>> -> memref<1x128xi32, #tpu.memory_space<hbm>>
        %dma_wait3A_111 = tpu.memref_squeeze %dma_wait3A_110 : memref<1x128xi32, #tpu.memory_space<hbm>> -> memref<128xi32, #tpu.memory_space<hbm>>
        %dma_wait3A_112 = arith.constant 0 : i32
        %dma_wait3A_113 = tpu.memref_slice %arg2[%dma_wait3A_108, %dma_wait3A_112] : memref<12500x128xi32, #tpu.memory_space<hbm>> -> memref<1x128xi32, #tpu.memory_space<hbm>>
        %dma_wait3A_114 = tpu.memref_squeeze %dma_wait3A_113 : memref<1x128xi32, #tpu.memory_space<hbm>> -> memref<128xi32, #tpu.memory_space<hbm>>
        tpu.wait_dma2 semaphore(%arg15 : memref<!tpu.dma_semaphore, #tpu.memory_space<semaphore_mem>>) src(%dma_wait3A_114 : memref<128xi32, #tpu.memory_space<hbm>>) dst(%arg10 : memref<128xi32, #tpu.memory_space<vmem>>)
        %dma_start3A = arith.constant 0 : i32
        %dma_start3A_115 = arith.constant 0 : i32
        %dma_start3A_116 = tpu.memref_slice %arg3[%dma_start3A, %dma_start3A_115] : memref<51200x16xf32, #tpu.memory_space<hbm>> -> memref<51200x16xf32, #tpu.memory_space<hbm>>
        tpu.enqueue_indirect_dma source(%dma_start3A_116 : memref<51200x16xf32, #tpu.memory_space<hbm>>) target(%arg12 : memref<128x16xf32, #tpu.memory_space<vmem>>) offsets(%arg9 : memref<128xi32, #tpu.memory_space<vmem>>) semaphore(%arg17 : memref<!tpu.dma_semaphore, #tpu.memory_space<semaphore_mem>>)
      } else {
      }
    }
    %scan3A_32 = arith.constant 97 : i32
    %add3A_33 = arith.constant 196 : i32
    %add3A_34 = arith.addi %mul3A_6, %add3A_33 : i32
    %sub3A = arith.constant 2 : i32
    %sub3A_35 = arith.subi %add3A_34, %sub3A : i32
    %lt3A_36 = arith.constant 6250 : i32
    %lt3A_37 = arith.cmpi slt, %sub3A_35, %lt3A_36 : i32
    %convert_element_type3A_38 = arith.extui %lt3A_37 : i1 to i32
    %cond3A_39 = arith.constant 0 : i32
    %cond3A_40 = arith.cmpi ne, %convert_element_type3A_38, %cond3A_39 : i32
    scf.if %cond3A_40 {
      %dma_wait3A = arith.constant 0 : i32
      %dma_wait3A_58 = arith.constant 0 : i32
      %dma_wait3A_59 = tpu.memref_slice %arg3[%dma_wait3A, %dma_wait3A_58] : memref<51200x16xf32, #tpu.memory_space<hbm>> -> memref<128x16xf32, #tpu.memory_space<hbm>>
      %dma_wait3A_60 = arith.constant 0 : i32
      %dma_wait3A_61 = arith.constant 0 : i32
      %dma_wait3A_62 = tpu.memref_slice %arg3[%dma_wait3A_60, %dma_wait3A_61] : memref<51200x16xf32, #tpu.memory_space<hbm>> -> memref<128x16xf32, #tpu.memory_space<hbm>>
      tpu.wait_dma2 semaphore(%arg16 : memref<!tpu.dma_semaphore, #tpu.memory_space<semaphore_mem>>) src(%dma_wait3A_62 : memref<128x16xf32, #tpu.memory_space<hbm>>) dst(%arg11 : memref<128x16xf32, #tpu.memory_space<vmem>>)
      "tpu.region"() ({
        %run_scoped3A = tpu.sem_alloc : memref<!tpu.dma_semaphore, #tpu.memory_space<semaphore_mem>>
        %dma_start3A = arith.constant 0 : i32
        %dma_start3A_63 = arith.constant 0 : i32
        %dma_start3A_64 = tpu.memref_slice %arg6[%dma_start3A, %dma_start3A_63] : memref<51200x16xf32, #tpu.memory_space<vmem_shared>> -> memref<51200x16xf32, #tpu.memory_space<vmem_shared>>
        tpu.enqueue_indirect_dma source(%arg11 : memref<128x16xf32, #tpu.memory_space<vmem>>) target(%dma_start3A_64 : memref<51200x16xf32, #tpu.memory_space<vmem_shared>>) offsets(%arg8 : memref<128xi32, #tpu.memory_space<vmem>>) semaphore(%run_scoped3A : memref<!tpu.dma_semaphore, #tpu.memory_space<semaphore_mem>>) {add = true}
        %dma_wait3A_65 = arith.constant 0 : i32
        %dma_wait3A_66 = arith.constant 0 : i32
        %dma_wait3A_67 = tpu.memref_slice %arg6[%dma_wait3A_65, %dma_wait3A_66] : memref<51200x16xf32, #tpu.memory_space<vmem_shared>> -> memref<51200x16xf32, #tpu.memory_space<vmem_shared>>
        tpu.wait_indirect_dma semaphore(%run_scoped3A : memref<!tpu.dma_semaphore, #tpu.memory_space<semaphore_mem>>) src(%arg11 : memref<128x16xf32, #tpu.memory_space<vmem>>) dst(%dma_wait3A_67 : memref<51200x16xf32, #tpu.memory_space<vmem_shared>>)
        tpu.yield
      }) : () -> ()
    } else {
    }
    %add3A_41 = arith.constant 196 : i32
    %add3A_42 = arith.addi %mul3A_6, %add3A_41 : i32
    %sub3A_43 = arith.constant 1 : i32
    %sub3A_44 = arith.subi %add3A_42, %sub3A_43 : i32
    %lt3A_45 = arith.constant 6250 : i32
    %lt3A_46 = arith.cmpi slt, %sub3A_44, %lt3A_45 : i32
    %convert_element_type3A_47 = arith.extui %lt3A_46 : i1 to i32
    %cond3A_48 = arith.constant 0 : i32
    %cond3A_49 = arith.cmpi ne, %convert_element_type3A_47, %cond3A_48 : i32
    scf.if %cond3A_49 {
      %dma_wait3A = arith.constant 0 : i32
      %dma_wait3A_58 = arith.constant 0 : i32
      %dma_wait3A_59 = tpu.memref_slice %arg3[%dma_wait3A, %dma_wait3A_58] : memref<51200x16xf32, #tpu.memory_space<hbm>> -> memref<128x16xf32, #tpu.memory_space<hbm>>
      %dma_wait3A_60 = arith.constant 0 : i32
      %dma_wait3A_61 = arith.constant 0 : i32
      %dma_wait3A_62 = tpu.memref_slice %arg3[%dma_wait3A_60, %dma_wait3A_61] : memref<51200x16xf32, #tpu.memory_space<hbm>> -> memref<128x16xf32, #tpu.memory_space<hbm>>
      tpu.wait_dma2 semaphore(%arg17 : memref<!tpu.dma_semaphore, #tpu.memory_space<semaphore_mem>>) src(%dma_wait3A_62 : memref<128x16xf32, #tpu.memory_space<hbm>>) dst(%arg12 : memref<128x16xf32, #tpu.memory_space<vmem>>)
      "tpu.region"() ({
        %run_scoped3A = tpu.sem_alloc : memref<!tpu.dma_semaphore, #tpu.memory_space<semaphore_mem>>
        %dma_start3A = arith.constant 0 : i32
        %dma_start3A_63 = arith.constant 0 : i32
        %dma_start3A_64 = tpu.memref_slice %arg6[%dma_start3A, %dma_start3A_63] : memref<51200x16xf32, #tpu.memory_space<vmem_shared>> -> memref<51200x16xf32, #tpu.memory_space<vmem_shared>>
        tpu.enqueue_indirect_dma source(%arg12 : memref<128x16xf32, #tpu.memory_space<vmem>>) target(%dma_start3A_64 : memref<51200x16xf32, #tpu.memory_space<vmem_shared>>) offsets(%arg10 : memref<128xi32, #tpu.memory_space<vmem>>) semaphore(%run_scoped3A : memref<!tpu.dma_semaphore, #tpu.memory_space<semaphore_mem>>) {add = true}
        %dma_wait3A_65 = arith.constant 0 : i32
        %dma_wait3A_66 = arith.constant 0 : i32
        %dma_wait3A_67 = tpu.memref_slice %arg6[%dma_wait3A_65, %dma_wait3A_66] : memref<51200x16xf32, #tpu.memory_space<vmem_shared>> -> memref<51200x16xf32, #tpu.memory_space<vmem_shared>>
        tpu.wait_indirect_dma semaphore(%run_scoped3A : memref<!tpu.dma_semaphore, #tpu.memory_space<semaphore_mem>>) src(%arg12 : memref<128x16xf32, #tpu.memory_space<vmem>>) dst(%dma_wait3A_67 : memref<51200x16xf32, #tpu.memory_space<vmem_shared>>)
        tpu.yield
      }) : () -> ()
    } else {
    }
    %barrier3A_50 = arith.constant 0 : index
    tpu.barrier barrier_id(%barrier3A_50)
    %mul3A_51 = arith.constant 3200 : i32
    %mul3A_52 = arith.muli %arg1, %mul3A_51 : i32
    "tpu.region"() ({
      %run_scoped3A = tpu.sem_alloc : memref<!tpu.dma_semaphore, #tpu.memory_space<semaphore_mem>>
      %dma_start3A = arith.constant 0 : i32
      %dma_start3A_58 = tpu.memref_slice %arg6[%mul3A_52, %dma_start3A] : memref<51200x16xf32, #tpu.memory_space<vmem_shared>> -> memref<3200x16xf32, #tpu.memory_space<vmem_shared>>
      %dma_start3A_59 = arith.constant 0 : i32
      %dma_start3A_60 = tpu.memref_slice %arg6[%mul3A_52, %dma_start3A_59] : memref<51200x16xf32, #tpu.memory_space<vmem_shared>> -> memref<3200x16xf32, #tpu.memory_space<vmem_shared>>
      tpu.enqueue_dma source(%dma_start3A_60 : memref<3200x16xf32, #tpu.memory_space<vmem_shared>>) target(%arg13 : memref<3200x16xf32, #tpu.memory_space<vmem>>) target_semaphore(%run_scoped3A : memref<!tpu.dma_semaphore, #tpu.memory_space<semaphore_mem>>)
      %dma_wait3A = arith.constant 0 : i32
      %dma_wait3A_61 = tpu.memref_slice %arg6[%mul3A_52, %dma_wait3A] : memref<51200x16xf32, #tpu.memory_space<vmem_shared>> -> memref<3200x16xf32, #tpu.memory_space<vmem_shared>>
      %dma_wait3A_62 = arith.constant 0 : i32
      %dma_wait3A_63 = tpu.memref_slice %arg6[%mul3A_52, %dma_wait3A_62] : memref<51200x16xf32, #tpu.memory_space<vmem_shared>> -> memref<3200x16xf32, #tpu.memory_space<vmem_shared>>
      tpu.wait_dma2 semaphore(%run_scoped3A : memref<!tpu.dma_semaphore, #tpu.memory_space<semaphore_mem>>) src(%dma_wait3A_63 : memref<3200x16xf32, #tpu.memory_space<vmem_shared>>) dst(%arg13 : memref<3200x16xf32, #tpu.memory_space<vmem>>)
      tpu.yield
    }) : () -> ()
    %mul3A_53 = arith.constant 51200 : i32
    %mul3A_54 = arith.muli %arg0, %mul3A_53 : i32
    %mul3A_55 = arith.constant 3200 : i32
    %mul3A_56 = arith.muli %arg1, %mul3A_55 : i32
    %add3A_57 = arith.addi %mul3A_54, %mul3A_56 : i32
    "tpu.region"() ({
      %run_scoped3A = tpu.sem_alloc : memref<!tpu.dma_semaphore, #tpu.memory_space<semaphore_mem>>
      %dma_start3A = arith.constant 0 : i32
      %dma_start3A_58 = tpu.memref_slice %arg5[%add3A_57, %dma_start3A] : memref<102400x16xf32, #tpu.memory_space<hbm>> -> memref<3200x16xf32, #tpu.memory_space<hbm>>
      %dma_start3A_59 = arith.constant 0 : i32
      %dma_start3A_60 = tpu.memref_slice %arg5[%add3A_57, %dma_start3A_59] : memref<102400x16xf32, #tpu.memory_space<hbm>> -> memref<3200x16xf32, #tpu.memory_space<hbm>>
      tpu.enqueue_dma source(%arg13 : memref<3200x16xf32, #tpu.memory_space<vmem>>) target(%dma_start3A_60 : memref<3200x16xf32, #tpu.memory_space<hbm>>) target_semaphore(%run_scoped3A : memref<!tpu.dma_semaphore, #tpu.memory_space<semaphore_mem>>)
      %dma_wait3A = arith.constant 0 : i32
      %dma_wait3A_61 = tpu.memref_slice %arg5[%add3A_57, %dma_wait3A] : memref<102400x16xf32, #tpu.memory_space<hbm>> -> memref<3200x16xf32, #tpu.memory_space<hbm>>
      %dma_wait3A_62 = arith.constant 0 : i32
      %dma_wait3A_63 = tpu.memref_slice %arg5[%add3A_57, %dma_wait3A_62] : memref<102400x16xf32, #tpu.memory_space<hbm>> -> memref<3200x16xf32, #tpu.memory_space<hbm>>
      tpu.wait_dma2 semaphore(%run_scoped3A : memref<!tpu.dma_semaphore, #tpu.memory_space<semaphore_mem>>) src(%arg13 : memref<3200x16xf32, #tpu.memory_space<vmem>>) dst(%dma_wait3A_63 : memref<3200x16xf32, #tpu.memory_space<hbm>>)
      tpu.yield
    }) : () -> ()
    return
  }
}

module attributes {stable_mosaic.version = 14 : i64} {
  func.func @_tc_prep_body(%arg0: i32, %arg1: memref<2048xf32, #tpu.memory_space<vmem>>, %arg2: memref<2048xf32, #tpu.memory_space<vmem>>, %arg3: memref<2048x16xf32, #tpu.memory_space<vmem>>, %arg4: memref<2048x16xf32, #tpu.memory_space<vmem>>, %arg5: memref<2048x16xf32, #tpu.memory_space<vmem>>) attributes {dimension_semantics = [#tpu.dimension_semantics<arbitrary>], iteration_bounds = array<i64: 25>, scalar_prefetch = 0 : i64, scratch_operands = 0 : i64, tpu.core_type = #tpu.core_type<tc>, window_params = [{transform_indices = @transform_0, window_bounds = array<i64: 2048>}, {transform_indices = @transform_1, window_bounds = array<i64: 2048>}, {transform_indices = @transform_2, window_bounds = array<i64: 2048, 16>}, {transform_indices = @transform_3, window_bounds = array<i64: 2048, 16>}, {transform_indices = @transform_4, window_bounds = array<i64: 2048, 16>}]} {
    %get3A = arith.constant 0 : index
    %get3A_0 = vector.load %arg1[%get3A] : memref<2048xf32, #tpu.memory_space<vmem>>, vector<2048xf32>
    %get3A_1 = arith.constant 0 : index
    %get3A_2 = vector.load %arg2[%get3A_1] : memref<2048xf32, #tpu.memory_space<vmem>>, vector<2048xf32>
    %add3A = arith.addf %get3A_0, %get3A_2 : vector<2048xf32>
    %add3A_3 = arith.constant 1.000000e+00 : f32
    %add3A_4 = vector.broadcast %add3A_3 : f32 to vector<2048xf32>
    %add3A_5 = arith.addf %add3A, %add3A_4 : vector<2048xf32>
    %sqrt3A = math.sqrt %add3A_5 : vector<2048xf32>
    %div3A = arith.constant 1.000000e+00 : f32
    %div3A_6 = vector.broadcast %div3A : f32 to vector<2048xf32>
    %div3A_7 = arith.divf %div3A_6, %sqrt3A : vector<2048xf32>
    %reshape3A = vector.shape_cast %div3A_7 : vector<2048xf32> to vector<2048x1xf32>
    %broadcast_in_dim3A = vector.shape_cast %reshape3A : vector<2048x1xf32> to vector<2048x1xf32>
    %broadcast_in_dim3A_8 = vector.broadcast %broadcast_in_dim3A : vector<2048x1xf32> to vector<2048x16xf32>
    %swap3A = arith.constant 0 : index
    %swap3A_9 = arith.constant 0 : index
    %swap3A_10 = vector.load %arg5[%swap3A, %swap3A_9] : memref<2048x16xf32, #tpu.memory_space<vmem>>, vector<2048x16xf32>
    tpu.vector_store %arg5[%swap3A, %swap3A_9], %broadcast_in_dim3A_8 {strides = array<i32>} : memref<2048x16xf32, #tpu.memory_space<vmem>>, vector<2048x16xf32>,
    %get3A_11 = arith.constant 0 : index
    %get3A_12 = arith.constant 0 : index
    %get3A_13 = vector.load %arg3[%get3A_11, %get3A_12] : memref<2048x16xf32, #tpu.memory_space<vmem>>, vector<2048x16xf32>
    %mul3A = vector.broadcast %reshape3A : vector<2048x1xf32> to vector<2048x16xf32>
    %mul3A_14 = arith.mulf %get3A_13, %mul3A : vector<2048x16xf32>
    %swap3A_15 = arith.constant 0 : index
    %swap3A_16 = arith.constant 0 : index
    %swap3A_17 = vector.load %arg4[%swap3A_15, %swap3A_16] : memref<2048x16xf32, #tpu.memory_space<vmem>>, vector<2048x16xf32>
    tpu.vector_store %arg4[%swap3A_15, %swap3A_16], %mul3A_14 {strides = array<i32>} : memref<2048x16xf32, #tpu.memory_space<vmem>>, vector<2048x16xf32>,
    return
  }
  func.func @transform_0(%arg0: i32) -> i32 {
    %c0_i32 = arith.constant 0 : i32
    return %arg0 : i32
  }
  func.func @transform_1(%arg0: i32) -> i32 {
    %add3A = arith.constant 25 : i32
    %add3A_0 = arith.addi %arg0, %add3A : i32
    %c0_i32 = arith.constant 0 : i32
    return %add3A_0 : i32
  }
  func.func @transform_2(%arg0: i32) -> (i32, i32) {
    %c0_i32 = arith.constant 0 : i32
    %c0_i32_0 = arith.constant 0 : i32
    return %arg0, %c0_i32 : i32, i32
  }
  func.func @transform_3(%arg0: i32) -> (i32, i32) {
    %c0_i32 = arith.constant 0 : i32
    %c0_i32_0 = arith.constant 0 : i32
    return %arg0, %c0_i32 : i32, i32
  }
  func.func @transform_4(%arg0: i32) -> (i32, i32) {
    %c0_i32 = arith.constant 0 : i32
    %c0_i32_0 = arith.constant 0 : i32
    return %arg0, %c0_i32 : i32, i32
  }
}

module attributes {stable_mosaic.version = 14 : i64} {
  func.func @_tc_cell_body(%arg0: i32, %arg1: memref<2048x16xf32, #tpu.memory_space<vmem>>, %arg2: memref<2048x16xf32, #tpu.memory_space<vmem>>, %arg3: memref<2048x16xf32, #tpu.memory_space<vmem>>, %arg4: memref<2048x16xf32, #tpu.memory_space<vmem>>, %arg5: memref<128x64xf32, #tpu.memory_space<vmem>>, %arg6: memref<128x64xf32, #tpu.memory_space<vmem>>, %arg7: memref<128x64xf32, #tpu.memory_space<vmem>>, %arg8: memref<1x64xf32, #tpu.memory_space<vmem>>, %arg9: memref<1x64xf32, #tpu.memory_space<vmem>>, %arg10: memref<1x64xf32, #tpu.memory_space<vmem>>, %arg11: memref<1x64xf32, #tpu.memory_space<vmem>>, %arg12: memref<1x64xf32, #tpu.memory_space<vmem>>, %arg13: memref<1x64xf32, #tpu.memory_space<vmem>>, %arg14: memref<1x64xf32, #tpu.memory_space<vmem>>, %arg15: memref<1x64xf32, #tpu.memory_space<vmem>>, %arg16: memref<1x64xf32, #tpu.memory_space<vmem>>, %arg17: memref<1x16xf32, #tpu.memory_space<vmem>>, %arg18: memref<64x1xf32, #tpu.memory_space<vmem>>, %arg19: memref<1x1xf32, #tpu.memory_space<vmem>>, %arg20: memref<2048xf32, #tpu.memory_space<vmem>>) attributes {dimension_semantics = [#tpu.dimension_semantics<arbitrary>], iteration_bounds = array<i64: 25>, scalar_prefetch = 0 : i64, scratch_operands = 0 : i64, tpu.core_type = #tpu.core_type<tc>, window_params = [{transform_indices = @transform_0, window_bounds = array<i64: 2048, 16>}, {transform_indices = @transform_1, window_bounds = array<i64: 2048, 16>}, {transform_indices = @transform_2, window_bounds = array<i64: 2048, 16>}, {transform_indices = @transform_3, window_bounds = array<i64: 2048, 16>}, {pipeline_mode = #tpu.pipeline_mode<synchronous>, transform_indices = @transform_4, window_bounds = array<i64: 128, 64>}, {pipeline_mode = #tpu.pipeline_mode<synchronous>, transform_indices = @transform_5, window_bounds = array<i64: 128, 64>}, {pipeline_mode = #tpu.pipeline_mode<synchronous>, transform_indices = @transform_6, window_bounds = array<i64: 128, 64>}, {pipeline_mode = #tpu.pipeline_mode<synchronous>, transform_indices = @transform_7, window_bounds = array<i64: 1, 64>}, {pipeline_mode = #tpu.pipeline_mode<synchronous>, transform_indices = @transform_8, window_bounds = array<i64: 1, 64>}, {pipeline_mode = #tpu.pipeline_mode<synchronous>, transform_indices = @transform_9, window_bounds = array<i64: 1, 64>}, {pipeline_mode = #tpu.pipeline_mode<synchronous>, transform_indices = @transform_10, window_bounds = array<i64: 1, 64>}, {pipeline_mode = #tpu.pipeline_mode<synchronous>, transform_indices = @transform_11, window_bounds = array<i64: 1, 64>}, {pipeline_mode = #tpu.pipeline_mode<synchronous>, transform_indices = @transform_12, window_bounds = array<i64: 1, 64>}, {pipeline_mode = #tpu.pipeline_mode<synchronous>, transform_indices = @transform_13, window_bounds = array<i64: 1, 64>}, {pipeline_mode = #tpu.pipeline_mode<synchronous>, transform_indices = @transform_14, window_bounds = array<i64: 1, 64>}, {pipeline_mode = #tpu.pipeline_mode<synchronous>, transform_indices = @transform_15, window_bounds = array<i64: 1, 64>}, {pipeline_mode = #tpu.pipeline_mode<synchronous>, transform_indices = @transform_16, window_bounds = array<i64: 1, 16>}, {pipeline_mode = #tpu.pipeline_mode<synchronous>, transform_indices = @transform_17, window_bounds = array<i64: 64, 1>}, {pipeline_mode = #tpu.pipeline_mode<synchronous>, transform_indices = @transform_18, window_bounds = array<i64: 1, 1>}, {transform_indices = @transform_19, window_bounds = array<i64: 2048>}]} {
    %get3A = arith.constant 0 : index
    %get3A_0 = arith.constant 0 : index
    %get3A_1 = vector.load %arg5[%get3A, %get3A_0] : memref<128x64xf32, #tpu.memory_space<vmem>>, vector<64x64xf32>
    %get3A_2 = arith.constant 64 : index
    %get3A_3 = arith.constant 0 : index
    %get3A_4 = vector.load %arg5[%get3A_2, %get3A_3] : memref<128x64xf32, #tpu.memory_space<vmem>>, vector<64x64xf32>
    %get3A_5 = arith.constant 0 : index
    %get3A_6 = arith.constant 0 : index
    %get3A_7 = vector.load %arg6[%get3A_5, %get3A_6] : memref<128x64xf32, #tpu.memory_space<vmem>>, vector<64x64xf32>
    %get3A_8 = arith.constant 64 : index
    %get3A_9 = arith.constant 0 : index
    %get3A_10 = vector.load %arg6[%get3A_8, %get3A_9] : memref<128x64xf32, #tpu.memory_space<vmem>>, vector<64x64xf32>
    %get3A_11 = arith.constant 0 : index
    %get3A_12 = arith.constant 0 : index
    %get3A_13 = vector.load %arg7[%get3A_11, %get3A_12] : memref<128x64xf32, #tpu.memory_space<vmem>>, vector<64x64xf32>
    %get3A_14 = arith.constant 64 : index
    %get3A_15 = arith.constant 0 : index
    %get3A_16 = vector.load %arg7[%get3A_14, %get3A_15] : memref<128x64xf32, #tpu.memory_space<vmem>>, vector<64x64xf32>
    %get3A_17 = arith.constant 0 : index
    %get3A_18 = arith.constant 0 : index
    %get3A_19 = vector.load %arg8[%get3A_17, %get3A_18] : memref<1x64xf32, #tpu.memory_space<vmem>>, vector<1x64xf32>
    %get3A_20 = arith.constant 0 : index
    %get3A_21 = arith.constant 0 : index
    %get3A_22 = vector.load %arg9[%get3A_20, %get3A_21] : memref<1x64xf32, #tpu.memory_space<vmem>>, vector<1x64xf32>
    %get3A_23 = arith.constant 0 : index
    %get3A_24 = arith.constant 0 : index
    %get3A_25 = vector.load %arg10[%get3A_23, %get3A_24] : memref<1x64xf32, #tpu.memory_space<vmem>>, vector<1x64xf32>
    %get3A_26 = arith.constant 0 : index
    %get3A_27 = arith.constant 0 : index
    %get3A_28 = vector.load %arg11[%get3A_26, %get3A_27] : memref<1x64xf32, #tpu.memory_space<vmem>>, vector<1x64xf32>
    %get3A_29 = arith.constant 0 : index
    %get3A_30 = arith.constant 0 : index
    %get3A_31 = vector.load %arg12[%get3A_29, %get3A_30] : memref<1x64xf32, #tpu.memory_space<vmem>>, vector<1x64xf32>
    %get3A_32 = arith.constant 0 : index
    %get3A_33 = arith.constant 0 : index
    %get3A_34 = vector.load %arg13[%get3A_32, %get3A_33] : memref<1x64xf32, #tpu.memory_space<vmem>>, vector<1x64xf32>
    %get3A_35 = arith.constant 0 : index
    %get3A_36 = arith.constant 0 : index
    %get3A_37 = vector.load %arg17[%get3A_35, %get3A_36] : memref<1x16xf32, #tpu.memory_space<vmem>>, vector<1x16xf32>
    %reduce_max3A = vector.shape_cast %get3A_37 : vector<1x16xf32> to vector<1x1x16xf32>
    %reduce_max3A_38 = arith.constant dense<0xFF800000> : vector<1xf32>
    %reduce_max3A_39 = vector.multi_reduction <maximumf>, %reduce_max3A, %reduce_max3A_38 [1, 2] : vector<1x1x16xf32> to vector<1xf32>
    %reduce_max3A_40 = vector.shape_cast %reduce_max3A_39 : vector<1xf32> to vector<1x1x1xf32>
    %reduce_max3A_41 = vector.extract %reduce_max3A_40[0, 0, 0] : f32 from vector<1x1x1xf32>
    %sub3A = vector.broadcast %reduce_max3A_41 : f32 to vector<1x16xf32>
    %sub3A_42 = arith.subf %get3A_37, %sub3A : vector<1x16xf32>
    %exp3A = math.exp %sub3A_42 : vector<1x16xf32>
    %reduce_sum3A = vector.shape_cast %exp3A : vector<1x16xf32> to vector<1x1x16xf32>
    %reduce_sum3A_43 = arith.constant dense<0.000000e+00> : vector<1xf32>
    %reduce_sum3A_44 = vector.multi_reduction <add>, %reduce_sum3A, %reduce_sum3A_43 [1, 2] : vector<1x1x16xf32> to vector<1xf32>
    %reduce_sum3A_45 = vector.shape_cast %reduce_sum3A_44 : vector<1xf32> to vector<1x1x1xf32>
    %reduce_sum3A_46 = vector.extract %reduce_sum3A_45[0, 0, 0] : f32 from vector<1x1x1xf32>
    %div3A = vector.broadcast %reduce_sum3A_46 : f32 to vector<1x16xf32>
    %div3A_47 = arith.divf %exp3A, %div3A : vector<1x16xf32>
    %get3A_48 = arith.constant 0 : index
    %get3A_49 = arith.constant 0 : index
    %get3A_50 = vector.load %arg4[%get3A_48, %get3A_49] : memref<2048x16xf32, #tpu.memory_space<vmem>>, vector<2048x16xf32>
    %get3A_51 = arith.constant 0 : index
    %get3A_52 = arith.constant 0 : index
    %get3A_53 = vector.load %arg1[%get3A_51, %get3A_52] : memref<2048x16xf32, #tpu.memory_space<vmem>>, vector<2048x16xf32>
    %get3A_54 = arith.constant 0 : index
    %get3A_55 = arith.constant 0 : index
    %get3A_56 = vector.load %arg2[%get3A_54, %get3A_55] : memref<2048x16xf32, #tpu.memory_space<vmem>>, vector<2048x16xf32>
    %add3A = arith.addf %get3A_53, %get3A_56 : vector<2048x16xf32>
    %get3A_57 = arith.constant 0 : index
    %get3A_58 = arith.constant 0 : index
    %get3A_59 = vector.load %arg3[%get3A_57, %get3A_58] : memref<2048x16xf32, #tpu.memory_space<vmem>>, vector<2048x16xf32>
    %add3A_60 = arith.addf %add3A, %get3A_59 : vector<2048x16xf32>
    %mul3A = arith.mulf %get3A_50, %add3A_60 : vector<2048x16xf32>
    %broadcast_in_dim3A = arith.constant 0.000000e+00 : f32
    %broadcast_in_dim3A_61 = vector.broadcast %broadcast_in_dim3A : f32 to vector<2048x64xf32>
    %broadcast_in_dim3A_62 = arith.constant 0.000000e+00 : f32
    %broadcast_in_dim3A_63 = vector.broadcast %broadcast_in_dim3A_62 : f32 to vector<2048x64xf32>
    %slice3A = vector.extract_strided_slice %mul3A {offsets = [0, 0], sizes = [2048, 1], strides = [1, 1]} : vector<2048x16xf32> to vector<2048x1xf32>
    %mul3A_64 = vector.broadcast %slice3A : vector<2048x1xf32> to vector<2048x64xf32>
    %mul3A_65 = vector.broadcast %get3A_19 : vector<1x64xf32> to vector<2048x64xf32>
    %mul3A_66 = arith.mulf %mul3A_64, %mul3A_65 : vector<2048x64xf32>
    %add3A_67 = vector.broadcast %get3A_28 : vector<1x64xf32> to vector<2048x64xf32>
    %add3A_68 = arith.addf %mul3A_66, %add3A_67 : vector<2048x64xf32>
    %mul3A_69 = vector.broadcast %slice3A : vector<2048x1xf32> to vector<2048x64xf32>
    %mul3A_70 = vector.broadcast %get3A_22 : vector<1x64xf32> to vector<2048x64xf32>
    %mul3A_71 = arith.mulf %mul3A_69, %mul3A_70 : vector<2048x64xf32>
    %add3A_72 = vector.broadcast %get3A_31 : vector<1x64xf32> to vector<2048x64xf32>
    %add3A_73 = arith.addf %mul3A_71, %add3A_72 : vector<2048x64xf32>
    %mul3A_74 = vector.broadcast %slice3A : vector<2048x1xf32> to vector<2048x64xf32>
    %mul3A_75 = vector.broadcast %get3A_25 : vector<1x64xf32> to vector<2048x64xf32>
    %mul3A_76 = arith.mulf %mul3A_74, %mul3A_75 : vector<2048x64xf32>
    %add3A_77 = vector.broadcast %get3A_34 : vector<1x64xf32> to vector<2048x64xf32>
    %add3A_78 = arith.addf %mul3A_76, %add3A_77 : vector<2048x64xf32>
    %dot_general3A = arith.constant dense<0.000000e+00> : vector<2048x64xf32>
    %dot_general3A_79 = tpu.matmul %add3A_68, %get3A_1, %dot_general3A {dimension_numbers = #tpu.dot_dimension_numbers<[1], [0], [0], [1], [0, 0, 1, 1], [], []>, transpose_lhs_hint = false} : vector<2048x64xf32>, vector<64x64xf32>, vector<2048x64xf32> -> vector<2048x64xf32>
    %dot_general3A_80 = arith.constant dense<0.000000e+00> : vector<2048x64xf32>
    %dot_general3A_81 = tpu.matmul %broadcast_in_dim3A_61, %get3A_4, %dot_general3A_80 {dimension_numbers = #tpu.dot_dimension_numbers<[1], [0], [0], [1], [0, 0, 1, 1], [], []>, transpose_lhs_hint = false} : vector<2048x64xf32>, vector<64x64xf32>, vector<2048x64xf32> -> vector<2048x64xf32>
    %add3A_82 = arith.addf %dot_general3A_79, %dot_general3A_81 : vector<2048x64xf32>
    %get3A_83 = arith.constant 0 : index
    %get3A_84 = arith.constant 0 : index
    %get3A_85 = vector.load %arg14[%get3A_83, %get3A_84] : memref<1x64xf32, #tpu.memory_space<vmem>>, vector<1x64xf32>
    %add3A_86 = vector.broadcast %get3A_85 : vector<1x64xf32> to vector<2048x64xf32>
    %add3A_87 = arith.addf %add3A_82, %add3A_86 : vector<2048x64xf32>
    %logistic3A = arith.negf %add3A_87 : vector<2048x64xf32>
    %logistic3A_88 = math.exp %logistic3A : vector<2048x64xf32>
    %logistic3A_89 = arith.constant 1.000000e+00 : f32
    %logistic3A_90 = vector.broadcast %logistic3A_89 : f32 to vector<2048x64xf32>
    %logistic3A_91 = arith.addf %logistic3A_90, %logistic3A_88 : vector<2048x64xf32>
    %logistic3A_92 = arith.divf %logistic3A_90, %logistic3A_91 : vector<2048x64xf32>
    %dot_general3A_93 = arith.constant dense<0.000000e+00> : vector<2048x64xf32>
    %dot_general3A_94 = tpu.matmul %add3A_73, %get3A_7, %dot_general3A_93 {dimension_numbers = #tpu.dot_dimension_numbers<[1], [0], [0], [1], [0, 0, 1, 1], [], []>, transpose_lhs_hint = false} : vector<2048x64xf32>, vector<64x64xf32>, vector<2048x64xf32> -> vector<2048x64xf32>
    %dot_general3A_95 = arith.constant dense<0.000000e+00> : vector<2048x64xf32>
    %dot_general3A_96 = tpu.matmul %broadcast_in_dim3A_61, %get3A_10, %dot_general3A_95 {dimension_numbers = #tpu.dot_dimension_numbers<[1], [0], [0], [1], [0, 0, 1, 1], [], []>, transpose_lhs_hint = false} : vector<2048x64xf32>, vector<64x64xf32>, vector<2048x64xf32> -> vector<2048x64xf32>
    %add3A_97 = arith.addf %dot_general3A_94, %dot_general3A_96 : vector<2048x64xf32>
    %get3A_98 = arith.constant 0 : index
    %get3A_99 = arith.constant 0 : index
    %get3A_100 = vector.load %arg15[%get3A_98, %get3A_99] : memref<1x64xf32, #tpu.memory_space<vmem>>, vector<1x64xf32>
    %add3A_101 = vector.broadcast %get3A_100 : vector<1x64xf32> to vector<2048x64xf32>
    %add3A_102 = arith.addf %add3A_97, %add3A_101 : vector<2048x64xf32>
    %logistic3A_103 = arith.negf %add3A_102 : vector<2048x64xf32>
    %logistic3A_104 = math.exp %logistic3A_103 : vector<2048x64xf32>
    %logistic3A_105 = arith.constant 1.000000e+00 : f32
    %logistic3A_106 = vector.broadcast %logistic3A_105 : f32 to vector<2048x64xf32>
    %logistic3A_107 = arith.addf %logistic3A_106, %logistic3A_104 : vector<2048x64xf32>
    %logistic3A_108 = arith.divf %logistic3A_106, %logistic3A_107 : vector<2048x64xf32>
    %dot_general3A_109 = arith.constant dense<0.000000e+00> : vector<2048x64xf32>
    %dot_general3A_110 = tpu.matmul %add3A_78, %get3A_13, %dot_general3A_109 {dimension_numbers = #tpu.dot_dimension_numbers<[1], [0], [0], [1], [0, 0, 1, 1], [], []>, transpose_lhs_hint = false} : vector<2048x64xf32>, vector<64x64xf32>, vector<2048x64xf32> -> vector<2048x64xf32>
    %mul3A_111 = arith.mulf %broadcast_in_dim3A_61, %logistic3A_108 : vector<2048x64xf32>
    %dot_general3A_112 = arith.constant dense<0.000000e+00> : vector<2048x64xf32>
    %dot_general3A_113 = tpu.matmul %mul3A_111, %get3A_16, %dot_general3A_112 {dimension_numbers = #tpu.dot_dimension_numbers<[1], [0], [0], [1], [0, 0, 1, 1], [], []>, transpose_lhs_hint = false} : vector<2048x64xf32>, vector<64x64xf32>, vector<2048x64xf32> -> vector<2048x64xf32>
    %add3A_114 = arith.addf %dot_general3A_110, %dot_general3A_113 : vector<2048x64xf32>
    %get3A_115 = arith.constant 0 : index
    %get3A_116 = arith.constant 0 : index
    %get3A_117 = vector.load %arg16[%get3A_115, %get3A_116] : memref<1x64xf32, #tpu.memory_space<vmem>>, vector<1x64xf32>
    %add3A_118 = vector.broadcast %get3A_117 : vector<1x64xf32> to vector<2048x64xf32>
    %add3A_119 = arith.addf %add3A_114, %add3A_118 : vector<2048x64xf32>
    %tanh3A = math.tanh %add3A_119 : vector<2048x64xf32>
    %sub3A_120 = arith.subf %broadcast_in_dim3A_61, %tanh3A : vector<2048x64xf32>
    %mul3A_121 = arith.mulf %logistic3A_92, %sub3A_120 : vector<2048x64xf32>
    %add3A_122 = arith.addf %tanh3A, %mul3A_121 : vector<2048x64xf32>
    %slice3A_123 = vector.extract_strided_slice %div3A_47 {offsets = [0, 0], sizes = [1, 1], strides = [1, 1]} : vector<1x16xf32> to vector<1x1xf32>
    %mul3A_124 = vector.broadcast %slice3A_123 : vector<1x1xf32> to vector<2048x64xf32>
    %mul3A_125 = arith.mulf %mul3A_124, %add3A_122 : vector<2048x64xf32>
    %add3A_126 = arith.addf %broadcast_in_dim3A_63, %mul3A_125 : vector<2048x64xf32>
    %slice3A_127 = vector.extract_strided_slice %mul3A {offsets = [0, 1], sizes = [2048, 1], strides = [1, 1]} : vector<2048x16xf32> to vector<2048x1xf32>
    %mul3A_128 = vector.broadcast %slice3A_127 : vector<2048x1xf32> to vector<2048x64xf32>
    %mul3A_129 = vector.broadcast %get3A_19 : vector<1x64xf32> to vector<2048x64xf32>
    %mul3A_130 = arith.mulf %mul3A_128, %mul3A_129 : vector<2048x64xf32>
    %add3A_131 = vector.broadcast %get3A_28 : vector<1x64xf32> to vector<2048x64xf32>
    %add3A_132 = arith.addf %mul3A_130, %add3A_131 : vector<2048x64xf32>
    %mul3A_133 = vector.broadcast %slice3A_127 : vector<2048x1xf32> to vector<2048x64xf32>
    %mul3A_134 = vector.broadcast %get3A_22 : vector<1x64xf32> to vector<2048x64xf32>
    %mul3A_135 = arith.mulf %mul3A_133, %mul3A_134 : vector<2048x64xf32>
    %add3A_136 = vector.broadcast %get3A_31 : vector<1x64xf32> to vector<2048x64xf32>
    %add3A_137 = arith.addf %mul3A_135, %add3A_136 : vector<2048x64xf32>
    %mul3A_138 = vector.broadcast %slice3A_127 : vector<2048x1xf32> to vector<2048x64xf32>
    %mul3A_139 = vector.broadcast %get3A_25 : vector<1x64xf32> to vector<2048x64xf32>
    %mul3A_140 = arith.mulf %mul3A_138, %mul3A_139 : vector<2048x64xf32>
    %add3A_141 = vector.broadcast %get3A_34 : vector<1x64xf32> to vector<2048x64xf32>
    %add3A_142 = arith.addf %mul3A_140, %add3A_141 : vector<2048x64xf32>
    %dot_general3A_143 = arith.constant dense<0.000000e+00> : vector<2048x64xf32>
    %dot_general3A_144 = tpu.matmul %add3A_132, %get3A_1, %dot_general3A_143 {dimension_numbers = #tpu.dot_dimension_numbers<[1], [0], [0], [1], [0, 0, 1, 1], [], []>, transpose_lhs_hint = false} : vector<2048x64xf32>, vector<64x64xf32>, vector<2048x64xf32> -> vector<2048x64xf32>
    %dot_general3A_145 = arith.constant dense<0.000000e+00> : vector<2048x64xf32>
    %dot_general3A_146 = tpu.matmul %add3A_122, %get3A_4, %dot_general3A_145 {dimension_numbers = #tpu.dot_dimension_numbers<[1], [0], [0], [1], [0, 0, 1, 1], [], []>, transpose_lhs_hint = false} : vector<2048x64xf32>, vector<64x64xf32>, vector<2048x64xf32> -> vector<2048x64xf32>
    %add3A_147 = arith.addf %dot_general3A_144, %dot_general3A_146 : vector<2048x64xf32>
    %get3A_148 = arith.constant 0 : index
    %get3A_149 = arith.constant 0 : index
    %get3A_150 = vector.load %arg14[%get3A_148, %get3A_149] : memref<1x64xf32, #tpu.memory_space<vmem>>, vector<1x64xf32>
    %add3A_151 = vector.broadcast %get3A_150 : vector<1x64xf32> to vector<2048x64xf32>
    %add3A_152 = arith.addf %add3A_147, %add3A_151 : vector<2048x64xf32>
    %logistic3A_153 = arith.negf %add3A_152 : vector<2048x64xf32>
    %logistic3A_154 = math.exp %logistic3A_153 : vector<2048x64xf32>
    %logistic3A_155 = arith.constant 1.000000e+00 : f32
    %logistic3A_156 = vector.broadcast %logistic3A_155 : f32 to vector<2048x64xf32>
    %logistic3A_157 = arith.addf %logistic3A_156, %logistic3A_154 : vector<2048x64xf32>
    %logistic3A_158 = arith.divf %logistic3A_156, %logistic3A_157 : vector<2048x64xf32>
    %dot_general3A_159 = arith.constant dense<0.000000e+00> : vector<2048x64xf32>
    %dot_general3A_160 = tpu.matmul %add3A_137, %get3A_7, %dot_general3A_159 {dimension_numbers = #tpu.dot_dimension_numbers<[1], [0], [0], [1], [0, 0, 1, 1], [], []>, transpose_lhs_hint = false} : vector<2048x64xf32>, vector<64x64xf32>, vector<2048x64xf32> -> vector<2048x64xf32>
    %dot_general3A_161 = arith.constant dense<0.000000e+00> : vector<2048x64xf32>
    %dot_general3A_162 = tpu.matmul %add3A_122, %get3A_10, %dot_general3A_161 {dimension_numbers = #tpu.dot_dimension_numbers<[1], [0], [0], [1], [0, 0, 1, 1], [], []>, transpose_lhs_hint = false} : vector<2048x64xf32>, vector<64x64xf32>, vector<2048x64xf32> -> vector<2048x64xf32>
    %add3A_163 = arith.addf %dot_general3A_160, %dot_general3A_162 : vector<2048x64xf32>
    %get3A_164 = arith.constant 0 : index
    %get3A_165 = arith.constant 0 : index
    %get3A_166 = vector.load %arg15[%get3A_164, %get3A_165] : memref<1x64xf32, #tpu.memory_space<vmem>>, vector<1x64xf32>
    %add3A_167 = vector.broadcast %get3A_166 : vector<1x64xf32> to vector<2048x64xf32>
    %add3A_168 = arith.addf %add3A_163, %add3A_167 : vector<2048x64xf32>
    %logistic3A_169 = arith.negf %add3A_168 : vector<2048x64xf32>
    %logistic3A_170 = math.exp %logistic3A_169 : vector<2048x64xf32>
    %logistic3A_171 = arith.constant 1.000000e+00 : f32
    %logistic3A_172 = vector.broadcast %logistic3A_171 : f32 to vector<2048x64xf32>
    %logistic3A_173 = arith.addf %logistic3A_172, %logistic3A_170 : vector<2048x64xf32>
    %logistic3A_174 = arith.divf %logistic3A_172, %logistic3A_173 : vector<2048x64xf32>
    %dot_general3A_175 = arith.constant dense<0.000000e+00> : vector<2048x64xf32>
    %dot_general3A_176 = tpu.matmul %add3A_142, %get3A_13, %dot_general3A_175 {dimension_numbers = #tpu.dot_dimension_numbers<[1], [0], [0], [1], [0, 0, 1, 1], [], []>, transpose_lhs_hint = false} : vector<2048x64xf32>, vector<64x64xf32>, vector<2048x64xf32> -> vector<2048x64xf32>
    %mul3A_177 = arith.mulf %add3A_122, %logistic3A_174 : vector<2048x64xf32>
    %dot_general3A_178 = arith.constant dense<0.000000e+00> : vector<2048x64xf32>
    %dot_general3A_179 = tpu.matmul %mul3A_177, %get3A_16, %dot_general3A_178 {dimension_numbers = #tpu.dot_dimension_numbers<[1], [0], [0], [1], [0, 0, 1, 1], [], []>, transpose_lhs_hint = false} : vector<2048x64xf32>, vector<64x64xf32>, vector<2048x64xf32> -> vector<2048x64xf32>
    %add3A_180 = arith.addf %dot_general3A_176, %dot_general3A_179 : vector<2048x64xf32>
    %get3A_181 = arith.constant 0 : index
    %get3A_182 = arith.constant 0 : index
    %get3A_183 = vector.load %arg16[%get3A_181, %get3A_182] : memref<1x64xf32, #tpu.memory_space<vmem>>, vector<1x64xf32>
    %add3A_184 = vector.broadcast %get3A_183 : vector<1x64xf32> to vector<2048x64xf32>
    %add3A_185 = arith.addf %add3A_180, %add3A_184 : vector<2048x64xf32>
    %tanh3A_186 = math.tanh %add3A_185 : vector<2048x64xf32>
    %sub3A_187 = arith.subf %add3A_122, %tanh3A_186 : vector<2048x64xf32>
    %mul3A_188 = arith.mulf %logistic3A_158, %sub3A_187 : vector<2048x64xf32>
    %add3A_189 = arith.addf %tanh3A_186, %mul3A_188 : vector<2048x64xf32>
    %slice3A_190 = vector.extract_strided_slice %div3A_47 {offsets = [0, 1], sizes = [1, 1], strides = [1, 1]} : vector<1x16xf32> to vector<1x1xf32>
    %mul3A_191 = vector.broadcast %slice3A_190 : vector<1x1xf32> to vector<2048x64xf32>
    %mul3A_192 = arith.mulf %mul3A_191, %add3A_189 : vector<2048x64xf32>
    %add3A_193 = arith.addf %add3A_126, %mul3A_192 : vector<2048x64xf32>
    %slice3A_194 = vector.extract_strided_slice %mul3A {offsets = [0, 2], sizes = [2048, 1], strides = [1, 1]} : vector<2048x16xf32> to vector<2048x1xf32>
    %mul3A_195 = vector.broadcast %slice3A_194 : vector<2048x1xf32> to vector<2048x64xf32>
    %mul3A_196 = vector.broadcast %get3A_19 : vector<1x64xf32> to vector<2048x64xf32>
    %mul3A_197 = arith.mulf %mul3A_195, %mul3A_196 : vector<2048x64xf32>
    %add3A_198 = vector.broadcast %get3A_28 : vector<1x64xf32> to vector<2048x64xf32>
    %add3A_199 = arith.addf %mul3A_197, %add3A_198 : vector<2048x64xf32>
    %mul3A_200 = vector.broadcast %slice3A_194 : vector<2048x1xf32> to vector<2048x64xf32>
    %mul3A_201 = vector.broadcast %get3A_22 : vector<1x64xf32> to vector<2048x64xf32>
    %mul3A_202 = arith.mulf %mul3A_200, %mul3A_201 : vector<2048x64xf32>
    %add3A_203 = vector.broadcast %get3A_31 : vector<1x64xf32> to vector<2048x64xf32>
    %add3A_204 = arith.addf %mul3A_202, %add3A_203 : vector<2048x64xf32>
    %mul3A_205 = vector.broadcast %slice3A_194 : vector<2048x1xf32> to vector<2048x64xf32>
    %mul3A_206 = vector.broadcast %get3A_25 : vector<1x64xf32> to vector<2048x64xf32>
    %mul3A_207 = arith.mulf %mul3A_205, %mul3A_206 : vector<2048x64xf32>
    %add3A_208 = vector.broadcast %get3A_34 : vector<1x64xf32> to vector<2048x64xf32>
    %add3A_209 = arith.addf %mul3A_207, %add3A_208 : vector<2048x64xf32>
    %dot_general3A_210 = arith.constant dense<0.000000e+00> : vector<2048x64xf32>
    %dot_general3A_211 = tpu.matmul %add3A_199, %get3A_1, %dot_general3A_210 {dimension_numbers = #tpu.dot_dimension_numbers<[1], [0], [0], [1], [0, 0, 1, 1], [], []>, transpose_lhs_hint = false} : vector<2048x64xf32>, vector<64x64xf32>, vector<2048x64xf32> -> vector<2048x64xf32>
    %dot_general3A_212 = arith.constant dense<0.000000e+00> : vector<2048x64xf32>
    %dot_general3A_213 = tpu.matmul %add3A_189, %get3A_4, %dot_general3A_212 {dimension_numbers = #tpu.dot_dimension_numbers<[1], [0], [0], [1], [0, 0, 1, 1], [], []>, transpose_lhs_hint = false} : vector<2048x64xf32>, vector<64x64xf32>, vector<2048x64xf32> -> vector<2048x64xf32>
    %add3A_214 = arith.addf %dot_general3A_211, %dot_general3A_213 : vector<2048x64xf32>
    %get3A_215 = arith.constant 0 : index
    %get3A_216 = arith.constant 0 : index
    %get3A_217 = vector.load %arg14[%get3A_215, %get3A_216] : memref<1x64xf32, #tpu.memory_space<vmem>>, vector<1x64xf32>
    %add3A_218 = vector.broadcast %get3A_217 : vector<1x64xf32> to vector<2048x64xf32>
    %add3A_219 = arith.addf %add3A_214, %add3A_218 : vector<2048x64xf32>
    %logistic3A_220 = arith.negf %add3A_219 : vector<2048x64xf32>
    %logistic3A_221 = math.exp %logistic3A_220 : vector<2048x64xf32>
    %logistic3A_222 = arith.constant 1.000000e+00 : f32
    %logistic3A_223 = vector.broadcast %logistic3A_222 : f32 to vector<2048x64xf32>
    %logistic3A_224 = arith.addf %logistic3A_223, %logistic3A_221 : vector<2048x64xf32>
    %logistic3A_225 = arith.divf %logistic3A_223, %logistic3A_224 : vector<2048x64xf32>
    %dot_general3A_226 = arith.constant dense<0.000000e+00> : vector<2048x64xf32>
    %dot_general3A_227 = tpu.matmul %add3A_204, %get3A_7, %dot_general3A_226 {dimension_numbers = #tpu.dot_dimension_numbers<[1], [0], [0], [1], [0, 0, 1, 1], [], []>, transpose_lhs_hint = false} : vector<2048x64xf32>, vector<64x64xf32>, vector<2048x64xf32> -> vector<2048x64xf32>
    %dot_general3A_228 = arith.constant dense<0.000000e+00> : vector<2048x64xf32>
    %dot_general3A_229 = tpu.matmul %add3A_189, %get3A_10, %dot_general3A_228 {dimension_numbers = #tpu.dot_dimension_numbers<[1], [0], [0], [1], [0, 0, 1, 1], [], []>, transpose_lhs_hint = false} : vector<2048x64xf32>, vector<64x64xf32>, vector<2048x64xf32> -> vector<2048x64xf32>
    %add3A_230 = arith.addf %dot_general3A_227, %dot_general3A_229 : vector<2048x64xf32>
    %get3A_231 = arith.constant 0 : index
    %get3A_232 = arith.constant 0 : index
    %get3A_233 = vector.load %arg15[%get3A_231, %get3A_232] : memref<1x64xf32, #tpu.memory_space<vmem>>, vector<1x64xf32>
    %add3A_234 = vector.broadcast %get3A_233 : vector<1x64xf32> to vector<2048x64xf32>
    %add3A_235 = arith.addf %add3A_230, %add3A_234 : vector<2048x64xf32>
    %logistic3A_236 = arith.negf %add3A_235 : vector<2048x64xf32>
    %logistic3A_237 = math.exp %logistic3A_236 : vector<2048x64xf32>
    %logistic3A_238 = arith.constant 1.000000e+00 : f32
    %logistic3A_239 = vector.broadcast %logistic3A_238 : f32 to vector<2048x64xf32>
    %logistic3A_240 = arith.addf %logistic3A_239, %logistic3A_237 : vector<2048x64xf32>
    %logistic3A_241 = arith.divf %logistic3A_239, %logistic3A_240 : vector<2048x64xf32>
    %dot_general3A_242 = arith.constant dense<0.000000e+00> : vector<2048x64xf32>
    %dot_general3A_243 = tpu.matmul %add3A_209, %get3A_13, %dot_general3A_242 {dimension_numbers = #tpu.dot_dimension_numbers<[1], [0], [0], [1], [0, 0, 1, 1], [], []>, transpose_lhs_hint = false} : vector<2048x64xf32>, vector<64x64xf32>, vector<2048x64xf32> -> vector<2048x64xf32>
    %mul3A_244 = arith.mulf %add3A_189, %logistic3A_241 : vector<2048x64xf32>
    %dot_general3A_245 = arith.constant dense<0.000000e+00> : vector<2048x64xf32>
    %dot_general3A_246 = tpu.matmul %mul3A_244, %get3A_16, %dot_general3A_245 {dimension_numbers = #tpu.dot_dimension_numbers<[1], [0], [0], [1], [0, 0, 1, 1], [], []>, transpose_lhs_hint = false} : vector<2048x64xf32>, vector<64x64xf32>, vector<2048x64xf32> -> vector<2048x64xf32>
    %add3A_247 = arith.addf %dot_general3A_243, %dot_general3A_246 : vector<2048x64xf32>
    %get3A_248 = arith.constant 0 : index
    %get3A_249 = arith.constant 0 : index
    %get3A_250 = vector.load %arg16[%get3A_248, %get3A_249] : memref<1x64xf32, #tpu.memory_space<vmem>>, vector<1x64xf32>
    %add3A_251 = vector.broadcast %get3A_250 : vector<1x64xf32> to vector<2048x64xf32>
    %add3A_252 = arith.addf %add3A_247, %add3A_251 : vector<2048x64xf32>
    %tanh3A_253 = math.tanh %add3A_252 : vector<2048x64xf32>
    %sub3A_254 = arith.subf %add3A_189, %tanh3A_253 : vector<2048x64xf32>
    %mul3A_255 = arith.mulf %logistic3A_225, %sub3A_254 : vector<2048x64xf32>
    %add3A_256 = arith.addf %tanh3A_253, %mul3A_255 : vector<2048x64xf32>
    %slice3A_257 = vector.extract_strided_slice %div3A_47 {offsets = [0, 2], sizes = [1, 1], strides = [1, 1]} : vector<1x16xf32> to vector<1x1xf32>
    %mul3A_258 = vector.broadcast %slice3A_257 : vector<1x1xf32> to vector<2048x64xf32>
    %mul3A_259 = arith.mulf %mul3A_258, %add3A_256 : vector<2048x64xf32>
    %add3A_260 = arith.addf %add3A_193, %mul3A_259 : vector<2048x64xf32>
    %slice3A_261 = vector.extract_strided_slice %mul3A {offsets = [0, 3], sizes = [2048, 1], strides = [1, 1]} : vector<2048x16xf32> to vector<2048x1xf32>
    %mul3A_262 = vector.broadcast %slice3A_261 : vector<2048x1xf32> to vector<2048x64xf32>
    %mul3A_263 = vector.broadcast %get3A_19 : vector<1x64xf32> to vector<2048x64xf32>
    %mul3A_264 = arith.mulf %mul3A_262, %mul3A_263 : vector<2048x64xf32>
    %add3A_265 = vector.broadcast %get3A_28 : vector<1x64xf32> to vector<2048x64xf32>
    %add3A_266 = arith.addf %mul3A_264, %add3A_265 : vector<2048x64xf32>
    %mul3A_267 = vector.broadcast %slice3A_261 : vector<2048x1xf32> to vector<2048x64xf32>
    %mul3A_268 = vector.broadcast %get3A_22 : vector<1x64xf32> to vector<2048x64xf32>
    %mul3A_269 = arith.mulf %mul3A_267, %mul3A_268 : vector<2048x64xf32>
    %add3A_270 = vector.broadcast %get3A_31 : vector<1x64xf32> to vector<2048x64xf32>
    %add3A_271 = arith.addf %mul3A_269, %add3A_270 : vector<2048x64xf32>
    %mul3A_272 = vector.broadcast %slice3A_261 : vector<2048x1xf32> to vector<2048x64xf32>
    %mul3A_273 = vector.broadcast %get3A_25 : vector<1x64xf32> to vector<2048x64xf32>
    %mul3A_274 = arith.mulf %mul3A_272, %mul3A_273 : vector<2048x64xf32>
    %add3A_275 = vector.broadcast %get3A_34 : vector<1x64xf32> to vector<2048x64xf32>
    %add3A_276 = arith.addf %mul3A_274, %add3A_275 : vector<2048x64xf32>
    %dot_general3A_277 = arith.constant dense<0.000000e+00> : vector<2048x64xf32>
    %dot_general3A_278 = tpu.matmul %add3A_266, %get3A_1, %dot_general3A_277 {dimension_numbers = #tpu.dot_dimension_numbers<[1], [0], [0], [1], [0, 0, 1, 1], [], []>, transpose_lhs_hint = false} : vector<2048x64xf32>, vector<64x64xf32>, vector<2048x64xf32> -> vector<2048x64xf32>
    %dot_general3A_279 = arith.constant dense<0.000000e+00> : vector<2048x64xf32>
    %dot_general3A_280 = tpu.matmul %add3A_256, %get3A_4, %dot_general3A_279 {dimension_numbers = #tpu.dot_dimension_numbers<[1], [0], [0], [1], [0, 0, 1, 1], [], []>, transpose_lhs_hint = false} : vector<2048x64xf32>, vector<64x64xf32>, vector<2048x64xf32> -> vector<2048x64xf32>
    %add3A_281 = arith.addf %dot_general3A_278, %dot_general3A_280 : vector<2048x64xf32>
    %get3A_282 = arith.constant 0 : index
    %get3A_283 = arith.constant 0 : index
    %get3A_284 = vector.load %arg14[%get3A_282, %get3A_283] : memref<1x64xf32, #tpu.memory_space<vmem>>, vector<1x64xf32>
    %add3A_285 = vector.broadcast %get3A_284 : vector<1x64xf32> to vector<2048x64xf32>
    %add3A_286 = arith.addf %add3A_281, %add3A_285 : vector<2048x64xf32>
    %logistic3A_287 = arith.negf %add3A_286 : vector<2048x64xf32>
    %logistic3A_288 = math.exp %logistic3A_287 : vector<2048x64xf32>
    %logistic3A_289 = arith.constant 1.000000e+00 : f32
    %logistic3A_290 = vector.broadcast %logistic3A_289 : f32 to vector<2048x64xf32>
    %logistic3A_291 = arith.addf %logistic3A_290, %logistic3A_288 : vector<2048x64xf32>
    %logistic3A_292 = arith.divf %logistic3A_290, %logistic3A_291 : vector<2048x64xf32>
    %dot_general3A_293 = arith.constant dense<0.000000e+00> : vector<2048x64xf32>
    %dot_general3A_294 = tpu.matmul %add3A_271, %get3A_7, %dot_general3A_293 {dimension_numbers = #tpu.dot_dimension_numbers<[1], [0], [0], [1], [0, 0, 1, 1], [], []>, transpose_lhs_hint = false} : vector<2048x64xf32>, vector<64x64xf32>, vector<2048x64xf32> -> vector<2048x64xf32>
    %dot_general3A_295 = arith.constant dense<0.000000e+00> : vector<2048x64xf32>
    %dot_general3A_296 = tpu.matmul %add3A_256, %get3A_10, %dot_general3A_295 {dimension_numbers = #tpu.dot_dimension_numbers<[1], [0], [0], [1], [0, 0, 1, 1], [], []>, transpose_lhs_hint = false} : vector<2048x64xf32>, vector<64x64xf32>, vector<2048x64xf32> -> vector<2048x64xf32>
    %add3A_297 = arith.addf %dot_general3A_294, %dot_general3A_296 : vector<2048x64xf32>
    %get3A_298 = arith.constant 0 : index
    %get3A_299 = arith.constant 0 : index
    %get3A_300 = vector.load %arg15[%get3A_298, %get3A_299] : memref<1x64xf32, #tpu.memory_space<vmem>>, vector<1x64xf32>
    %add3A_301 = vector.broadcast %get3A_300 : vector<1x64xf32> to vector<2048x64xf32>
    %add3A_302 = arith.addf %add3A_297, %add3A_301 : vector<2048x64xf32>
    %logistic3A_303 = arith.negf %add3A_302 : vector<2048x64xf32>
    %logistic3A_304 = math.exp %logistic3A_303 : vector<2048x64xf32>
    %logistic3A_305 = arith.constant 1.000000e+00 : f32
    %logistic3A_306 = vector.broadcast %logistic3A_305 : f32 to vector<2048x64xf32>
    %logistic3A_307 = arith.addf %logistic3A_306, %logistic3A_304 : vector<2048x64xf32>
    %logistic3A_308 = arith.divf %logistic3A_306, %logistic3A_307 : vector<2048x64xf32>
    %dot_general3A_309 = arith.constant dense<0.000000e+00> : vector<2048x64xf32>
    %dot_general3A_310 = tpu.matmul %add3A_276, %get3A_13, %dot_general3A_309 {dimension_numbers = #tpu.dot_dimension_numbers<[1], [0], [0], [1], [0, 0, 1, 1], [], []>, transpose_lhs_hint = false} : vector<2048x64xf32>, vector<64x64xf32>, vector<2048x64xf32> -> vector<2048x64xf32>
    %mul3A_311 = arith.mulf %add3A_256, %logistic3A_308 : vector<2048x64xf32>
    %dot_general3A_312 = arith.constant dense<0.000000e+00> : vector<2048x64xf32>
    %dot_general3A_313 = tpu.matmul %mul3A_311, %get3A_16, %dot_general3A_312 {dimension_numbers = #tpu.dot_dimension_numbers<[1], [0], [0], [1], [0, 0, 1, 1], [], []>, transpose_lhs_hint = false} : vector<2048x64xf32>, vector<64x64xf32>, vector<2048x64xf32> -> vector<2048x64xf32>
    %add3A_314 = arith.addf %dot_general3A_310, %dot_general3A_313 : vector<2048x64xf32>
    %get3A_315 = arith.constant 0 : index
    %get3A_316 = arith.constant 0 : index
    %get3A_317 = vector.load %arg16[%get3A_315, %get3A_316] : memref<1x64xf32, #tpu.memory_space<vmem>>, vector<1x64xf32>
    %add3A_318 = vector.broadcast %get3A_317 : vector<1x64xf32> to vector<2048x64xf32>
    %add3A_319 = arith.addf %add3A_314, %add3A_318 : vector<2048x64xf32>
    %tanh3A_320 = math.tanh %add3A_319 : vector<2048x64xf32>
    %sub3A_321 = arith.subf %add3A_256, %tanh3A_320 : vector<2048x64xf32>
    %mul3A_322 = arith.mulf %logistic3A_292, %sub3A_321 : vector<2048x64xf32>
    %add3A_323 = arith.addf %tanh3A_320, %mul3A_322 : vector<2048x64xf32>
    %slice3A_324 = vector.extract_strided_slice %div3A_47 {offsets = [0, 3], sizes = [1, 1], strides = [1, 1]} : vector<1x16xf32> to vector<1x1xf32>
    %mul3A_325 = vector.broadcast %slice3A_324 : vector<1x1xf32> to vector<2048x64xf32>
    %mul3A_326 = arith.mulf %mul3A_325, %add3A_323 : vector<2048x64xf32>
    %add3A_327 = arith.addf %add3A_260, %mul3A_326 : vector<2048x64xf32>
    %slice3A_328 = vector.extract_strided_slice %mul3A {offsets = [0, 4], sizes = [2048, 1], strides = [1, 1]} : vector<2048x16xf32> to vector<2048x1xf32>
    %mul3A_329 = vector.broadcast %slice3A_328 : vector<2048x1xf32> to vector<2048x64xf32>
    %mul3A_330 = vector.broadcast %get3A_19 : vector<1x64xf32> to vector<2048x64xf32>
    %mul3A_331 = arith.mulf %mul3A_329, %mul3A_330 : vector<2048x64xf32>
    %add3A_332 = vector.broadcast %get3A_28 : vector<1x64xf32> to vector<2048x64xf32>
    %add3A_333 = arith.addf %mul3A_331, %add3A_332 : vector<2048x64xf32>
    %mul3A_334 = vector.broadcast %slice3A_328 : vector<2048x1xf32> to vector<2048x64xf32>
    %mul3A_335 = vector.broadcast %get3A_22 : vector<1x64xf32> to vector<2048x64xf32>
    %mul3A_336 = arith.mulf %mul3A_334, %mul3A_335 : vector<2048x64xf32>
    %add3A_337 = vector.broadcast %get3A_31 : vector<1x64xf32> to vector<2048x64xf32>
    %add3A_338 = arith.addf %mul3A_336, %add3A_337 : vector<2048x64xf32>
    %mul3A_339 = vector.broadcast %slice3A_328 : vector<2048x1xf32> to vector<2048x64xf32>
    %mul3A_340 = vector.broadcast %get3A_25 : vector<1x64xf32> to vector<2048x64xf32>
    %mul3A_341 = arith.mulf %mul3A_339, %mul3A_340 : vector<2048x64xf32>
    %add3A_342 = vector.broadcast %get3A_34 : vector<1x64xf32> to vector<2048x64xf32>
    %add3A_343 = arith.addf %mul3A_341, %add3A_342 : vector<2048x64xf32>
    %dot_general3A_344 = arith.constant dense<0.000000e+00> : vector<2048x64xf32>
    %dot_general3A_345 = tpu.matmul %add3A_333, %get3A_1, %dot_general3A_344 {dimension_numbers = #tpu.dot_dimension_numbers<[1], [0], [0], [1], [0, 0, 1, 1], [], []>, transpose_lhs_hint = false} : vector<2048x64xf32>, vector<64x64xf32>, vector<2048x64xf32> -> vector<2048x64xf32>
    %dot_general3A_346 = arith.constant dense<0.000000e+00> : vector<2048x64xf32>
    %dot_general3A_347 = tpu.matmul %add3A_323, %get3A_4, %dot_general3A_346 {dimension_numbers = #tpu.dot_dimension_numbers<[1], [0], [0], [1], [0, 0, 1, 1], [], []>, transpose_lhs_hint = false} : vector<2048x64xf32>, vector<64x64xf32>, vector<2048x64xf32> -> vector<2048x64xf32>
    %add3A_348 = arith.addf %dot_general3A_345, %dot_general3A_347 : vector<2048x64xf32>
    %get3A_349 = arith.constant 0 : index
    %get3A_350 = arith.constant 0 : index
    %get3A_351 = vector.load %arg14[%get3A_349, %get3A_350] : memref<1x64xf32, #tpu.memory_space<vmem>>, vector<1x64xf32>
    %add3A_352 = vector.broadcast %get3A_351 : vector<1x64xf32> to vector<2048x64xf32>
    %add3A_353 = arith.addf %add3A_348, %add3A_352 : vector<2048x64xf32>
    %logistic3A_354 = arith.negf %add3A_353 : vector<2048x64xf32>
    %logistic3A_355 = math.exp %logistic3A_354 : vector<2048x64xf32>
    %logistic3A_356 = arith.constant 1.000000e+00 : f32
    %logistic3A_357 = vector.broadcast %logistic3A_356 : f32 to vector<2048x64xf32>
    %logistic3A_358 = arith.addf %logistic3A_357, %logistic3A_355 : vector<2048x64xf32>
    %logistic3A_359 = arith.divf %logistic3A_357, %logistic3A_358 : vector<2048x64xf32>
    %dot_general3A_360 = arith.constant dense<0.000000e+00> : vector<2048x64xf32>
    %dot_general3A_361 = tpu.matmul %add3A_338, %get3A_7, %dot_general3A_360 {dimension_numbers = #tpu.dot_dimension_numbers<[1], [0], [0], [1], [0, 0, 1, 1], [], []>, transpose_lhs_hint = false} : vector<2048x64xf32>, vector<64x64xf32>, vector<2048x64xf32> -> vector<2048x64xf32>
    %dot_general3A_362 = arith.constant dense<0.000000e+00> : vector<2048x64xf32>
    %dot_general3A_363 = tpu.matmul %add3A_323, %get3A_10, %dot_general3A_362 {dimension_numbers = #tpu.dot_dimension_numbers<[1], [0], [0], [1], [0, 0, 1, 1], [], []>, transpose_lhs_hint = false} : vector<2048x64xf32>, vector<64x64xf32>, vector<2048x64xf32> -> vector<2048x64xf32>
    %add3A_364 = arith.addf %dot_general3A_361, %dot_general3A_363 : vector<2048x64xf32>
    %get3A_365 = arith.constant 0 : index
    %get3A_366 = arith.constant 0 : index
    %get3A_367 = vector.load %arg15[%get3A_365, %get3A_366] : memref<1x64xf32, #tpu.memory_space<vmem>>, vector<1x64xf32>
    %add3A_368 = vector.broadcast %get3A_367 : vector<1x64xf32> to vector<2048x64xf32>
    %add3A_369 = arith.addf %add3A_364, %add3A_368 : vector<2048x64xf32>
    %logistic3A_370 = arith.negf %add3A_369 : vector<2048x64xf32>
    %logistic3A_371 = math.exp %logistic3A_370 : vector<2048x64xf32>
    %logistic3A_372 = arith.constant 1.000000e+00 : f32
    %logistic3A_373 = vector.broadcast %logistic3A_372 : f32 to vector<2048x64xf32>
    %logistic3A_374 = arith.addf %logistic3A_373, %logistic3A_371 : vector<2048x64xf32>
    %logistic3A_375 = arith.divf %logistic3A_373, %logistic3A_374 : vector<2048x64xf32>
    %dot_general3A_376 = arith.constant dense<0.000000e+00> : vector<2048x64xf32>
    %dot_general3A_377 = tpu.matmul %add3A_343, %get3A_13, %dot_general3A_376 {dimension_numbers = #tpu.dot_dimension_numbers<[1], [0], [0], [1], [0, 0, 1, 1], [], []>, transpose_lhs_hint = false} : vector<2048x64xf32>, vector<64x64xf32>, vector<2048x64xf32> -> vector<2048x64xf32>
    %mul3A_378 = arith.mulf %add3A_323, %logistic3A_375 : vector<2048x64xf32>
    %dot_general3A_379 = arith.constant dense<0.000000e+00> : vector<2048x64xf32>
    %dot_general3A_380 = tpu.matmul %mul3A_378, %get3A_16, %dot_general3A_379 {dimension_numbers = #tpu.dot_dimension_numbers<[1], [0], [0], [1], [0, 0, 1, 1], [], []>, transpose_lhs_hint = false} : vector<2048x64xf32>, vector<64x64xf32>, vector<2048x64xf32> -> vector<2048x64xf32>
    %add3A_381 = arith.addf %dot_general3A_377, %dot_general3A_380 : vector<2048x64xf32>
    %get3A_382 = arith.constant 0 : index
    %get3A_383 = arith.constant 0 : index
    %get3A_384 = vector.load %arg16[%get3A_382, %get3A_383] : memref<1x64xf32, #tpu.memory_space<vmem>>, vector<1x64xf32>
    %add3A_385 = vector.broadcast %get3A_384 : vector<1x64xf32> to vector<2048x64xf32>
    %add3A_386 = arith.addf %add3A_381, %add3A_385 : vector<2048x64xf32>
    %tanh3A_387 = math.tanh %add3A_386 : vector<2048x64xf32>
    %sub3A_388 = arith.subf %add3A_323, %tanh3A_387 : vector<2048x64xf32>
    %mul3A_389 = arith.mulf %logistic3A_359, %sub3A_388 : vector<2048x64xf32>
    %add3A_390 = arith.addf %tanh3A_387, %mul3A_389 : vector<2048x64xf32>
    %slice3A_391 = vector.extract_strided_slice %div3A_47 {offsets = [0, 4], sizes = [1, 1], strides = [1, 1]} : vector<1x16xf32> to vector<1x1xf32>
    %mul3A_392 = vector.broadcast %slice3A_391 : vector<1x1xf32> to vector<2048x64xf32>
    %mul3A_393 = arith.mulf %mul3A_392, %add3A_390 : vector<2048x64xf32>
    %add3A_394 = arith.addf %add3A_327, %mul3A_393 : vector<2048x64xf32>
    %slice3A_395 = vector.extract_strided_slice %mul3A {offsets = [0, 5], sizes = [2048, 1], strides = [1, 1]} : vector<2048x16xf32> to vector<2048x1xf32>
    %mul3A_396 = vector.broadcast %slice3A_395 : vector<2048x1xf32> to vector<2048x64xf32>
    %mul3A_397 = vector.broadcast %get3A_19 : vector<1x64xf32> to vector<2048x64xf32>
    %mul3A_398 = arith.mulf %mul3A_396, %mul3A_397 : vector<2048x64xf32>
    %add3A_399 = vector.broadcast %get3A_28 : vector<1x64xf32> to vector<2048x64xf32>
    %add3A_400 = arith.addf %mul3A_398, %add3A_399 : vector<2048x64xf32>
    %mul3A_401 = vector.broadcast %slice3A_395 : vector<2048x1xf32> to vector<2048x64xf32>
    %mul3A_402 = vector.broadcast %get3A_22 : vector<1x64xf32> to vector<2048x64xf32>
    %mul3A_403 = arith.mulf %mul3A_401, %mul3A_402 : vector<2048x64xf32>
    %add3A_404 = vector.broadcast %get3A_31 : vector<1x64xf32> to vector<2048x64xf32>
    %add3A_405 = arith.addf %mul3A_403, %add3A_404 : vector<2048x64xf32>
    %mul3A_406 = vector.broadcast %slice3A_395 : vector<2048x1xf32> to vector<2048x64xf32>
    %mul3A_407 = vector.broadcast %get3A_25 : vector<1x64xf32> to vector<2048x64xf32>
    %mul3A_408 = arith.mulf %mul3A_406, %mul3A_407 : vector<2048x64xf32>
    %add3A_409 = vector.broadcast %get3A_34 : vector<1x64xf32> to vector<2048x64xf32>
    %add3A_410 = arith.addf %mul3A_408, %add3A_409 : vector<2048x64xf32>
    %dot_general3A_411 = arith.constant dense<0.000000e+00> : vector<2048x64xf32>
    %dot_general3A_412 = tpu.matmul %add3A_400, %get3A_1, %dot_general3A_411 {dimension_numbers = #tpu.dot_dimension_numbers<[1], [0], [0], [1], [0, 0, 1, 1], [], []>, transpose_lhs_hint = false} : vector<2048x64xf32>, vector<64x64xf32>, vector<2048x64xf32> -> vector<2048x64xf32>
    %dot_general3A_413 = arith.constant dense<0.000000e+00> : vector<2048x64xf32>
    %dot_general3A_414 = tpu.matmul %add3A_390, %get3A_4, %dot_general3A_413 {dimension_numbers = #tpu.dot_dimension_numbers<[1], [0], [0], [1], [0, 0, 1, 1], [], []>, transpose_lhs_hint = false} : vector<2048x64xf32>, vector<64x64xf32>, vector<2048x64xf32> -> vector<2048x64xf32>
    %add3A_415 = arith.addf %dot_general3A_412, %dot_general3A_414 : vector<2048x64xf32>
    %get3A_416 = arith.constant 0 : index
    %get3A_417 = arith.constant 0 : index
    %get3A_418 = vector.load %arg14[%get3A_416, %get3A_417] : memref<1x64xf32, #tpu.memory_space<vmem>>, vector<1x64xf32>
    %add3A_419 = vector.broadcast %get3A_418 : vector<1x64xf32> to vector<2048x64xf32>
    %add3A_420 = arith.addf %add3A_415, %add3A_419 : vector<2048x64xf32>
    %logistic3A_421 = arith.negf %add3A_420 : vector<2048x64xf32>
    %logistic3A_422 = math.exp %logistic3A_421 : vector<2048x64xf32>
    %logistic3A_423 = arith.constant 1.000000e+00 : f32
    %logistic3A_424 = vector.broadcast %logistic3A_423 : f32 to vector<2048x64xf32>
    %logistic3A_425 = arith.addf %logistic3A_424, %logistic3A_422 : vector<2048x64xf32>
    %logistic3A_426 = arith.divf %logistic3A_424, %logistic3A_425 : vector<2048x64xf32>
    %dot_general3A_427 = arith.constant dense<0.000000e+00> : vector<2048x64xf32>
    %dot_general3A_428 = tpu.matmul %add3A_405, %get3A_7, %dot_general3A_427 {dimension_numbers = #tpu.dot_dimension_numbers<[1], [0], [0], [1], [0, 0, 1, 1], [], []>, transpose_lhs_hint = false} : vector<2048x64xf32>, vector<64x64xf32>, vector<2048x64xf32> -> vector<2048x64xf32>
    %dot_general3A_429 = arith.constant dense<0.000000e+00> : vector<2048x64xf32>
    %dot_general3A_430 = tpu.matmul %add3A_390, %get3A_10, %dot_general3A_429 {dimension_numbers = #tpu.dot_dimension_numbers<[1], [0], [0], [1], [0, 0, 1, 1], [], []>, transpose_lhs_hint = false} : vector<2048x64xf32>, vector<64x64xf32>, vector<2048x64xf32> -> vector<2048x64xf32>
    %add3A_431 = arith.addf %dot_general3A_428, %dot_general3A_430 : vector<2048x64xf32>
    %get3A_432 = arith.constant 0 : index
    %get3A_433 = arith.constant 0 : index
    %get3A_434 = vector.load %arg15[%get3A_432, %get3A_433] : memref<1x64xf32, #tpu.memory_space<vmem>>, vector<1x64xf32>
    %add3A_435 = vector.broadcast %get3A_434 : vector<1x64xf32> to vector<2048x64xf32>
    %add3A_436 = arith.addf %add3A_431, %add3A_435 : vector<2048x64xf32>
    %logistic3A_437 = arith.negf %add3A_436 : vector<2048x64xf32>
    %logistic3A_438 = math.exp %logistic3A_437 : vector<2048x64xf32>
    %logistic3A_439 = arith.constant 1.000000e+00 : f32
    %logistic3A_440 = vector.broadcast %logistic3A_439 : f32 to vector<2048x64xf32>
    %logistic3A_441 = arith.addf %logistic3A_440, %logistic3A_438 : vector<2048x64xf32>
    %logistic3A_442 = arith.divf %logistic3A_440, %logistic3A_441 : vector<2048x64xf32>
    %dot_general3A_443 = arith.constant dense<0.000000e+00> : vector<2048x64xf32>
    %dot_general3A_444 = tpu.matmul %add3A_410, %get3A_13, %dot_general3A_443 {dimension_numbers = #tpu.dot_dimension_numbers<[1], [0], [0], [1], [0, 0, 1, 1], [], []>, transpose_lhs_hint = false} : vector<2048x64xf32>, vector<64x64xf32>, vector<2048x64xf32> -> vector<2048x64xf32>
    %mul3A_445 = arith.mulf %add3A_390, %logistic3A_442 : vector<2048x64xf32>
    %dot_general3A_446 = arith.constant dense<0.000000e+00> : vector<2048x64xf32>
    %dot_general3A_447 = tpu.matmul %mul3A_445, %get3A_16, %dot_general3A_446 {dimension_numbers = #tpu.dot_dimension_numbers<[1], [0], [0], [1], [0, 0, 1, 1], [], []>, transpose_lhs_hint = false} : vector<2048x64xf32>, vector<64x64xf32>, vector<2048x64xf32> -> vector<2048x64xf32>
    %add3A_448 = arith.addf %dot_general3A_444, %dot_general3A_447 : vector<2048x64xf32>
    %get3A_449 = arith.constant 0 : index
    %get3A_450 = arith.constant 0 : index
    %get3A_451 = vector.load %arg16[%get3A_449, %get3A_450] : memref<1x64xf32, #tpu.memory_space<vmem>>, vector<1x64xf32>
    %add3A_452 = vector.broadcast %get3A_451 : vector<1x64xf32> to vector<2048x64xf32>
    %add3A_453 = arith.addf %add3A_448, %add3A_452 : vector<2048x64xf32>
    %tanh3A_454 = math.tanh %add3A_453 : vector<2048x64xf32>
    %sub3A_455 = arith.subf %add3A_390, %tanh3A_454 : vector<2048x64xf32>
    %mul3A_456 = arith.mulf %logistic3A_426, %sub3A_455 : vector<2048x64xf32>
    %add3A_457 = arith.addf %tanh3A_454, %mul3A_456 : vector<2048x64xf32>
    %slice3A_458 = vector.extract_strided_slice %div3A_47 {offsets = [0, 5], sizes = [1, 1], strides = [1, 1]} : vector<1x16xf32> to vector<1x1xf32>
    %mul3A_459 = vector.broadcast %slice3A_458 : vector<1x1xf32> to vector<2048x64xf32>
    %mul3A_460 = arith.mulf %mul3A_459, %add3A_457 : vector<2048x64xf32>
    %add3A_461 = arith.addf %add3A_394, %mul3A_460 : vector<2048x64xf32>
    %slice3A_462 = vector.extract_strided_slice %mul3A {offsets = [0, 6], sizes = [2048, 1], strides = [1, 1]} : vector<2048x16xf32> to vector<2048x1xf32>
    %mul3A_463 = vector.broadcast %slice3A_462 : vector<2048x1xf32> to vector<2048x64xf32>
    %mul3A_464 = vector.broadcast %get3A_19 : vector<1x64xf32> to vector<2048x64xf32>
    %mul3A_465 = arith.mulf %mul3A_463, %mul3A_464 : vector<2048x64xf32>
    %add3A_466 = vector.broadcast %get3A_28 : vector<1x64xf32> to vector<2048x64xf32>
    %add3A_467 = arith.addf %mul3A_465, %add3A_466 : vector<2048x64xf32>
    %mul3A_468 = vector.broadcast %slice3A_462 : vector<2048x1xf32> to vector<2048x64xf32>
    %mul3A_469 = vector.broadcast %get3A_22 : vector<1x64xf32> to vector<2048x64xf32>
    %mul3A_470 = arith.mulf %mul3A_468, %mul3A_469 : vector<2048x64xf32>
    %add3A_471 = vector.broadcast %get3A_31 : vector<1x64xf32> to vector<2048x64xf32>
    %add3A_472 = arith.addf %mul3A_470, %add3A_471 : vector<2048x64xf32>
    %mul3A_473 = vector.broadcast %slice3A_462 : vector<2048x1xf32> to vector<2048x64xf32>
    %mul3A_474 = vector.broadcast %get3A_25 : vector<1x64xf32> to vector<2048x64xf32>
    %mul3A_475 = arith.mulf %mul3A_473, %mul3A_474 : vector<2048x64xf32>
    %add3A_476 = vector.broadcast %get3A_34 : vector<1x64xf32> to vector<2048x64xf32>
    %add3A_477 = arith.addf %mul3A_475, %add3A_476 : vector<2048x64xf32>
    %dot_general3A_478 = arith.constant dense<0.000000e+00> : vector<2048x64xf32>
    %dot_general3A_479 = tpu.matmul %add3A_467, %get3A_1, %dot_general3A_478 {dimension_numbers = #tpu.dot_dimension_numbers<[1], [0], [0], [1], [0, 0, 1, 1], [], []>, transpose_lhs_hint = false} : vector<2048x64xf32>, vector<64x64xf32>, vector<2048x64xf32> -> vector<2048x64xf32>
    %dot_general3A_480 = arith.constant dense<0.000000e+00> : vector<2048x64xf32>
    %dot_general3A_481 = tpu.matmul %add3A_457, %get3A_4, %dot_general3A_480 {dimension_numbers = #tpu.dot_dimension_numbers<[1], [0], [0], [1], [0, 0, 1, 1], [], []>, transpose_lhs_hint = false} : vector<2048x64xf32>, vector<64x64xf32>, vector<2048x64xf32> -> vector<2048x64xf32>
    %add3A_482 = arith.addf %dot_general3A_479, %dot_general3A_481 : vector<2048x64xf32>
    %get3A_483 = arith.constant 0 : index
    %get3A_484 = arith.constant 0 : index
    %get3A_485 = vector.load %arg14[%get3A_483, %get3A_484] : memref<1x64xf32, #tpu.memory_space<vmem>>, vector<1x64xf32>
    %add3A_486 = vector.broadcast %get3A_485 : vector<1x64xf32> to vector<2048x64xf32>
    %add3A_487 = arith.addf %add3A_482, %add3A_486 : vector<2048x64xf32>
    %logistic3A_488 = arith.negf %add3A_487 : vector<2048x64xf32>
    %logistic3A_489 = math.exp %logistic3A_488 : vector<2048x64xf32>
    %logistic3A_490 = arith.constant 1.000000e+00 : f32
    %logistic3A_491 = vector.broadcast %logistic3A_490 : f32 to vector<2048x64xf32>
    %logistic3A_492 = arith.addf %logistic3A_491, %logistic3A_489 : vector<2048x64xf32>
    %logistic3A_493 = arith.divf %logistic3A_491, %logistic3A_492 : vector<2048x64xf32>
    %dot_general3A_494 = arith.constant dense<0.000000e+00> : vector<2048x64xf32>
    %dot_general3A_495 = tpu.matmul %add3A_472, %get3A_7, %dot_general3A_494 {dimension_numbers = #tpu.dot_dimension_numbers<[1], [0], [0], [1], [0, 0, 1, 1], [], []>, transpose_lhs_hint = false} : vector<2048x64xf32>, vector<64x64xf32>, vector<2048x64xf32> -> vector<2048x64xf32>
    %dot_general3A_496 = arith.constant dense<0.000000e+00> : vector<2048x64xf32>
    %dot_general3A_497 = tpu.matmul %add3A_457, %get3A_10, %dot_general3A_496 {dimension_numbers = #tpu.dot_dimension_numbers<[1], [0], [0], [1], [0, 0, 1, 1], [], []>, transpose_lhs_hint = false} : vector<2048x64xf32>, vector<64x64xf32>, vector<2048x64xf32> -> vector<2048x64xf32>
    %add3A_498 = arith.addf %dot_general3A_495, %dot_general3A_497 : vector<2048x64xf32>
    %get3A_499 = arith.constant 0 : index
    %get3A_500 = arith.constant 0 : index
    %get3A_501 = vector.load %arg15[%get3A_499, %get3A_500] : memref<1x64xf32, #tpu.memory_space<vmem>>, vector<1x64xf32>
    %add3A_502 = vector.broadcast %get3A_501 : vector<1x64xf32> to vector<2048x64xf32>
    %add3A_503 = arith.addf %add3A_498, %add3A_502 : vector<2048x64xf32>
    %logistic3A_504 = arith.negf %add3A_503 : vector<2048x64xf32>
    %logistic3A_505 = math.exp %logistic3A_504 : vector<2048x64xf32>
    %logistic3A_506 = arith.constant 1.000000e+00 : f32
    %logistic3A_507 = vector.broadcast %logistic3A_506 : f32 to vector<2048x64xf32>
    %logistic3A_508 = arith.addf %logistic3A_507, %logistic3A_505 : vector<2048x64xf32>
    %logistic3A_509 = arith.divf %logistic3A_507, %logistic3A_508 : vector<2048x64xf32>
    %dot_general3A_510 = arith.constant dense<0.000000e+00> : vector<2048x64xf32>
    %dot_general3A_511 = tpu.matmul %add3A_477, %get3A_13, %dot_general3A_510 {dimension_numbers = #tpu.dot_dimension_numbers<[1], [0], [0], [1], [0, 0, 1, 1], [], []>, transpose_lhs_hint = false} : vector<2048x64xf32>, vector<64x64xf32>, vector<2048x64xf32> -> vector<2048x64xf32>
    %mul3A_512 = arith.mulf %add3A_457, %logistic3A_509 : vector<2048x64xf32>
    %dot_general3A_513 = arith.constant dense<0.000000e+00> : vector<2048x64xf32>
    %dot_general3A_514 = tpu.matmul %mul3A_512, %get3A_16, %dot_general3A_513 {dimension_numbers = #tpu.dot_dimension_numbers<[1], [0], [0], [1], [0, 0, 1, 1], [], []>, transpose_lhs_hint = false} : vector<2048x64xf32>, vector<64x64xf32>, vector<2048x64xf32> -> vector<2048x64xf32>
    %add3A_515 = arith.addf %dot_general3A_511, %dot_general3A_514 : vector<2048x64xf32>
    %get3A_516 = arith.constant 0 : index
    %get3A_517 = arith.constant 0 : index
    %get3A_518 = vector.load %arg16[%get3A_516, %get3A_517] : memref<1x64xf32, #tpu.memory_space<vmem>>, vector<1x64xf32>
    %add3A_519 = vector.broadcast %get3A_518 : vector<1x64xf32> to vector<2048x64xf32>
    %add3A_520 = arith.addf %add3A_515, %add3A_519 : vector<2048x64xf32>
    %tanh3A_521 = math.tanh %add3A_520 : vector<2048x64xf32>
    %sub3A_522 = arith.subf %add3A_457, %tanh3A_521 : vector<2048x64xf32>
    %mul3A_523 = arith.mulf %logistic3A_493, %sub3A_522 : vector<2048x64xf32>
    %add3A_524 = arith.addf %tanh3A_521, %mul3A_523 : vector<2048x64xf32>
    %slice3A_525 = vector.extract_strided_slice %div3A_47 {offsets = [0, 6], sizes = [1, 1], strides = [1, 1]} : vector<1x16xf32> to vector<1x1xf32>
    %mul3A_526 = vector.broadcast %slice3A_525 : vector<1x1xf32> to vector<2048x64xf32>
    %mul3A_527 = arith.mulf %mul3A_526, %add3A_524 : vector<2048x64xf32>
    %add3A_528 = arith.addf %add3A_461, %mul3A_527 : vector<2048x64xf32>
    %slice3A_529 = vector.extract_strided_slice %mul3A {offsets = [0, 7], sizes = [2048, 1], strides = [1, 1]} : vector<2048x16xf32> to vector<2048x1xf32>
    %mul3A_530 = vector.broadcast %slice3A_529 : vector<2048x1xf32> to vector<2048x64xf32>
    %mul3A_531 = vector.broadcast %get3A_19 : vector<1x64xf32> to vector<2048x64xf32>
    %mul3A_532 = arith.mulf %mul3A_530, %mul3A_531 : vector<2048x64xf32>
    %add3A_533 = vector.broadcast %get3A_28 : vector<1x64xf32> to vector<2048x64xf32>
    %add3A_534 = arith.addf %mul3A_532, %add3A_533 : vector<2048x64xf32>
    %mul3A_535 = vector.broadcast %slice3A_529 : vector<2048x1xf32> to vector<2048x64xf32>
    %mul3A_536 = vector.broadcast %get3A_22 : vector<1x64xf32> to vector<2048x64xf32>
    %mul3A_537 = arith.mulf %mul3A_535, %mul3A_536 : vector<2048x64xf32>
    %add3A_538 = vector.broadcast %get3A_31 : vector<1x64xf32> to vector<2048x64xf32>
    %add3A_539 = arith.addf %mul3A_537, %add3A_538 : vector<2048x64xf32>
    %mul3A_540 = vector.broadcast %slice3A_529 : vector<2048x1xf32> to vector<2048x64xf32>
    %mul3A_541 = vector.broadcast %get3A_25 : vector<1x64xf32> to vector<2048x64xf32>
    %mul3A_542 = arith.mulf %mul3A_540, %mul3A_541 : vector<2048x64xf32>
    %add3A_543 = vector.broadcast %get3A_34 : vector<1x64xf32> to vector<2048x64xf32>
    %add3A_544 = arith.addf %mul3A_542, %add3A_543 : vector<2048x64xf32>
    %dot_general3A_545 = arith.constant dense<0.000000e+00> : vector<2048x64xf32>
    %dot_general3A_546 = tpu.matmul %add3A_534, %get3A_1, %dot_general3A_545 {dimension_numbers = #tpu.dot_dimension_numbers<[1], [0], [0], [1], [0, 0, 1, 1], [], []>, transpose_lhs_hint = false} : vector<2048x64xf32>, vector<64x64xf32>, vector<2048x64xf32> -> vector<2048x64xf32>
    %dot_general3A_547 = arith.constant dense<0.000000e+00> : vector<2048x64xf32>
    %dot_general3A_548 = tpu.matmul %add3A_524, %get3A_4, %dot_general3A_547 {dimension_numbers = #tpu.dot_dimension_numbers<[1], [0], [0], [1], [0, 0, 1, 1], [], []>, transpose_lhs_hint = false} : vector<2048x64xf32>, vector<64x64xf32>, vector<2048x64xf32> -> vector<2048x64xf32>
    %add3A_549 = arith.addf %dot_general3A_546, %dot_general3A_548 : vector<2048x64xf32>
    %get3A_550 = arith.constant 0 : index
    %get3A_551 = arith.constant 0 : index
    %get3A_552 = vector.load %arg14[%get3A_550, %get3A_551] : memref<1x64xf32, #tpu.memory_space<vmem>>, vector<1x64xf32>
    %add3A_553 = vector.broadcast %get3A_552 : vector<1x64xf32> to vector<2048x64xf32>
    %add3A_554 = arith.addf %add3A_549, %add3A_553 : vector<2048x64xf32>
    %logistic3A_555 = arith.negf %add3A_554 : vector<2048x64xf32>
    %logistic3A_556 = math.exp %logistic3A_555 : vector<2048x64xf32>
    %logistic3A_557 = arith.constant 1.000000e+00 : f32
    %logistic3A_558 = vector.broadcast %logistic3A_557 : f32 to vector<2048x64xf32>
    %logistic3A_559 = arith.addf %logistic3A_558, %logistic3A_556 : vector<2048x64xf32>
    %logistic3A_560 = arith.divf %logistic3A_558, %logistic3A_559 : vector<2048x64xf32>
    %dot_general3A_561 = arith.constant dense<0.000000e+00> : vector<2048x64xf32>
    %dot_general3A_562 = tpu.matmul %add3A_539, %get3A_7, %dot_general3A_561 {dimension_numbers = #tpu.dot_dimension_numbers<[1], [0], [0], [1], [0, 0, 1, 1], [], []>, transpose_lhs_hint = false} : vector<2048x64xf32>, vector<64x64xf32>, vector<2048x64xf32> -> vector<2048x64xf32>
    %dot_general3A_563 = arith.constant dense<0.000000e+00> : vector<2048x64xf32>
    %dot_general3A_564 = tpu.matmul %add3A_524, %get3A_10, %dot_general3A_563 {dimension_numbers = #tpu.dot_dimension_numbers<[1], [0], [0], [1], [0, 0, 1, 1], [], []>, transpose_lhs_hint = false} : vector<2048x64xf32>, vector<64x64xf32>, vector<2048x64xf32> -> vector<2048x64xf32>
    %add3A_565 = arith.addf %dot_general3A_562, %dot_general3A_564 : vector<2048x64xf32>
    %get3A_566 = arith.constant 0 : index
    %get3A_567 = arith.constant 0 : index
    %get3A_568 = vector.load %arg15[%get3A_566, %get3A_567] : memref<1x64xf32, #tpu.memory_space<vmem>>, vector<1x64xf32>
    %add3A_569 = vector.broadcast %get3A_568 : vector<1x64xf32> to vector<2048x64xf32>
    %add3A_570 = arith.addf %add3A_565, %add3A_569 : vector<2048x64xf32>
    %logistic3A_571 = arith.negf %add3A_570 : vector<2048x64xf32>
    %logistic3A_572 = math.exp %logistic3A_571 : vector<2048x64xf32>
    %logistic3A_573 = arith.constant 1.000000e+00 : f32
    %logistic3A_574 = vector.broadcast %logistic3A_573 : f32 to vector<2048x64xf32>
    %logistic3A_575 = arith.addf %logistic3A_574, %logistic3A_572 : vector<2048x64xf32>
    %logistic3A_576 = arith.divf %logistic3A_574, %logistic3A_575 : vector<2048x64xf32>
    %dot_general3A_577 = arith.constant dense<0.000000e+00> : vector<2048x64xf32>
    %dot_general3A_578 = tpu.matmul %add3A_544, %get3A_13, %dot_general3A_577 {dimension_numbers = #tpu.dot_dimension_numbers<[1], [0], [0], [1], [0, 0, 1, 1], [], []>, transpose_lhs_hint = false} : vector<2048x64xf32>, vector<64x64xf32>, vector<2048x64xf32> -> vector<2048x64xf32>
    %mul3A_579 = arith.mulf %add3A_524, %logistic3A_576 : vector<2048x64xf32>
    %dot_general3A_580 = arith.constant dense<0.000000e+00> : vector<2048x64xf32>
    %dot_general3A_581 = tpu.matmul %mul3A_579, %get3A_16, %dot_general3A_580 {dimension_numbers = #tpu.dot_dimension_numbers<[1], [0], [0], [1], [0, 0, 1, 1], [], []>, transpose_lhs_hint = false} : vector<2048x64xf32>, vector<64x64xf32>, vector<2048x64xf32> -> vector<2048x64xf32>
    %add3A_582 = arith.addf %dot_general3A_578, %dot_general3A_581 : vector<2048x64xf32>
    %get3A_583 = arith.constant 0 : index
    %get3A_584 = arith.constant 0 : index
    %get3A_585 = vector.load %arg16[%get3A_583, %get3A_584] : memref<1x64xf32, #tpu.memory_space<vmem>>, vector<1x64xf32>
    %add3A_586 = vector.broadcast %get3A_585 : vector<1x64xf32> to vector<2048x64xf32>
    %add3A_587 = arith.addf %add3A_582, %add3A_586 : vector<2048x64xf32>
    %tanh3A_588 = math.tanh %add3A_587 : vector<2048x64xf32>
    %sub3A_589 = arith.subf %add3A_524, %tanh3A_588 : vector<2048x64xf32>
    %mul3A_590 = arith.mulf %logistic3A_560, %sub3A_589 : vector<2048x64xf32>
    %add3A_591 = arith.addf %tanh3A_588, %mul3A_590 : vector<2048x64xf32>
    %slice3A_592 = vector.extract_strided_slice %div3A_47 {offsets = [0, 7], sizes = [1, 1], strides = [1, 1]} : vector<1x16xf32> to vector<1x1xf32>
    %mul3A_593 = vector.broadcast %slice3A_592 : vector<1x1xf32> to vector<2048x64xf32>
    %mul3A_594 = arith.mulf %mul3A_593, %add3A_591 : vector<2048x64xf32>
    %add3A_595 = arith.addf %add3A_528, %mul3A_594 : vector<2048x64xf32>
    %slice3A_596 = vector.extract_strided_slice %mul3A {offsets = [0, 8], sizes = [2048, 1], strides = [1, 1]} : vector<2048x16xf32> to vector<2048x1xf32>
    %mul3A_597 = vector.broadcast %slice3A_596 : vector<2048x1xf32> to vector<2048x64xf32>
    %mul3A_598 = vector.broadcast %get3A_19 : vector<1x64xf32> to vector<2048x64xf32>
    %mul3A_599 = arith.mulf %mul3A_597, %mul3A_598 : vector<2048x64xf32>
    %add3A_600 = vector.broadcast %get3A_28 : vector<1x64xf32> to vector<2048x64xf32>
    %add3A_601 = arith.addf %mul3A_599, %add3A_600 : vector<2048x64xf32>
    %mul3A_602 = vector.broadcast %slice3A_596 : vector<2048x1xf32> to vector<2048x64xf32>
    %mul3A_603 = vector.broadcast %get3A_22 : vector<1x64xf32> to vector<2048x64xf32>
    %mul3A_604 = arith.mulf %mul3A_602, %mul3A_603 : vector<2048x64xf32>
    %add3A_605 = vector.broadcast %get3A_31 : vector<1x64xf32> to vector<2048x64xf32>
    %add3A_606 = arith.addf %mul3A_604, %add3A_605 : vector<2048x64xf32>
    %mul3A_607 = vector.broadcast %slice3A_596 : vector<2048x1xf32> to vector<2048x64xf32>
    %mul3A_608 = vector.broadcast %get3A_25 : vector<1x64xf32> to vector<2048x64xf32>
    %mul3A_609 = arith.mulf %mul3A_607, %mul3A_608 : vector<2048x64xf32>
    %add3A_610 = vector.broadcast %get3A_34 : vector<1x64xf32> to vector<2048x64xf32>
    %add3A_611 = arith.addf %mul3A_609, %add3A_610 : vector<2048x64xf32>
    %dot_general3A_612 = arith.constant dense<0.000000e+00> : vector<2048x64xf32>
    %dot_general3A_613 = tpu.matmul %add3A_601, %get3A_1, %dot_general3A_612 {dimension_numbers = #tpu.dot_dimension_numbers<[1], [0], [0], [1], [0, 0, 1, 1], [], []>, transpose_lhs_hint = false} : vector<2048x64xf32>, vector<64x64xf32>, vector<2048x64xf32> -> vector<2048x64xf32>
    %dot_general3A_614 = arith.constant dense<0.000000e+00> : vector<2048x64xf32>
    %dot_general3A_615 = tpu.matmul %add3A_591, %get3A_4, %dot_general3A_614 {dimension_numbers = #tpu.dot_dimension_numbers<[1], [0], [0], [1], [0, 0, 1, 1], [], []>, transpose_lhs_hint = false} : vector<2048x64xf32>, vector<64x64xf32>, vector<2048x64xf32> -> vector<2048x64xf32>
    %add3A_616 = arith.addf %dot_general3A_613, %dot_general3A_615 : vector<2048x64xf32>
    %get3A_617 = arith.constant 0 : index
    %get3A_618 = arith.constant 0 : index
    %get3A_619 = vector.load %arg14[%get3A_617, %get3A_618] : memref<1x64xf32, #tpu.memory_space<vmem>>, vector<1x64xf32>
    %add3A_620 = vector.broadcast %get3A_619 : vector<1x64xf32> to vector<2048x64xf32>
    %add3A_621 = arith.addf %add3A_616, %add3A_620 : vector<2048x64xf32>
    %logistic3A_622 = arith.negf %add3A_621 : vector<2048x64xf32>
    %logistic3A_623 = math.exp %logistic3A_622 : vector<2048x64xf32>
    %logistic3A_624 = arith.constant 1.000000e+00 : f32
    %logistic3A_625 = vector.broadcast %logistic3A_624 : f32 to vector<2048x64xf32>
    %logistic3A_626 = arith.addf %logistic3A_625, %logistic3A_623 : vector<2048x64xf32>
    %logistic3A_627 = arith.divf %logistic3A_625, %logistic3A_626 : vector<2048x64xf32>
    %dot_general3A_628 = arith.constant dense<0.000000e+00> : vector<2048x64xf32>
    %dot_general3A_629 = tpu.matmul %add3A_606, %get3A_7, %dot_general3A_628 {dimension_numbers = #tpu.dot_dimension_numbers<[1], [0], [0], [1], [0, 0, 1, 1], [], []>, transpose_lhs_hint = false} : vector<2048x64xf32>, vector<64x64xf32>, vector<2048x64xf32> -> vector<2048x64xf32>
    %dot_general3A_630 = arith.constant dense<0.000000e+00> : vector<2048x64xf32>
    %dot_general3A_631 = tpu.matmul %add3A_591, %get3A_10, %dot_general3A_630 {dimension_numbers = #tpu.dot_dimension_numbers<[1], [0], [0], [1], [0, 0, 1, 1], [], []>, transpose_lhs_hint = false} : vector<2048x64xf32>, vector<64x64xf32>, vector<2048x64xf32> -> vector<2048x64xf32>
    %add3A_632 = arith.addf %dot_general3A_629, %dot_general3A_631 : vector<2048x64xf32>
    %get3A_633 = arith.constant 0 : index
    %get3A_634 = arith.constant 0 : index
    %get3A_635 = vector.load %arg15[%get3A_633, %get3A_634] : memref<1x64xf32, #tpu.memory_space<vmem>>, vector<1x64xf32>
    %add3A_636 = vector.broadcast %get3A_635 : vector<1x64xf32> to vector<2048x64xf32>
    %add3A_637 = arith.addf %add3A_632, %add3A_636 : vector<2048x64xf32>
    %logistic3A_638 = arith.negf %add3A_637 : vector<2048x64xf32>
    %logistic3A_639 = math.exp %logistic3A_638 : vector<2048x64xf32>
    %logistic3A_640 = arith.constant 1.000000e+00 : f32
    %logistic3A_641 = vector.broadcast %logistic3A_640 : f32 to vector<2048x64xf32>
    %logistic3A_642 = arith.addf %logistic3A_641, %logistic3A_639 : vector<2048x64xf32>
    %logistic3A_643 = arith.divf %logistic3A_641, %logistic3A_642 : vector<2048x64xf32>
    %dot_general3A_644 = arith.constant dense<0.000000e+00> : vector<2048x64xf32>
    %dot_general3A_645 = tpu.matmul %add3A_611, %get3A_13, %dot_general3A_644 {dimension_numbers = #tpu.dot_dimension_numbers<[1], [0], [0], [1], [0, 0, 1, 1], [], []>, transpose_lhs_hint = false} : vector<2048x64xf32>, vector<64x64xf32>, vector<2048x64xf32> -> vector<2048x64xf32>
    %mul3A_646 = arith.mulf %add3A_591, %logistic3A_643 : vector<2048x64xf32>
    %dot_general3A_647 = arith.constant dense<0.000000e+00> : vector<2048x64xf32>
    %dot_general3A_648 = tpu.matmul %mul3A_646, %get3A_16, %dot_general3A_647 {dimension_numbers = #tpu.dot_dimension_numbers<[1], [0], [0], [1], [0, 0, 1, 1], [], []>, transpose_lhs_hint = false} : vector<2048x64xf32>, vector<64x64xf32>, vector<2048x64xf32> -> vector<2048x64xf32>
    %add3A_649 = arith.addf %dot_general3A_645, %dot_general3A_648 : vector<2048x64xf32>
    %get3A_650 = arith.constant 0 : index
    %get3A_651 = arith.constant 0 : index
    %get3A_652 = vector.load %arg16[%get3A_650, %get3A_651] : memref<1x64xf32, #tpu.memory_space<vmem>>, vector<1x64xf32>
    %add3A_653 = vector.broadcast %get3A_652 : vector<1x64xf32> to vector<2048x64xf32>
    %add3A_654 = arith.addf %add3A_649, %add3A_653 : vector<2048x64xf32>
    %tanh3A_655 = math.tanh %add3A_654 : vector<2048x64xf32>
    %sub3A_656 = arith.subf %add3A_591, %tanh3A_655 : vector<2048x64xf32>
    %mul3A_657 = arith.mulf %logistic3A_627, %sub3A_656 : vector<2048x64xf32>
    %add3A_658 = arith.addf %tanh3A_655, %mul3A_657 : vector<2048x64xf32>
    %slice3A_659 = vector.extract_strided_slice %div3A_47 {offsets = [0, 8], sizes = [1, 1], strides = [1, 1]} : vector<1x16xf32> to vector<1x1xf32>
    %mul3A_660 = vector.broadcast %slice3A_659 : vector<1x1xf32> to vector<2048x64xf32>
    %mul3A_661 = arith.mulf %mul3A_660, %add3A_658 : vector<2048x64xf32>
    %add3A_662 = arith.addf %add3A_595, %mul3A_661 : vector<2048x64xf32>
    %slice3A_663 = vector.extract_strided_slice %mul3A {offsets = [0, 9], sizes = [2048, 1], strides = [1, 1]} : vector<2048x16xf32> to vector<2048x1xf32>
    %mul3A_664 = vector.broadcast %slice3A_663 : vector<2048x1xf32> to vector<2048x64xf32>
    %mul3A_665 = vector.broadcast %get3A_19 : vector<1x64xf32> to vector<2048x64xf32>
    %mul3A_666 = arith.mulf %mul3A_664, %mul3A_665 : vector<2048x64xf32>
    %add3A_667 = vector.broadcast %get3A_28 : vector<1x64xf32> to vector<2048x64xf32>
    %add3A_668 = arith.addf %mul3A_666, %add3A_667 : vector<2048x64xf32>
    %mul3A_669 = vector.broadcast %slice3A_663 : vector<2048x1xf32> to vector<2048x64xf32>
    %mul3A_670 = vector.broadcast %get3A_22 : vector<1x64xf32> to vector<2048x64xf32>
    %mul3A_671 = arith.mulf %mul3A_669, %mul3A_670 : vector<2048x64xf32>
    %add3A_672 = vector.broadcast %get3A_31 : vector<1x64xf32> to vector<2048x64xf32>
    %add3A_673 = arith.addf %mul3A_671, %add3A_672 : vector<2048x64xf32>
    %mul3A_674 = vector.broadcast %slice3A_663 : vector<2048x1xf32> to vector<2048x64xf32>
    %mul3A_675 = vector.broadcast %get3A_25 : vector<1x64xf32> to vector<2048x64xf32>
    %mul3A_676 = arith.mulf %mul3A_674, %mul3A_675 : vector<2048x64xf32>
    %add3A_677 = vector.broadcast %get3A_34 : vector<1x64xf32> to vector<2048x64xf32>
    %add3A_678 = arith.addf %mul3A_676, %add3A_677 : vector<2048x64xf32>
    %dot_general3A_679 = arith.constant dense<0.000000e+00> : vector<2048x64xf32>
    %dot_general3A_680 = tpu.matmul %add3A_668, %get3A_1, %dot_general3A_679 {dimension_numbers = #tpu.dot_dimension_numbers<[1], [0], [0], [1], [0, 0, 1, 1], [], []>, transpose_lhs_hint = false} : vector<2048x64xf32>, vector<64x64xf32>, vector<2048x64xf32> -> vector<2048x64xf32>
    %dot_general3A_681 = arith.constant dense<0.000000e+00> : vector<2048x64xf32>
    %dot_general3A_682 = tpu.matmul %add3A_658, %get3A_4, %dot_general3A_681 {dimension_numbers = #tpu.dot_dimension_numbers<[1], [0], [0], [1], [0, 0, 1, 1], [], []>, transpose_lhs_hint = false} : vector<2048x64xf32>, vector<64x64xf32>, vector<2048x64xf32> -> vector<2048x64xf32>
    %add3A_683 = arith.addf %dot_general3A_680, %dot_general3A_682 : vector<2048x64xf32>
    %get3A_684 = arith.constant 0 : index
    %get3A_685 = arith.constant 0 : index
    %get3A_686 = vector.load %arg14[%get3A_684, %get3A_685] : memref<1x64xf32, #tpu.memory_space<vmem>>, vector<1x64xf32>
    %add3A_687 = vector.broadcast %get3A_686 : vector<1x64xf32> to vector<2048x64xf32>
    %add3A_688 = arith.addf %add3A_683, %add3A_687 : vector<2048x64xf32>
    %logistic3A_689 = arith.negf %add3A_688 : vector<2048x64xf32>
    %logistic3A_690 = math.exp %logistic3A_689 : vector<2048x64xf32>
    %logistic3A_691 = arith.constant 1.000000e+00 : f32
    %logistic3A_692 = vector.broadcast %logistic3A_691 : f32 to vector<2048x64xf32>
    %logistic3A_693 = arith.addf %logistic3A_692, %logistic3A_690 : vector<2048x64xf32>
    %logistic3A_694 = arith.divf %logistic3A_692, %logistic3A_693 : vector<2048x64xf32>
    %dot_general3A_695 = arith.constant dense<0.000000e+00> : vector<2048x64xf32>
    %dot_general3A_696 = tpu.matmul %add3A_673, %get3A_7, %dot_general3A_695 {dimension_numbers = #tpu.dot_dimension_numbers<[1], [0], [0], [1], [0, 0, 1, 1], [], []>, transpose_lhs_hint = false} : vector<2048x64xf32>, vector<64x64xf32>, vector<2048x64xf32> -> vector<2048x64xf32>
    %dot_general3A_697 = arith.constant dense<0.000000e+00> : vector<2048x64xf32>
    %dot_general3A_698 = tpu.matmul %add3A_658, %get3A_10, %dot_general3A_697 {dimension_numbers = #tpu.dot_dimension_numbers<[1], [0], [0], [1], [0, 0, 1, 1], [], []>, transpose_lhs_hint = false} : vector<2048x64xf32>, vector<64x64xf32>, vector<2048x64xf32> -> vector<2048x64xf32>
    %add3A_699 = arith.addf %dot_general3A_696, %dot_general3A_698 : vector<2048x64xf32>
    %get3A_700 = arith.constant 0 : index
    %get3A_701 = arith.constant 0 : index
    %get3A_702 = vector.load %arg15[%get3A_700, %get3A_701] : memref<1x64xf32, #tpu.memory_space<vmem>>, vector<1x64xf32>
    %add3A_703 = vector.broadcast %get3A_702 : vector<1x64xf32> to vector<2048x64xf32>
    %add3A_704 = arith.addf %add3A_699, %add3A_703 : vector<2048x64xf32>
    %logistic3A_705 = arith.negf %add3A_704 : vector<2048x64xf32>
    %logistic3A_706 = math.exp %logistic3A_705 : vector<2048x64xf32>
    %logistic3A_707 = arith.constant 1.000000e+00 : f32
    %logistic3A_708 = vector.broadcast %logistic3A_707 : f32 to vector<2048x64xf32>
    %logistic3A_709 = arith.addf %logistic3A_708, %logistic3A_706 : vector<2048x64xf32>
    %logistic3A_710 = arith.divf %logistic3A_708, %logistic3A_709 : vector<2048x64xf32>
    %dot_general3A_711 = arith.constant dense<0.000000e+00> : vector<2048x64xf32>
    %dot_general3A_712 = tpu.matmul %add3A_678, %get3A_13, %dot_general3A_711 {dimension_numbers = #tpu.dot_dimension_numbers<[1], [0], [0], [1], [0, 0, 1, 1], [], []>, transpose_lhs_hint = false} : vector<2048x64xf32>, vector<64x64xf32>, vector<2048x64xf32> -> vector<2048x64xf32>
    %mul3A_713 = arith.mulf %add3A_658, %logistic3A_710 : vector<2048x64xf32>
    %dot_general3A_714 = arith.constant dense<0.000000e+00> : vector<2048x64xf32>
    %dot_general3A_715 = tpu.matmul %mul3A_713, %get3A_16, %dot_general3A_714 {dimension_numbers = #tpu.dot_dimension_numbers<[1], [0], [0], [1], [0, 0, 1, 1], [], []>, transpose_lhs_hint = false} : vector<2048x64xf32>, vector<64x64xf32>, vector<2048x64xf32> -> vector<2048x64xf32>
    %add3A_716 = arith.addf %dot_general3A_712, %dot_general3A_715 : vector<2048x64xf32>
    %get3A_717 = arith.constant 0 : index
    %get3A_718 = arith.constant 0 : index
    %get3A_719 = vector.load %arg16[%get3A_717, %get3A_718] : memref<1x64xf32, #tpu.memory_space<vmem>>, vector<1x64xf32>
    %add3A_720 = vector.broadcast %get3A_719 : vector<1x64xf32> to vector<2048x64xf32>
    %add3A_721 = arith.addf %add3A_716, %add3A_720 : vector<2048x64xf32>
    %tanh3A_722 = math.tanh %add3A_721 : vector<2048x64xf32>
    %sub3A_723 = arith.subf %add3A_658, %tanh3A_722 : vector<2048x64xf32>
    %mul3A_724 = arith.mulf %logistic3A_694, %sub3A_723 : vector<2048x64xf32>
    %add3A_725 = arith.addf %tanh3A_722, %mul3A_724 : vector<2048x64xf32>
    %slice3A_726 = vector.extract_strided_slice %div3A_47 {offsets = [0, 9], sizes = [1, 1], strides = [1, 1]} : vector<1x16xf32> to vector<1x1xf32>
    %mul3A_727 = vector.broadcast %slice3A_726 : vector<1x1xf32> to vector<2048x64xf32>
    %mul3A_728 = arith.mulf %mul3A_727, %add3A_725 : vector<2048x64xf32>
    %add3A_729 = arith.addf %add3A_662, %mul3A_728 : vector<2048x64xf32>
    %max3A = arith.constant 0.000000e+00 : f32
    %max3A_730 = vector.broadcast %max3A : f32 to vector<2048x64xf32>
    %max3A_731 = arith.maximumf %add3A_729, %max3A_730 : vector<2048x64xf32>
    %get3A_732 = arith.constant 0 : index
    %get3A_733 = arith.constant 0 : index
    %get3A_734 = vector.load %arg18[%get3A_732, %get3A_733] : memref<64x1xf32, #tpu.memory_space<vmem>>, vector<64x1xf32>
    %dot_general3A_735 = arith.constant dense<0.000000e+00> : vector<2048x1xf32>
    %dot_general3A_736 = tpu.matmul %max3A_731, %get3A_734, %dot_general3A_735 {dimension_numbers = #tpu.dot_dimension_numbers<[1], [0], [0], [1], [0, 0, 1, 1], [], []>, transpose_lhs_hint = false} : vector<2048x64xf32>, vector<64x1xf32>, vector<2048x1xf32> -> vector<2048x1xf32>
    %get3A_737 = arith.constant 0 : index
    %get3A_738 = arith.constant 0 : index
    %get3A_739 = vector.load %arg19[%get3A_737, %get3A_738] : memref<1x1xf32, #tpu.memory_space<vmem>>, vector<1x1xf32>
    %add3A_740 = vector.broadcast %get3A_739 : vector<1x1xf32> to vector<2048x1xf32>
    %add3A_741 = arith.addf %dot_general3A_736, %add3A_740 : vector<2048x1xf32>
    %squeeze3A = vector.shape_cast %add3A_741 : vector<2048x1xf32> to vector<2048xf32>
    %swap3A = arith.constant 0 : index
    %swap3A_742 = vector.load %arg20[%swap3A] : memref<2048xf32, #tpu.memory_space<vmem>>, vector<2048xf32>
    tpu.vector_store %arg20[%swap3A], %squeeze3A {strides = array<i32>} : memref<2048xf32, #tpu.memory_space<vmem>>, vector<2048xf32>,
    return
  }
  func.func @transform_0(%arg0: i32) -> (i32, i32) {
    %c0_i32 = arith.constant 0 : i32
    %c0_i32_0 = arith.constant 0 : i32
    return %arg0, %c0_i32 : i32, i32
  }
  func.func @transform_1(%arg0: i32) -> (i32, i32) {
    %add3A = arith.constant 25 : i32
    %add3A_0 = arith.addi %arg0, %add3A : i32
    %c0_i32 = arith.constant 0 : i32
    %c0_i32_1 = arith.constant 0 : i32
    return %add3A_0, %c0_i32 : i32, i32
  }
  func.func @transform_2(%arg0: i32) -> (i32, i32) {
    %c0_i32 = arith.constant 0 : i32
    %c0_i32_0 = arith.constant 0 : i32
    return %arg0, %c0_i32 : i32, i32
  }
  func.func @transform_3(%arg0: i32) -> (i32, i32) {
    %c0_i32 = arith.constant 0 : i32
    %c0_i32_0 = arith.constant 0 : i32
    return %arg0, %c0_i32 : i32, i32
  }
  func.func @transform_4(%arg0: i32) -> (i32, i32) {
    %c0_i32 = arith.constant 0 : i32
    %c0_i32_0 = arith.constant 0 : i32
    %c0_i32_1 = arith.constant 0 : i32
    return %c0_i32, %c0_i32_0 : i32, i32
  }
  func.func @transform_5(%arg0: i32) -> (i32, i32) {
    %c0_i32 = arith.constant 0 : i32
    %c0_i32_0 = arith.constant 0 : i32
    %c0_i32_1 = arith.constant 0 : i32
    return %c0_i32, %c0_i32_0 : i32, i32
  }
  func.func @transform_6(%arg0: i32) -> (i32, i32) {
    %c0_i32 = arith.constant 0 : i32
    %c0_i32_0 = arith.constant 0 : i32
    %c0_i32_1 = arith.constant 0 : i32
    return %c0_i32, %c0_i32_0 : i32, i32
  }
  func.func @transform_7(%arg0: i32) -> (i32, i32) {
    %c0_i32 = arith.constant 0 : i32
    %c0_i32_0 = arith.constant 0 : i32
    %c0_i32_1 = arith.constant 0 : i32
    return %c0_i32, %c0_i32_0 : i32, i32
  }
  func.func @transform_8(%arg0: i32) -> (i32, i32) {
    %c0_i32 = arith.constant 0 : i32
    %c0_i32_0 = arith.constant 0 : i32
    %c0_i32_1 = arith.constant 0 : i32
    return %c0_i32, %c0_i32_0 : i32, i32
  }
  func.func @transform_9(%arg0: i32) -> (i32, i32) {
    %c0_i32 = arith.constant 0 : i32
    %c0_i32_0 = arith.constant 0 : i32
    %c0_i32_1 = arith.constant 0 : i32
    return %c0_i32, %c0_i32_0 : i32, i32
  }
  func.func @transform_10(%arg0: i32) -> (i32, i32) {
    %c0_i32 = arith.constant 0 : i32
    %c0_i32_0 = arith.constant 0 : i32
    %c0_i32_1 = arith.constant 0 : i32
    return %c0_i32, %c0_i32_0 : i32, i32
  }
  func.func @transform_11(%arg0: i32) -> (i32, i32) {
    %c0_i32 = arith.constant 0 : i32
    %c0_i32_0 = arith.constant 0 : i32
    %c0_i32_1 = arith.constant 0 : i32
    return %c0_i32, %c0_i32_0 : i32, i32
  }
  func.func @transform_12(%arg0: i32) -> (i32, i32) {
    %c0_i32 = arith.constant 0 : i32
    %c0_i32_0 = arith.constant 0 : i32
    %c0_i32_1 = arith.constant 0 : i32
    return %c0_i32, %c0_i32_0 : i32, i32
  }
  func.func @transform_13(%arg0: i32) -> (i32, i32) {
    %c0_i32 = arith.constant 0 : i32
    %c0_i32_0 = arith.constant 0 : i32
    %c0_i32_1 = arith.constant 0 : i32
    return %c0_i32, %c0_i32_0 : i32, i32
  }
  func.func @transform_14(%arg0: i32) -> (i32, i32) {
    %c0_i32 = arith.constant 0 : i32
    %c0_i32_0 = arith.constant 0 : i32
    %c0_i32_1 = arith.constant 0 : i32
    return %c0_i32, %c0_i32_0 : i32, i32
  }
  func.func @transform_15(%arg0: i32) -> (i32, i32) {
    %c0_i32 = arith.constant 0 : i32
    %c0_i32_0 = arith.constant 0 : i32
    %c0_i32_1 = arith.constant 0 : i32
    return %c0_i32, %c0_i32_0 : i32, i32
  }
  func.func @transform_16(%arg0: i32) -> (i32, i32) {
    %c0_i32 = arith.constant 0 : i32
    %c0_i32_0 = arith.constant 0 : i32
    %c0_i32_1 = arith.constant 0 : i32
    return %c0_i32, %c0_i32_0 : i32, i32
  }
  func.func @transform_17(%arg0: i32) -> (i32, i32) {
    %c0_i32 = arith.constant 0 : i32
    %c0_i32_0 = arith.constant 0 : i32
    %c0_i32_1 = arith.constant 0 : i32
    return %c0_i32, %c0_i32_0 : i32, i32
  }
  func.func @transform_18(%arg0: i32) -> (i32, i32) {
    %c0_i32 = arith.constant 0 : i32
    %c0_i32_0 = arith.constant 0 : i32
    %c0_i32_1 = arith.constant 0 : i32
    return %c0_i32, %c0_i32_0 : i32, i32
  }
  func.func @transform_19(%arg0: i32) -> i32 {
    %c0_i32 = arith.constant 0 : i32
    return %arg0 : i32
  }
}

</mosaic_0001>

<sc_bundles>
// kernel: kernel.6.cloned.1.call-start
scs
__scs_entry_jumppad:
0x0: {  	(pc) =	sbr.rel $0x88, $3  }
0x1: {  	(tag) =	ssettag $0x0;
	lr =	simm.s32 $0x1  }
0x2: {  	[smem:$0x3F90] =	sst lr;
	_ =	strace $0xD0000000  }
0x3: {  	_ = 	snop  }
0x4: {  	_ = 	snop  }
0x5: {  	_ = 	snop  }
0x6: {  	_ = 	snop  }
0x7: {  	_ = 	snop  }
__scs_overlays_trampoline_lowered:
0x8: {  	[smem:$0x3F9F] =	sst s0  }
0x9: {  	[smem:$0x3FA0] =	sst s1  }
0xa: {  	[smem:$0x3FA1] =	sst s2  }
0xb: {  	[smem:$0x3FA2] =	sst s3  }
0xc: {  	[smem:$0x3FA3] =	sst s4  }
0xd: {  	[smem:$0x3FA4] =	sst s5  }
0xe: {  	[smem:$0x3FA5] =	sst s6  }
0xf: {  	[smem:$0x3FA6] =	sst s7  }
0x10: {  	[smem:$0x3FA7] =	sst s8  }
0x11: {  	[smem:$0x3FA8] =	sst s9;
	s0 =	simm.s32 @!p0 $0x0  }
0x12: {  	s1 =	sld [smem:$0x3F8E];
	s0 =	simm.s32 @p0 $0x1  }
0x13: {  	[smem:$0x3FA9] =	sst s0;
	s0 =	simm.s32 @!p1 $0x0  }
0x14: {  	s2 =	sld [smem:$0x3F8D];
	s0 =	simm.s32 @p1 $0x1  }
0x15: {  	[smem:$0x3FAA] =	sst s0;
	s0 =	simm.s32 @!p2 $0x0  }
0x16: {  	s3 =	sld [smem:$0x3FDB];
	s0 =	simm.s32 @p2 $0x1  }
0x17: {  	s4 =	simm.s32 $0x1BF5;
	[smem:$0x3FAC] =	sst s0  }
0x18: {  	s0 =	sld [smem:$0x3F8F];
	_ =	swait.ge [sflag:s4], $0x0  }
0x19: {  	s7 =	sld [smem:$0x3F90]  }
0x1a: {  	s8 =	sadd.s32 $0xFFFFE003, lr  }
0x1b: {  	s9 =	sadd.s32 $0xFFFFFEF7, lr;
	s5 =	simm.s32 $0xFFFFFFFF;
	p2 =	slt.u32 s8, $0xFFFFF086  }
0x1c: {  	p1 =	slt.u32 s9, $0xF7A;
	s5 =	simm.s32 @!p2 $0x0  }
0x1d: {  	s5 =	simm.s32 @p1 $0x1;
	p0 =	seq.s32 s7, s2  }
0x1e: {  	s7 =	smul.u32 @!p0 $0xF7A, s2;
	p2 =	seq.s32 @!p0 s5, $0x0  }
0x1f: {  	s9 =	smul.u32 $0xF7A, s1;
	s8 =	simm.s32 @!p0 $0x1BF5;
	p2 =	por !p2, p0  }
0x20: {  	[sflag:s8] =	ssyncset.s32 @!p0 $0xFFFFF086;
	s6 =	sadd.s32 @!p0 s3, s7;
	s7 =	simm.s32 @!p0 $0x108  }
0x21: {  	s3 =	sadd.s32 s3, s9;
	s6 =	sadd.s32 @!p0 $0x88, s6;
	s7 =	simm.s32 @p2 $0x1082  }
0x22: {  	[simem:s7], [sflag:s8] =	dma.local @!p0 [hbm:s6], $0xF7A  }
0x23: {  	s9 =	sor.u32 $0xD0000000, s2;
	s6 =	simm.s32 $0x108;
	_ =	swait.ge @!p0 [sflag:s8], $0x0  }
0x24: {  	s3 =	sadd.s32 $0x88, s3;
	s6 =	simm.s32 @!p1 $0x1082;
	[sflag:s4] =	ssyncset.s32 $0xFFFFF086  }
0x25: {  	[simem:s6], [sflag:s4] =	dma.local [hbm:s3], $0xF7A  }
0x26: {  	[smem:$0x3F90] =	sst s1;
	(tag) =	ssettag s2;
	_ =	strace s9  }
0x27: {  	s1 =	sld [smem:$0x3FA0]  }
0x28: {  	s2 =	sld [smem:$0x3FA1]  }
0x29: {  	s4 =	sld [smem:$0x3FA3]  }
0x2a: {  	p0 =	seq.s32 s5, $0x0;
	s5 =	sld [smem:$0x3FA4]  }
0x2b: {  	s6 =	sld [smem:$0x3FA5]  }
0x2c: {  	s7 =	sld [smem:$0x3FA6]  }
0x2d: {  	s3 =	simm.s32 $0x108;
	s8 =	sld [smem:$0x3FA7]  }
0x2e: {  	s3 =	simm.s32 @!p0 $0x1082;
	s9 =	sld [smem:$0x3FA8]  }
0x2f: {  	lr =	sadd.s32 s0, s3;
	s0 =	sld [smem:$0x3F9F]  }
0x30: {  	s3 =	sld [smem:$0x3FA2]  }
0x31: {  	[smem:$0x3FAB] =	sst s10  }
0x32: {  	s10 =	sld [smem:$0x3FA9];
	_ =	sdelay $0x3  }
0x33: {  	p0 =	seq.s32 s10, $0x1;
	s10 =	sld [smem:$0x3FAB];
	_ =	sdelay $0x3  }
0x34: {  	[smem:$0x3FAB] =	sst s10  }
0x35: {  	s10 =	sld [smem:$0x3FAA];
	_ =	sdelay $0x3  }
0x36: {  	p1 =	seq.s32 s10, $0x1;
	s10 =	sld [smem:$0x3FAB];
	_ =	sdelay $0x3  }
0x37: {  	[smem:$0x3FAB] =	sst s10  }
0x38: {  	s10 =	sld [smem:$0x3FAC]  }
0x39: {  	_ = 	snop;
	(pc) =	sbr.ind lr, $3  }
0x3a: {  	_ = 	snop  }
0x3b: {  	_ = 	snop  }
0x3c: {  	p2 =	seq.s32 s10, $0x1;
	s10 =	sld [smem:$0x3FAB]  }
0x3d: {  	_ =	shalt  }
0x3e: {  	_ =	shalt  }
0x3f: {  	_ =	shalt  }
0x40: {  	_ =	shalt  }
0x41: {  	_ =	shalt  }
0x42: {  	_ =	shalt  }
0x43: {  	_ =	shalt  }
0x44: {  	_ =	shalt  }
0x45: {  	_ =	shalt  }
0x46: {  	_ =	shalt  }
0x47: {  	_ =	shalt  }
0x48: {  	_ =	shalt  }
0x49: {  	_ =	shalt  }
0x4a: {  	_ =	shalt  }
0x4b: {  	_ =	shalt  }
0x4c: {  	_ =	shalt  }
0x4d: {  	_ =	shalt  }
0x4e: {  	_ =	shalt  }
0x4f: {  	_ =	shalt  }
0x50: {  	_ =	shalt  }
0x51: {  	_ =	shalt  }
0x52: {  	_ =	shalt  }
0x53: {  	_ =	shalt  }
0x54: {  	_ =	shalt  }
0x55: {  	_ =	shalt  }
0x56: {  	_ =	shalt  }
0x57: {  	_ =	shalt  }
0x58: {  	_ =	shalt  }
0x59: {  	_ =	shalt  }
0x5a: {  	_ =	shalt  }
0x5b: {  	_ =	shalt  }
0x5c: {  	_ =	shalt  }
0x5d: {  	_ =	shalt  }
0x5e: {  	_ =	shalt  }
0x5f: {  	_ =	shalt  }
0x60: {  	_ =	shalt  }
0x61: {  	_ =	shalt  }
0x62: {  	_ =	shalt  }
0x63: {  	_ =	shalt  }
0x64: {  	_ =	shalt  }
0x65: {  	_ =	shalt  }
0x66: {  	_ =	shalt  }
0x67: {  	_ =	shalt  }
0x68: {  	_ =	shalt  }
0x69: {  	_ =	shalt  }
0x6a: {  	_ =	shalt  }
0x6b: {  	_ =	shalt  }
0x6c: {  	_ =	shalt  }
0x6d: {  	_ =	shalt  }
0x6e: {  	_ =	shalt  }
0x6f: {  	_ =	shalt  }
0x70: {  	_ =	shalt  }
0x71: {  	_ =	shalt  }
0x72: {  	_ =	shalt  }
0x73: {  	_ =	shalt  }
0x74: {  	_ =	shalt  }
0x75: {  	_ =	shalt  }
0x76: {  	_ =	shalt  }
0x77: {  	_ =	shalt  }
0x78: {  	_ =	shalt  }
0x79: {  	_ =	shalt  }
0x7a: {  	_ =	shalt  }
0x7b: {  	_ =	shalt  }
0x7c: {  	_ =	shalt  }
0x7d: {  	_ =	shalt  }
0x7e: {  	_ =	shalt  }
0x7f: {  	_ =	shalt  }
0x80: {  	_ =	shalt  }
0x81: {  	_ =	shalt  }
0x82: {  	_ =	shalt  }
0x83: {  	_ =	shalt  }
0x84: {  	_ =	shalt  }
0x85: {  	_ =	shalt  }
0x86: {  	_ =	shalt  }
0x87: {  	_ =	shalt  }
.Lfunc_end0:
.L_simem_size_0:
called_computation_lowered:
.L_overlay_start_0:
0x88: {  	s2 =	sld [smem:$0x3FD9]  }
0x89: {  	s3 =	sld [smem:$0x3FFE];
	_ =	sdelay $0x1  }
0x8a: {  	s1 =	srdreg.scid  }
0x8b: {  	s0 =	sand.u32 $0x1, s1  }
0x8c: {  	s16 =	sshll.u32 s0, $0xA;
	s2 =	sadd.s32 s3, s2  }
0x8d: {  	s2 =	sadd.s32 s2, s16  }
0x8e: {  	[smem:$0x3FB7] =	sst s2  }
0x8f: {  	_ = 	snop  }
0x90: {  	(tm) =	ssettm $0x1  }
0x91: {  	s17 =	sld [smem:$0x3FFB];
	_ =	sdelay $0x3  }
0x92: {  	_ =	strace s17  }
0x93: {  	s2 =	sld [smem:$0x3FFC];
	_ =	sdelay $0x3  }
0x94: {  	_ =	strace s2  }
0x95: {  	s2 =	sld [smem:$0x3FFD];
	_ =	sdelay $0x3  }
0x96: {  	_ =	strace s2  }
0x97: {  	_ =	strace $0x8FFFFFFF  }
0x98: {  	s18 =	sld [smem:$0x3FDB];
	_ =	sdelay $0x1  }
0x99: {  	s19 =	simm.s32 $_scs_section_size  }
0x9a: {  	s4 =	simm.s32 $_size__tile_overlayer_lowered;
	s5 =	simm.s32 $_tile_overlayer_lowered  }
0x9b: {  	s22 =	simm.s32 $0x1BFF;
	s21 =	sshll.u32 s5, $0x1;
	s2 =	sadd.s32 s19, s18  }
0x9c: {  	s6 =	simm.s32 $0x0;
	s20 =	sshll.u32 s4, $0x1;
	s4 =	sadd.s32 s21, s2  }
0x9d: {  	[timem:s6], [sflag:s22] =	dma.local [hbm:s4], s20  }
0x9e: {  	_ =	swait.ge [sflag:s22], s20  }
0x9f: {  	s3 =	ssub.s32 $0x0, s20;
	[sflag:s22] =	ssyncset.done $0x0  }
0xa0: {  	[sflag:s22] =	ssyncadd.s32 s3;
	_ =	sdelay $0x1  }
0xa1: {  	s23 =	simm.s32 $0x1B8B  }
0xa2: {  	_ =	swait.ge [sflag:s23], $0x1  }
0xa3: {  	[sflag:s23] =	ssyncset.done $0x0  }
0xa4: {  	s25 =	simm.s32 $0x1B8E;
	s24 =	sld [smem:$0x3FFE];
	[sflag:s23] =	ssyncadd.s32 $0xFFFFFFFF  }
0xa5: {  	s26 =	simm.s32 $execute0_lowered;
	[smem:$0x3FD2] =	sst s25  }
0xa6: {  	s4 =	sshll.u32 s26, $0x1;
	_ =	strace $0x80000046;
	[dreg:$0x1] =	wrdreg $0xFFFFFFFF  }
0xa7: {  	s28 =	simm.s32 $_size_execute0_lowered;
	s2 =	sadd.s32 s2, s4;
	[dreg:$0x0] =	wrdreg $0x0  }
0xa8: {  	s4 =	sshll.u32 s28, $0x1;
	[dreg:$0x2] =	wrdreg s2  }
0xa9: {  	[dreg:$0x3] =	wrdreg s4  }
0xaa: {  	[dreg:$0x4] =	wrdreg $0xC0  }
0xab: {  	_ =	task [dreg:s6], $0x5FFFF  }
0xac: {  	[dreg:$0x1] =	wrdreg $0xFFFFFFFF  }
0xad: {  	[dreg:$0x0] =	wrdreg $0x60  }
0xae: {  	[dreg:$0x2] =	wrdreg s24  }
0xaf: {  	[dreg:$0x3] =	wrdreg $0x0  }
0xb0: {  	[dreg:$0x4] =	wrdreg $0x9  }
0xb1: {  	_ =	task.clear_ibuf [dreg:s6], $0x5FFFF;
	_ =	strace $0x90000046  }
0xb2: {  	s29 =	simm.s32 $0x9;
	_ =	strace $0x80000048  }
0xb3: {  	_ =	swait.ge [sflag:s29], $0x1  }
0xb4: {  	[sflag:s29] =	ssyncadd.s32 $0xFFFFFFFF  }
0xb5: {  	_ =	strace $0x90000048  }
0xb6: {  	_ =	sfence  }
0xb7: {  	s30 =	sld [smem:$0x0];
	_ =	sdelay $0x2  }
0xb8: {  	s31 =	sshll.u32 s1, $0xD;
	s1 =	sshrl.u32 s1, $0x2  }
0xb9: {  	s3 =	sand.u32 $0x4000, s31;
	s1 =	sadd.s32 s1, s30  }
0xba: {  	s0 =	sor.u32 s3, s0;
	s1 =	sshll.u32 s1, $0x11  }
0xbb: {  	s0 =	sor.u32 s1, s0  }
0xbc: {  	s0 =	sadd.s32 $0x8F2B, s0  }
0xbd: {  	[sflag:s0] =	ssyncadd.remote.s32 $0x1  }
0xbe: {  	_ =	sfence.sel $0xFFFF  }
0xbf: {  	[dreg:$0x0] =	wrdreg $0xFFFFFFFF;
	(pc) =	sbr.abs _section_cstart, $3  }
0xc0: {  	[dreg:$0x1] =	wrdreg $0xFFFFFFFF  }
0xc1: {  	_ =	task.clear_ibuf [dreg:s6], $0x2FFFF;
	_ =	strace $0x9FFFFFFF  }
0xc2: {  	(tm) =	ssettm $0x7FFFFFFF  }
0xc3: {  	_ =	shalt  }
tec
execute0_lowered:
.L_overlay_start_1:
0x0: {  	(tag) =	ssettag $0x1  }
0x1: {  	s4 =	rddreg [dreg:$0x0]  }
0x2: {  	s2 =	rddreg [dreg:$0x1];
	s1 =	stileid.u32  }
0x3: {  	s0 =	rddreg [dreg:$0x2];
	s3 =	simm.s32 $0x0;
	s5 =	smul.u32 $0xC80, s1  }
0x4: {  	s6 =	srdreg.scid;
	s14 =	simm.s32 $0xC80;
	s30 =	smul.u32 $0xC40, s1  }
0x5: {  	s15 =	simm.s32 $0xD00;
	s6 =	sand.u32 $0x1, s6;
	s31 =	smul.u32 $0xC4, s1  }
0x6: {  	[smem:$0x7FF] =	sst s3;
	s9 =	sadd.s32 $0x3200, s4;
	s8 =	smul.u32 $0xC800, s6  }
0x7: {  	_ =	strace $0x80000047;
	s10 =	sshll.u32 s6, $0x4;
	s28 =	smul.u32 $0xC400, s6  }
0x8: {  	s11 =	ssub.s32 $0x2, s6;
	s13 =	smul.u32 $0xC40, s6;
	s7 =	sshrl.u32 s5, $0x3  }
0x9: {  	s16 =	sor.u32 s1, s10;
	s26 =	sshrl.u32 s11, $0x1;
	s7 =	sadd.s32 s7, s4  }
0xa: {  	s8 =	sadd.s32 s5, s8;
	s12 =	smul.u32 $0x6200, s16;
	s10 =	ssub.s32 s11, s26  }
0xb: {  	s5 =	sadd.s32 s5, s2;
	s11 =	sadd.s32 s31, s13;
	s13 =	simm.s32 $0x3  }
0xc: {  	p0 =	seq.s32 s16, $0x1F;
	s16 =	simm.s32 $0x0;
	s8 =	sshrl.u32 s8, $0x3  }
0xd: {  	s8 =	sadd.s32 s8, s4;
	s4 =	sadd.s32 $0x34000, s7;
	s29 =	sshrl.u32 s12, $0x3  }
0xe: {  	s7 =	sadd.s32 s9, s29;
	s9 =	sadd.s32 s28, s9;
	s8 =	sadd.s32 $0x35A00, s8  }
0xf: {  	s6 =	sadd.s32 $0x186A0, s7;
	s7 =	sadd.s32 $0x186B0, s7;
	s12 =	sadd.s32 s30, s9  }
0x10: {  	v0 =	vimm.f32 $1.000000000e+00;
	s9 =	smax.u32 s10, $0x1;
	s10 =	sadd.s32 $0x186D0, s12;
	s12 =	simm.s32 $0xE00  }
.LBB2_1:
0x11: {  	[tilespmem:$0xD80] =	vst v0  }
0x12: {  	[tilespmem:$0xD90] =	vst v0  }
0x13: {  	[tilespmem:$0xDA0] =	vst v0  }
0x14: {  	[tilespmem:$0xDB0] =	vst v0  }
0x15: {  	[tilespmem:$0xDC0] =	vst v0  }
0x16: {  	[tilespmem:$0xDD0] =	vst v0  }
0x17: {  	[tilespmem:$0xDE0] =	vst v0  }
0x18: {  	[tilespmem:$0xDF0] =	vst v0  }
0x19: {  	[tilespmem:s12], [sflag:$0x3] =	stream.linear.gather [hbm4b:s4+s3], $0xC80, $0x38;
	[tilespmem:$0x1A80] =	vst v63  }
0x1a: {  	_ =	swait.ge [sflag:s13], $0xC80  }
0x1b: {  	[sflag:s13] =	ssyncset.done $0x0  }
0x1c: {  	[sflag:s13] =	ssyncadd.s32 $0xFFFFF380  }
0x1d: {  	[spmem:s5] =	stream.linear.scatter [tilespmem:s12], [sflag:$0x3], $0xC80, $0x38;
	[tilespmem:$0x1A80] =	vst v63  }
0x1e: {  	_ =	swait.ge [sflag:s13], $0xC80  }
0x1f: {  	[sflag:s13] =	ssyncset.done $0x0  }
0x20: {  	s17 =	sadd.s32 $0x0, s11;
	[sflag:s13] =	ssyncadd.s32 $0xFFFFF380  }
0x21: {  	p1 =	sgt.u32 s17, $0x1869;
	[bflag:$0x0] =	sbarrier.arrive $0xFFFF  }
0x22: {  	[tilespmem:s14], [sflag:$0x1] =	stream.linear.gather [hbm4b:s6+s3], $0x80, $0x38;
	[tilespmem:$0x1A80] =	vst v63  }
0x23: {  	s18 =	simm.s32 @!p1 $0x1  }
0x24: {  	[tilespmem:s15], [sflag:$0x2] =	stream.linear.gather [hbm4b:s7+s3], $0x80, $0x38;
	[tilespmem:$0x1A80] =	vst v63  }
0x25: {  	_ =	swait.ge @!p1 [sflag:s18], $0x80  }
0x26: {  	s19 =	simm.s32 @!p1 $0xD80;
	s20 =	simm.s32 @!p1 $0x3;
	[sflag:s18] =	ssyncset.done @!p1 $0x0  }
0x27: {  	s21 =	simm.s32 @!p1 $0x80;
	s22 =	simm.s32 @!p1 $0xC80;
	[sflag:s18] =	ssyncadd.s32 @!p1 $0xFFFFFF80  }
0x28: {  	[spmem:s2] =	stream.indirect.scatter.add.f32 @!p1 [tilespmem:s19], [sflag:$0x3], $0x1, s22, s21, $0xb8;
	[tilespmem:$0x1A80] =	vst v63  }
0x29: {  	p3 =	sgt.u32 @!p1 s17, $0x1867;
	_ =	swait.ge @!p1 [sflag:s20], $0x80  }
0x2a: {  	p2 =	por !p3, p1;
	[sflag:s20] =	ssyncset.done @!p1 $0x0  }
0x2b: {  	s17 =	simm.s32 @!p2 $0x2;
	[sflag:s20] =	ssyncadd.s32 @!p1 $0xFFFFFF80  }
0x2c: {  	p3 =	por p3, p1;
	_ =	swait.ge @!p2 [sflag:s17], $0x80  }
0x2d: {  	s18 =	simm.s32 @!p2 $0xD80;
	s19 =	simm.s32 @!p2 $0x3;
	[sflag:s17] =	ssyncset.done @!p2 $0x0  }
0x2e: {  	s21 =	simm.s32 @!p2 $0xD00;
	s20 =	simm.s32 @!p2 $0x80;
	[sflag:s17] =	ssyncadd.s32 @!p2 $0xFFFFFF80  }
0x2f: {  	[spmem:s2] =	stream.indirect.scatter.add.f32 @!p2 [tilespmem:s18], [sflag:$0x3], $0x1, s21, s20, $0xb8;
	[tilespmem:$0x1A80] =	vst v63  }
0x30: {  	s23 =	simm.s32 @!p3 $0x3;
	_ =	swait.ge @!p2 [sflag:s19], $0x80  }
0x31: {  	s17 =	sadd.s32 @!p3 $0xFFFFFFF0, s10;
	s20 =	simm.s32 @!p3 $0x0;
	[sflag:s19] =	ssyncset.done @!p2 $0x0  }
0x32: {  	s18 =	simm.s32 @!p3 $0xC80;
	[sflag:s19] =	ssyncadd.s32 @!p2 $0xFFFFFF80;
	s19 =	simm.s32 @!p3 $0x2  }
0x33: {  	[tilespmem:s18], [sflag:$0x1] =	stream.linear.gather @!p3 [hbm4b:s17+s20], $0x80, $0x38;
	[tilespmem:$0x1A80] =	vst v63  }
0x34: {  	s22 =	simm.s32 @!p3 $0xD00;
	s21 =	sadd.s32 $0x2, s11;
	_ =	swait.ge @!p3 [sflag:s19], $0x80  }
0x35: {  	p1 =	sgt.u32 s21, $0x1869;
	s17 =	simm.s32 @!p3 $0xD80;
	[sflag:s19] =	ssyncset.done @!p3 $0x0  }
0x36: {  	s18 =	simm.s32 @!p3 $0x80;
	[sflag:s19] =	ssyncadd.s32 @!p3 $0xFFFFFF80;
	s19 =	smov.u32 s10  }
0x37: {  	[spmem:s2] =	stream.indirect.scatter.add.f32 @!p3 [tilespmem:s17], [sflag:$0x3], $0x1, s22, s18, $0xb8;
	[tilespmem:$0x1A80] =	vst v63  }
0x38: {  	s18 =	simm.s32 $0x4;
	s17 =	sadd.s32 $0x20, s10;
	_ =	swait.ge @!p3 [sflag:s23], $0x80  }
.LBB2_2:
0x39: {  	s24 =	simm.s32 @!p1 $0x1  }
0x3a: {  	[sflag:s23] =	ssyncset.done @!p3 $0x0;
	s25 =	smov.u32 s18;
	s18 =	sadd.s32 $0x2, s18  }
0x3b: {  	p2 =	sne.s32 s18, $0xC2;
	[sflag:s23] =	ssyncadd.s32 @!p3 $0xFFFFFF80  }
0x3c: {  	[tilespmem:s22], [sflag:$0x2] =	stream.linear.gather @!p3 [hbm4b:s19+s20], $0x80, $0x38;
	[tilespmem:$0x1A80] =	vst v63  }
0x3d: {  	s20 =	simm.s32 @!p1 $0xD80;
	s22 =	simm.s32 @!p1 $0x3;
	_ =	swait.ge @!p1 [sflag:s24], $0x80  }
0x3e: {  	s26 =	simm.s32 @!p1 $0xC80;
	s23 =	simm.s32 @!p1 $0x80;
	[sflag:s24] =	ssyncset.done @!p1 $0x0  }
0x3f: {  	p3 =	sgt.u32 @!p1 s21, $0x1867;
	s19 =	smov.u32 s17;
	[sflag:s24] =	ssyncadd.s32 @!p1 $0xFFFFFF80  }
0x40: {  	[spmem:s2] =	stream.indirect.scatter.add.f32 @!p1 [tilespmem:s20], [sflag:$0x3], $0x1, s26, s23, $0xb8;
	[tilespmem:$0x1A80] =	vst v63  }
0x41: {  	p4 =	por !p3, p1;
	_ =	swait.ge @!p1 [sflag:s22], $0x80  }
0x42: {  	s20 =	simm.s32 @!p4 $0x2;
	[sflag:s22] =	ssyncset.done @!p1 $0x0  }
0x43: {  	[sflag:s22] =	ssyncadd.s32 @!p1 $0xFFFFFF80  }
0x44: {  	s21 =	simm.s32 @!p4 $0xD80;
	s22 =	simm.s32 @!p4 $0x3;
	_ =	swait.ge @!p4 [sflag:s20], $0x80  }
0x45: {  	s24 =	simm.s32 @!p4 $0xD00;
	s23 =	simm.s32 @!p4 $0x80;
	[sflag:s20] =	ssyncset.done @!p4 $0x0  }
0x46: {  	[sflag:s20] =	ssyncadd.s32 @!p4 $0xFFFFFF80  }
0x47: {  	[spmem:s2] =	stream.indirect.scatter.add.f32 @!p4 [tilespmem:s21], [sflag:$0x3], $0x1, s24, s23, $0xb8;
	[tilespmem:$0x1A80] =	vst v63  }
0x48: {  	p3 =	por p3, p1;
	_ =	swait.ge @!p4 [sflag:s22], $0x80  }
0x49: {  	s20 =	simm.s32 @!p3 $0x0;
	s21 =	sadd.s32 @!p3 $0xFFFFFFF0, s17;
	[sflag:s22] =	ssyncset.done @!p4 $0x0  }
0x4a: {  	s23 =	simm.s32 @!p3 $0x2;
	[sflag:s22] =	ssyncadd.s32 @!p4 $0xFFFFFF80;
	s22 =	simm.s32 @!p3 $0xC80  }
0x4b: {  	[tilespmem:s22], [sflag:$0x1] =	stream.linear.gather @!p3 [hbm4b:s21+s20], $0x80, $0x38;
	[tilespmem:$0x1A80] =	vst v63  }
.Ltmp0:
0x4c: {  	s24 =	simm.s32 @!p3 $0xD80;
	_ =	swait.ge @!p3 [sflag:s23], $0x80;
	(pc) =	sbr.rel @p2 .LBB2_2-.Ltmp0, $4  }
0x4d: {  	s26 =	simm.s32 @!p3 $0x80;
	s22 =	simm.s32 @!p3 $0xD00;
	[sflag:s23] =	ssyncset.done @!p3 $0x0  }
0x4e: {  	s21 =	sadd.s32 s25, s11;
	[sflag:s23] =	ssyncadd.s32 @!p3 $0xFFFFFF80;
	s23 =	simm.s32 @!p3 $0x3  }
0x4f: {  	[spmem:s2] =	stream.indirect.scatter.add.f32 @!p3 [tilespmem:s24], [sflag:$0x3], $0x1, s22, s26, $0xb8;
	[tilespmem:$0x1A80] =	vst v63  }
0x50: {  	s17 =	sadd.s32 $0x20, s17;
	p1 =	sgt.u32 s21, $0x1869;
	_ =	swait.ge @!p3 [sflag:s23], $0x80  }
0x51: {  	[sflag:s23] =	ssyncset.done @!p3 $0x0  }
0x52: {  	s18 =	simm.s32 @!p1 $0x1;
	[sflag:s23] =	ssyncadd.s32 @!p3 $0xFFFFFF80  }
0x53: {  	[tilespmem:s22], [sflag:$0x2] =	stream.linear.gather @!p3 [hbm4b:s19+s20], $0x80, $0x38;
	[tilespmem:$0x1A80] =	vst v63  }
0x54: {  	_ =	swait.ge @!p1 [sflag:s18], $0x80  }
0x55: {  	s23 =	simm.s32 @!p1 $0xC80;
	s19 =	simm.s32 @!p1 $0xD80;
	[sflag:s18] =	ssyncset.done @!p1 $0x0  }
0x56: {  	s20 =	simm.s32 @!p1 $0x3;
	s22 =	simm.s32 @!p1 $0x80;
	[sflag:s18] =	ssyncadd.s32 @!p1 $0xFFFFFF80  }
0x57: {  	[spmem:s2] =	stream.indirect.scatter.add.f32 @!p1 [tilespmem:s19], [sflag:$0x3], $0x1, s23, s22, $0xb8;
	[tilespmem:$0x1A80] =	vst v63  }
0x58: {  	p3 =	sgt.u32 @!p1 s21, $0x1867;
	_ =	swait.ge @!p1 [sflag:s20], $0x80  }
0x59: {  	p2 =	por !p3, p1;
	[sflag:s20] =	ssyncset.done @!p1 $0x0  }
0x5a: {  	s18 =	simm.s32 @!p2 $0x2;
	[sflag:s20] =	ssyncadd.s32 @!p1 $0xFFFFFF80  }
0x5b: {  	_ =	swait.ge @!p2 [sflag:s18], $0x80  }
0x5c: {  	s21 =	simm.s32 @!p2 $0x80;
	s19 =	simm.s32 @!p2 $0xD80;
	[sflag:s18] =	ssyncset.done @!p2 $0x0  }
0x5d: {  	s22 =	simm.s32 @!p2 $0xD00;
	s20 =	simm.s32 @!p2 $0x3;
	[sflag:s18] =	ssyncadd.s32 @!p2 $0xFFFFFF80  }
0x5e: {  	[spmem:s2] =	stream.indirect.scatter.add.f32 @!p2 [tilespmem:s19], [sflag:$0x3], $0x1, s22, s21, $0xb8;
	[tilespmem:$0x1A80] =	vst v63  }
0x5f: {  	p1 =	por p3, p1;
	_ =	swait.ge @!p2 [sflag:s20], $0x80  }
0x60: {  	s18 =	sadd.s32 @!p1 $0xFFFFFFF0, s17;
	s19 =	simm.s32 @!p1 $0x0;
	[sflag:s20] =	ssyncset.done @!p2 $0x0  }
0x61: {  	s21 =	simm.s32 @!p1 $0x2;
	[sflag:s20] =	ssyncadd.s32 @!p2 $0xFFFFFF80;
	s20 =	simm.s32 @!p1 $0xC80  }
0x62: {  	[tilespmem:s20], [sflag:$0x1] =	stream.linear.gather @!p1 [hbm4b:s18+s19], $0x80, $0x38;
	[tilespmem:$0x1A80] =	vst v63  }
0x63: {  	_ =	swait.ge @!p1 [sflag:s21], $0x80  }
0x64: {  	s22 =	simm.s32 @!p1 $0xD00;
	s18 =	simm.s32 @!p1 $0xD80;
	[sflag:s21] =	ssyncset.done @!p1 $0x0  }
0x65: {  	s20 =	simm.s32 @!p1 $0x80;
	[sflag:s21] =	ssyncadd.s32 @!p1 $0xFFFFFF80;
	s21 =	simm.s32 @!p1 $0x3  }
0x66: {  	[spmem:s2] =	stream.indirect.scatter.add.f32 @!p1 [tilespmem:s18], [sflag:$0x3], $0x1, s22, s20, $0xb8;
	[tilespmem:$0x1A80] =	vst v63  }
0x67: {  	_ =	swait.ge @!p1 [sflag:s21], $0x80  }
0x68: {  	[sflag:s21] =	ssyncset.done @!p1 $0x0  }
0x69: {  	[sflag:s21] =	ssyncadd.s32 @!p1 $0xFFFFFF80  }
0x6a: {  	[tilespmem:s22], [sflag:$0x2] =	stream.linear.gather @!p1 [hbm4b:s17+s19], $0x80, $0x38;
	[tilespmem:$0x1A80] =	vst v63  }
0x6b: {  	s17 =	simm.s32 @!p0 $0x1  }
0x6c: {  	_ =	swait.ge @!p0 [sflag:s17], $0x80  }
0x6d: {  	s18 =	simm.s32 @!p0 $0xC80;
	[sflag:s17] =	ssyncset.done @!p0 $0x0  }
0x6e: {  	s19 =	simm.s32 @!p0 $0xD80;
	[sflag:s17] =	ssyncadd.s32 @!p0 $0xFFFFFF80;
	s17 =	simm.s32 @!p0 $0x80  }
0x6f: {  	[spmem:s2] =	stream.indirect.scatter.add.f32 @!p0 [tilespmem:s19], [sflag:$0x3], $0x1, s18, s17, $0xb8;
	[tilespmem:$0x1A80] =	vst v63  }
0x70: {  	s18 =	simm.s32 @!p0 $0x3  }
0x71: {  	_ =	swait.ge @!p0 [sflag:s18], $0x80  }
0x72: {  	[sflag:s18] =	ssyncset.done @!p0 $0x0  }
0x73: {  	s20 =	simm.s32 @!p0 $0x2;
	[sflag:s18] =	ssyncadd.s32 @!p0 $0xFFFFFF80  }
0x74: {  	_ =	swait.ge @!p0 [sflag:s20], $0x80  }
0x75: {  	[sflag:s20] =	ssyncset.done @!p0 $0x0  }
0x76: {  	[sflag:s20] =	ssyncadd.s32 @!p0 $0xFFFFFF80;
	s20 =	simm.s32 @!p0 $0xD00  }
0x77: {  	[spmem:s2] =	stream.indirect.scatter.add.f32 @!p0 [tilespmem:s19], [sflag:$0x3], $0x1, s20, s17, $0xb8;
	[tilespmem:$0x1A80] =	vst v63  }
0x78: {  	_ =	swait.ge @!p0 [sflag:s18], $0x80  }
0x79: {  	[sflag:s18] =	ssyncset.done @!p0 $0x0  }
0x7a: {  	[sflag:s18] =	ssyncadd.s32 @!p0 $0xFFFFFF80  }
0x7b: {  	[bflag:$0x0] =	sbarrier.arrive $0xFFFF  }
0x7c: {  	[tilespmem:s12], [sflag:$0x3] =	stream.linear.gather [spmem:s5], $0xC80, $0x38;
	[tilespmem:$0x1A80] =	vst v63  }
0x7d: {  	s16 =	sadd.s32 $0x1, s16;
	_ =	swait.ge [sflag:s13], $0xC80  }
0x7e: {  	p1 =	sne.s32 s16, s9;
	[sflag:s13] =	ssyncset.done $0x0  }
.Ltmp1:
0x7f: {  	[sflag:s13] =	ssyncadd.s32 $0xFFFFF380;
	(pc) =	sbr.rel @p1 .LBB2_1-.Ltmp1, $4  }
0x80: {  	[hbm4b:s8+s3] =	stream.linear.scatter [tilespmem:s12], [sflag:$0x3], $0xC80, $0x38;
	[tilespmem:$0x1A80] =	vst v63  }
0x81: {  	_ =	swait.ge [sflag:s13], $0xC80  }
0x82: {  	[sflag:s13] =	ssyncset.done $0x0  }
0x83: {  	[sflag:s13] =	ssyncadd.s32 $0xFFFFF380  }
0x84: {  	_ =	sfence.sel $0x180000  }
0x85: {  	[bflag:$0x0] =	sbarrier.arrive $0xFFFF  }
0x86: {  	p0 =	sne.s32 s1, $0x0;
	_ =	strace $0x90000047  }
0x87: {  	s0 =	sadd.s32 @!p0 $0x100000, s0;
	[bflag:$0x2] =	sbarrier.arrive $0xFFFF  }
0x88: {  	[sflag:s0] =	ssyncadd.tile.s32 @!p0 $0x1;
	_ =	shalt  }
.Lfunc_end2:
_tile_overlayer_lowered:
.L_overlay_start_2:
0x89: {  	(tag) =	ssettag $0x2  }
0x8a: {  	s0 =	rddreg [dreg:$0x0];
	s2 =	stileid.u32  }
0x8b: {  	s1 =	rddreg [dreg:$0x1];
	p0 =	sne.s32 s2, $0x0  }
0x8c: {  	s3 =	rddreg [dreg:$0x2];
	[bflag:$0x3] =	sbarrier.arrive $0xFFFF;
	s2 =	simm.s32 @!p0 $0x1C03  }
0x8d: {  	[timem:s3], [sflag:s2] =	dma.local @!p0 [hbm:s0], s1  }
0x8e: {  	s0 =	simm.s32 @!p0 $0x3  }
0x8f: {  	_ =	swait.ge @!p0 [sflag:s0], s1  }
0x90: {  	s1 =	ssub.s32 @!p0 $0x0, s1;
	[sflag:s0] =	ssyncset.done @!p0 $0x0  }
0x91: {  	[sflag:s0] =	ssyncadd.s32 @!p0 s1  }
0x92: {  	[bflag:$0x3] =	sbarrier.arrive $0xFFFF  }
0x93: {  	_ =	shalt  }

// kernel: kernel.9.cloned.1.call-start
scs
__scs_entry_jumppad:
0x0: {  	(pc) =	sbr.rel $0x88, $3  }
0x1: {  	(tag) =	ssettag $0x0;
	lr =	simm.s32 $0x1  }
0x2: {  	[smem:$0x3F90] =	sst lr;
	_ =	strace $0xD0000000  }
0x3: {  	_ = 	snop  }
0x4: {  	_ = 	snop  }
0x5: {  	_ = 	snop  }
0x6: {  	_ = 	snop  }
0x7: {  	_ = 	snop  }
__scs_overlays_trampoline_lowered:
0x8: {  	[smem:$0x3F9F] =	sst s0  }
0x9: {  	[smem:$0x3FA0] =	sst s1  }
0xa: {  	[smem:$0x3FA1] =	sst s2  }
0xb: {  	[smem:$0x3FA2] =	sst s3  }
0xc: {  	[smem:$0x3FA3] =	sst s4  }
0xd: {  	[smem:$0x3FA4] =	sst s5  }
0xe: {  	[smem:$0x3FA5] =	sst s6  }
0xf: {  	[smem:$0x3FA6] =	sst s7  }
0x10: {  	[smem:$0x3FA7] =	sst s8  }
0x11: {  	[smem:$0x3FA8] =	sst s9;
	s0 =	simm.s32 @!p0 $0x0  }
0x12: {  	s1 =	sld [smem:$0x3F8E];
	s0 =	simm.s32 @p0 $0x1  }
0x13: {  	[smem:$0x3FA9] =	sst s0;
	s0 =	simm.s32 @!p1 $0x0  }
0x14: {  	s2 =	sld [smem:$0x3F8D];
	s0 =	simm.s32 @p1 $0x1  }
0x15: {  	[smem:$0x3FAA] =	sst s0;
	s0 =	simm.s32 @!p2 $0x0  }
0x16: {  	s3 =	sld [smem:$0x3FDB];
	s0 =	simm.s32 @p2 $0x1  }
0x17: {  	s4 =	simm.s32 $0x1BF5;
	[smem:$0x3FAC] =	sst s0  }
0x18: {  	s0 =	sld [smem:$0x3F8F];
	_ =	swait.ge [sflag:s4], $0x0  }
0x19: {  	s7 =	sld [smem:$0x3F90]  }
0x1a: {  	s8 =	sadd.s32 $0xFFFFE003, lr  }
0x1b: {  	s9 =	sadd.s32 $0xFFFFFEF7, lr;
	s5 =	simm.s32 $0xFFFFFFFF;
	p2 =	slt.u32 s8, $0xFFFFF086  }
0x1c: {  	p1 =	slt.u32 s9, $0xF7A;
	s5 =	simm.s32 @!p2 $0x0  }
0x1d: {  	s5 =	simm.s32 @p1 $0x1;
	p0 =	seq.s32 s7, s2  }
0x1e: {  	s7 =	smul.u32 @!p0 $0xF7A, s2;
	p2 =	seq.s32 @!p0 s5, $0x0  }
0x1f: {  	s9 =	smul.u32 $0xF7A, s1;
	s8 =	simm.s32 @!p0 $0x1BF5;
	p2 =	por !p2, p0  }
0x20: {  	[sflag:s8] =	ssyncset.s32 @!p0 $0xFFFFF086;
	s6 =	sadd.s32 @!p0 s3, s7;
	s7 =	simm.s32 @!p0 $0x108  }
0x21: {  	s3 =	sadd.s32 s3, s9;
	s6 =	sadd.s32 @!p0 $0x88, s6;
	s7 =	simm.s32 @p2 $0x1082  }
0x22: {  	[simem:s7], [sflag:s8] =	dma.local @!p0 [hbm:s6], $0xF7A  }
0x23: {  	s9 =	sor.u32 $0xD0000000, s2;
	s6 =	simm.s32 $0x108;
	_ =	swait.ge @!p0 [sflag:s8], $0x0  }
0x24: {  	s3 =	sadd.s32 $0x88, s3;
	s6 =	simm.s32 @!p1 $0x1082;
	[sflag:s4] =	ssyncset.s32 $0xFFFFF086  }
0x25: {  	[simem:s6], [sflag:s4] =	dma.local [hbm:s3], $0xF7A  }
0x26: {  	[smem:$0x3F90] =	sst s1;
	(tag) =	ssettag s2;
	_ =	strace s9  }
0x27: {  	s1 =	sld [smem:$0x3FA0]  }
0x28: {  	s2 =	sld [smem:$0x3FA1]  }
0x29: {  	s4 =	sld [smem:$0x3FA3]  }
0x2a: {  	p0 =	seq.s32 s5, $0x0;
	s5 =	sld [smem:$0x3FA4]  }
0x2b: {  	s6 =	sld [smem:$0x3FA5]  }
0x2c: {  	s7 =	sld [smem:$0x3FA6]  }
0x2d: {  	s3 =	simm.s32 $0x108;
	s8 =	sld [smem:$0x3FA7]  }
0x2e: {  	s3 =	simm.s32 @!p0 $0x1082;
	s9 =	sld [smem:$0x3FA8]  }
0x2f: {  	lr =	sadd.s32 s0, s3;
	s0 =	sld [smem:$0x3F9F]  }
0x30: {  	s3 =	sld [smem:$0x3FA2]  }
0x31: {  	[smem:$0x3FAB] =	sst s10  }
0x32: {  	s10 =	sld [smem:$0x3FA9];
	_ =	sdelay $0x3  }
0x33: {  	p0 =	seq.s32 s10, $0x1;
	s10 =	sld [smem:$0x3FAB];
	_ =	sdelay $0x3  }
0x34: {  	[smem:$0x3FAB] =	sst s10  }
0x35: {  	s10 =	sld [smem:$0x3FAA];
	_ =	sdelay $0x3  }
0x36: {  	p1 =	seq.s32 s10, $0x1;
	s10 =	sld [smem:$0x3FAB];
	_ =	sdelay $0x3  }
0x37: {  	[smem:$0x3FAB] =	sst s10  }
0x38: {  	s10 =	sld [smem:$0x3FAC]  }
0x39: {  	_ = 	snop;
	(pc) =	sbr.ind lr, $3  }
0x3a: {  	_ = 	snop  }
0x3b: {  	_ = 	snop  }
0x3c: {  	p2 =	seq.s32 s10, $0x1;
	s10 =	sld [smem:$0x3FAB]  }
0x3d: {  	_ =	shalt  }
0x3e: {  	_ =	shalt  }
0x3f: {  	_ =	shalt  }
0x40: {  	_ =	shalt  }
0x41: {  	_ =	shalt  }
0x42: {  	_ =	shalt  }
0x43: {  	_ =	shalt  }
0x44: {  	_ =	shalt  }
0x45: {  	_ =	shalt  }
0x46: {  	_ =	shalt  }
0x47: {  	_ =	shalt  }
0x48: {  	_ =	shalt  }
0x49: {  	_ =	shalt  }
0x4a: {  	_ =	shalt  }
0x4b: {  	_ =	shalt  }
0x4c: {  	_ =	shalt  }
0x4d: {  	_ =	shalt  }
0x4e: {  	_ =	shalt  }
0x4f: {  	_ =	shalt  }
0x50: {  	_ =	shalt  }
0x51: {  	_ =	shalt  }
0x52: {  	_ =	shalt  }
0x53: {  	_ =	shalt  }
0x54: {  	_ =	shalt  }
0x55: {  	_ =	shalt  }
0x56: {  	_ =	shalt  }
0x57: {  	_ =	shalt  }
0x58: {  	_ =	shalt  }
0x59: {  	_ =	shalt  }
0x5a: {  	_ =	shalt  }
0x5b: {  	_ =	shalt  }
0x5c: {  	_ =	shalt  }
0x5d: {  	_ =	shalt  }
0x5e: {  	_ =	shalt  }
0x5f: {  	_ =	shalt  }
0x60: {  	_ =	shalt  }
0x61: {  	_ =	shalt  }
0x62: {  	_ =	shalt  }
0x63: {  	_ =	shalt  }
0x64: {  	_ =	shalt  }
0x65: {  	_ =	shalt  }
0x66: {  	_ =	shalt  }
0x67: {  	_ =	shalt  }
0x68: {  	_ =	shalt  }
0x69: {  	_ =	shalt  }
0x6a: {  	_ =	shalt  }
0x6b: {  	_ =	shalt  }
0x6c: {  	_ =	shalt  }
0x6d: {  	_ =	shalt  }
0x6e: {  	_ =	shalt  }
0x6f: {  	_ =	shalt  }
0x70: {  	_ =	shalt  }
0x71: {  	_ =	shalt  }
0x72: {  	_ =	shalt  }
0x73: {  	_ =	shalt  }
0x74: {  	_ =	shalt  }
0x75: {  	_ =	shalt  }
0x76: {  	_ =	shalt  }
0x77: {  	_ =	shalt  }
0x78: {  	_ =	shalt  }
0x79: {  	_ =	shalt  }
0x7a: {  	_ =	shalt  }
0x7b: {  	_ =	shalt  }
0x7c: {  	_ =	shalt  }
0x7d: {  	_ =	shalt  }
0x7e: {  	_ =	shalt  }
0x7f: {  	_ =	shalt  }
0x80: {  	_ =	shalt  }
0x81: {  	_ =	shalt  }
0x82: {  	_ =	shalt  }
0x83: {  	_ =	shalt  }
0x84: {  	_ =	shalt  }
0x85: {  	_ =	shalt  }
0x86: {  	_ =	shalt  }
0x87: {  	_ =	shalt  }
.Lfunc_end0:
.L_simem_size_0:
called_computation.1_lowered:
.L_overlay_start_0:
0x88: {  	s2 =	sld [smem:$0x3FD9]  }
0x89: {  	s3 =	sld [smem:$0x3FFE];
	_ =	sdelay $0x1  }
0x8a: {  	s1 =	srdreg.scid  }
0x8b: {  	s0 =	sand.u32 $0x1, s1  }
0x8c: {  	s16 =	sshll.u32 s0, $0xA;
	s2 =	sadd.s32 s3, s2  }
0x8d: {  	s2 =	sadd.s32 s2, s16  }
0x8e: {  	[smem:$0x3FB7] =	sst s2  }
0x8f: {  	_ = 	snop  }
0x90: {  	(tm) =	ssettm $0x1  }
0x91: {  	s17 =	sld [smem:$0x3FFB];
	_ =	sdelay $0x3  }
0x92: {  	_ =	strace s17  }
0x93: {  	s2 =	sld [smem:$0x3FFC];
	_ =	sdelay $0x3  }
0x94: {  	_ =	strace s2  }
0x95: {  	s2 =	sld [smem:$0x3FFD];
	_ =	sdelay $0x3  }
0x96: {  	_ =	strace s2  }
0x97: {  	_ =	strace $0x8FFFFFFF  }
0x98: {  	s18 =	sld [smem:$0x3FDB];
	_ =	sdelay $0x1  }
0x99: {  	s19 =	simm.s32 $_scs_section_size  }
0x9a: {  	s4 =	simm.s32 $_size__tile_overlayer_lowered;
	s5 =	simm.s32 $_tile_overlayer_lowered  }
0x9b: {  	s22 =	simm.s32 $0x1BFF;
	s21 =	sshll.u32 s5, $0x1;
	s2 =	sadd.s32 s19, s18  }
0x9c: {  	s6 =	simm.s32 $0x0;
	s20 =	sshll.u32 s4, $0x1;
	s4 =	sadd.s32 s21, s2  }
0x9d: {  	[timem:s6], [sflag:s22] =	dma.local [hbm:s4], s20  }
0x9e: {  	_ =	swait.ge [sflag:s22], s20  }
0x9f: {  	s3 =	ssub.s32 $0x0, s20;
	[sflag:s22] =	ssyncset.done $0x0  }
0xa0: {  	[sflag:s22] =	ssyncadd.s32 s3;
	_ =	sdelay $0x1  }
0xa1: {  	s23 =	simm.s32 $0x1B8B  }
0xa2: {  	_ =	swait.ge [sflag:s23], $0x1  }
0xa3: {  	[sflag:s23] =	ssyncset.done $0x0  }
0xa4: {  	s25 =	simm.s32 $0x1B8E;
	s24 =	sld [smem:$0x3FFE];
	[sflag:s23] =	ssyncadd.s32 $0xFFFFFFFF  }
0xa5: {  	s26 =	simm.s32 $execute0_lowered;
	[smem:$0x3FD2] =	sst s25  }
0xa6: {  	s4 =	sshll.u32 s26, $0x1;
	_ =	strace $0x80000049;
	[dreg:$0x1] =	wrdreg $0xFFFFFFFF  }
0xa7: {  	s28 =	simm.s32 $_size_execute0_lowered;
	s2 =	sadd.s32 s2, s4;
	[dreg:$0x0] =	wrdreg $0x0  }
0xa8: {  	s4 =	sshll.u32 s28, $0x1;
	[dreg:$0x2] =	wrdreg s2  }
0xa9: {  	[dreg:$0x3] =	wrdreg s4  }
0xaa: {  	[dreg:$0x4] =	wrdreg $0xC0  }
0xab: {  	_ =	task [dreg:s6], $0x5FFFF  }
0xac: {  	[dreg:$0x1] =	wrdreg $0xFFFFFFFF  }
0xad: {  	[dreg:$0x0] =	wrdreg $0x60  }
0xae: {  	[dreg:$0x2] =	wrdreg s24  }
0xaf: {  	[dreg:$0x3] =	wrdreg $0x0  }
0xb0: {  	[dreg:$0x4] =	wrdreg $0x9  }
0xb1: {  	_ =	task.clear_ibuf [dreg:s6], $0x5FFFF;
	_ =	strace $0x90000049  }
0xb2: {  	s29 =	simm.s32 $0x9;
	_ =	strace $0x8000004B  }
0xb3: {  	_ =	swait.ge [sflag:s29], $0x1  }
0xb4: {  	[sflag:s29] =	ssyncadd.s32 $0xFFFFFFFF  }
0xb5: {  	_ =	strace $0x9000004B  }
0xb6: {  	_ =	sfence  }
0xb7: {  	s30 =	sld [smem:$0x0];
	_ =	sdelay $0x2  }
0xb8: {  	s31 =	sshll.u32 s1, $0xD;
	s1 =	sshrl.u32 s1, $0x2  }
0xb9: {  	s3 =	sand.u32 $0x4000, s31;
	s1 =	sadd.s32 s1, s30  }
0xba: {  	s0 =	sor.u32 s3, s0;
	s1 =	sshll.u32 s1, $0x11  }
0xbb: {  	s0 =	sor.u32 s1, s0  }
0xbc: {  	s0 =	sadd.s32 $0x8F2B, s0  }
0xbd: {  	[sflag:s0] =	ssyncadd.remote.s32 $0x1  }
0xbe: {  	_ =	sfence.sel $0xFFFF  }
0xbf: {  	[dreg:$0x0] =	wrdreg $0xFFFFFFFF;
	(pc) =	sbr.abs _section_cstart, $3  }
0xc0: {  	[dreg:$0x1] =	wrdreg $0xFFFFFFFF  }
0xc1: {  	_ =	task.clear_ibuf [dreg:s6], $0x2FFFF;
	_ =	strace $0x9FFFFFFF  }
0xc2: {  	(tm) =	ssettm $0x7FFFFFFF  }
0xc3: {  	_ =	shalt  }
tec
execute0_lowered:
.L_overlay_start_1:
0x0: {  	(tag) =	ssettag $0x1  }
0x1: {  	s5 =	rddreg [dreg:$0x0];
	s0 =	stileid.u32  }
0x2: {  	s2 =	rddreg [dreg:$0x1];
	s3 =	simm.s32 $0x0;
	s6 =	smul.u32 $0xC800, s0  }
0x3: {  	s4 =	srdreg.scid;
	s19 =	simm.s32 $0xC900;
	s7 =	smul.u32 $0x1900, s0  }
0x4: {  	s20 =	simm.s32 $0xC980;
	s28 =	simm.s32 $0x4;
	s16 =	smul.u32 $0xC40, s0  }
0x5: {  	s29 =	simm.s32 $0x0;
	s8 =	sand.u32 $0x1, s4;
	s18 =	smul.u32 $0xC4, s0  }
0x6: {  	[smem:$0x7FF] =	sst s3;
	s12 =	sadd.s32 $0x38C00, s5;
	s10 =	smul.u32 $0x19000, s8  }
0x7: {  	s4 =	sadd.s32 $0x3200, s5;
	_ =	strace $0x8000004A;
	s15 =	smul.u32 $0xC400, s8  }
0x8: {  	s11 =	sshll.u32 s8, $0x4;
	s21 =	ssub.s32 $0x2, s8;
	s17 =	smul.u32 $0xC40, s8  }
0x9: {  	s9 =	sshrl.u32 s6, $0x3;
	s25 =	sor.u32 s0, s11;
	s22 =	sshrl.u32 s21, $0x1  }
0xa: {  	s6 =	sadd.s32 s6, s2;
	s9 =	sadd.s32 s9, s5;
	s11 =	smul.u32 $0xC40, s25  }
0xb: {  	s7 =	sadd.s32 s7, s10;
	s23 =	smul.u32 $0x6200, s25;
	s14 =	ssub.s32 s21, s22  }
0xc: {  	s31 =	sadd.s32 s15, s12;
	s15 =	simm.s32 $0xDA00;
	s21 =	simm.s32 $0x1  }
0xd: {  	s22 =	simm.s32 $0x80;
	p0 =	seq.s32 s25, $0x1F;
	s1 =	sadd.s32 $0x1C200, s9  }
0xe: {  	s25 =	simm.s32 $0xD200;
	s13 =	sadd.s32 s7, s5;
	[dreg:$0x3] =	wrdreg s1  }
0xf: {  	s24 =	sshrl.u32 s23, $0x3;
	s7 =	sadd.s32 s12, s11;
	s11 =	sadd.s32 $0x69A00, s13  }
.Ltmp0:
0x10: {  	s13 =	sadd.s32 s16, s31;
	s16 =	simm.s32 $0x5;
	(pc) =	sbr.rel .LBB2_1-.Ltmp0, $4  }
0x11: {  	s23 =	simm.s32 $0xCA00;
	s26 =	sadd.s32 s12, s24;
	s9 =	sadd.s32 $0x10, s7  }
0x12: {  	s12 =	smax.u32 s14, $0x1;
	s14 =	sadd.s32 s18, s17;
	s17 =	simm.s32 $0xC800  }
0x13: {  	s18 =	simm.s32 $0xC880;
	s24 =	simm.s32 $0x2;
	s30 =	sadd.s32 $0x186A0, s26  }
0x14: {  	s10 =	sadd.s32 $0x186B0, s26;
	s26 =	simm.s32 $0x3;
	[dreg:$0x4] =	wrdreg s30  }
.LBB2_5:
0x15: {  	s0 =	simm.s32 @!p0 $0x3  }
0x16: {  	_ =	swait.ge @!p0 [sflag:s0], $0x800  }
0x17: {  	s1 =	simm.s32 @!p0 $0xC880;
	[sflag:s0] =	ssyncset.done @!p0 $0x0  }
0x18: {  	s5 =	simm.s32 @!p0 $0xCA00;
	[sflag:s0] =	ssyncadd.s32 @!p0 $0xFFFFF800;
	s0 =	simm.s32 @!p0 $0x80  }
0x19: {  	[spmem:s2] =	stream.indirect.scatter.add.f32 @!p0 [tilespmem:s5], [sflag:$0x5], $0x10, s1, s0, $0xb8;
	[tilespmem:$0x1A200] =	vst v63  }
0x1a: {  	s1 =	simm.s32 @!p0 $0x5  }
0x1b: {  	_ =	swait.ge @!p0 [sflag:s1], $0x800  }
0x1c: {  	[sflag:s1] =	ssyncset.done @!p0 $0x0  }
0x1d: {  	s5 =	simm.s32 @!p0 $0x4;
	[sflag:s1] =	ssyncadd.s32 @!p0 $0xFFFFF800  }
0x1e: {  	_ =	swait.ge @!p0 [sflag:s5], $0x800  }
0x1f: {  	[sflag:s5] =	ssyncset.done @!p0 $0x0  }
0x20: {  	s8 =	simm.s32 @!p0 $0xD200;
	[sflag:s5] =	ssyncadd.s32 @!p0 $0xFFFFF800;
	s5 =	simm.s32 @!p0 $0xC980  }
0x21: {  	[spmem:s2] =	stream.indirect.scatter.add.f32 @!p0 [tilespmem:s8], [sflag:$0x5], $0x10, s5, s0, $0xb8;
	[tilespmem:$0x1A200] =	vst v63  }
0x22: {  	_ =	swait.ge @!p0 [sflag:s1], $0x800  }
0x23: {  	[sflag:s1] =	ssyncset.done @!p0 $0x0  }
0x24: {  	[sflag:s1] =	ssyncadd.s32 @!p0 $0xFFFFF800  }
0x25: {  	[bflag:$0x0] =	sbarrier.arrive $0xFFFF  }
0x26: {  	[tilespmem:s15], [sflag:$0x5] =	stream.linear.gather [spmem:s6], $0xC800, $0x38;
	[tilespmem:$0x1A200] =	vst v63  }
0x27: {  	s29 =	sadd.s32 $0x1, s29;
	_ =	swait.ge [sflag:s16], $0xC800  }
0x28: {  	p1 =	sne.s32 s29, s12;
	[sflag:s16] =	ssyncset.done $0x0  }
.Ltmp1:
0x29: {  	[sflag:s16] =	ssyncadd.s32 $0xFFFF3800;
	(pc) =	sbr.rel @!p1 .LBB2_6-.Ltmp1, $4  }
0x2a: {  	[hbm4b:s11+s3] =	stream.linear.scatter [tilespmem:s15], [sflag:$0x5], $0xC800, $0x38;
	[tilespmem:$0x1A200] =	vst v63  }
0x2b: {  	_ =	swait.ge [sflag:s16], $0xC800  }
0x2c: {  	[sflag:s16] =	ssyncset.done $0x0  }
0x2d: {  	[sflag:s16] =	ssyncadd.s32 $0xFFFF3800  }
.LBB2_1:
0x2e: {  	s0 =	rddreg [dreg:$0x3]  }
0x2f: {  	[tilespmem:s15], [sflag:$0x5] =	stream.linear.gather [hbm4b:s0+s3], $0xC800, $0x38;
	[tilespmem:$0x1A200] =	vst v63  }
0x30: {  	_ =	swait.ge [sflag:s16], $0xC800  }
0x31: {  	[sflag:s16] =	ssyncset.done $0x0  }
0x32: {  	[sflag:s16] =	ssyncadd.s32 $0xFFFF3800  }
0x33: {  	[spmem:s6] =	stream.linear.scatter [tilespmem:s15], [sflag:$0x5], $0xC800, $0x38;
	[tilespmem:$0x1A200] =	vst v63  }
0x34: {  	_ =	swait.ge [sflag:s16], $0xC800  }
0x35: {  	[sflag:s16] =	ssyncset.done $0x0  }
0x36: {  	[sflag:s16] =	ssyncadd.s32 $0xFFFF3800  }
0x37: {  	[bflag:$0x0] =	sbarrier.arrive $0xFFFF  }
0x38: {  	[tilespmem:s17], [sflag:$0x1] =	stream.linear.gather [hbm4b:s7+s3], $0x80, $0x38;
	[tilespmem:$0x1A200] =	vst v63  }
0x39: {  	s8 =	rddreg [dreg:$0x4]  }
0x3a: {  	[tilespmem:s18], [sflag:$0x1] =	stream.linear.gather [hbm4b:s8+s3], $0x80, $0x38;
	[tilespmem:$0x1A200] =	vst v63  }
0x3b: {  	_ = 	snop  }
0x3c: {  	[tilespmem:s19], [sflag:$0x2] =	stream.linear.gather [hbm4b:s9+s3], $0x80, $0x38;
	[tilespmem:$0x1A200] =	vst v63  }
0x3d: {  	_ = 	snop  }
0x3e: {  	[tilespmem:s20], [sflag:$0x2] =	stream.linear.gather [hbm4b:s10+s3], $0x80, $0x38;
	[tilespmem:$0x1A200] =	vst v63  }
0x3f: {  	_ =	swait.ge [sflag:s21], $0x80  }
0x40: {  	[sflag:s21] =	ssyncset.done $0x0  }
0x41: {  	[sflag:s21] =	ssyncadd.s32 $0xFFFFFF80  }
0x42: {  	_ =	swait.ge [sflag:s21], $0x80  }
0x43: {  	[sflag:s21] =	ssyncset.done $0x0  }
0x44: {  	[sflag:s21] =	ssyncadd.s32 $0xFFFFFF80  }
0x45: {  	[tilespmem:s23], [sflag:$0x3] =	stream.indirect.gather [hbm4b:s4+s22], $0x10, s17, s22, $0xb8;
	[tilespmem:$0x1A200] =	vst v63  }
0x46: {  	_ =	swait.ge [sflag:s24], $0x80  }
0x47: {  	[sflag:s24] =	ssyncset.done $0x0  }
.Ltmp2:
0x48: {  	[sflag:s24] =	ssyncadd.s32 $0xFFFFFF80;
	(pc) =	sbr.rel .LBB2_2-.Ltmp2, $4  }
0x49: {  	_ =	swait.ge [sflag:s24], $0x80  }
0x4a: {  	[sflag:s24] =	ssyncset.done $0x0  }
0x4b: {  	s30 =	smov.u32 s14;
	s31 =	simm.s32 $0x0;
	[sflag:s24] =	ssyncadd.s32 $0xFFFFFF80  }
0x4c: {  	[tilespmem:s25], [sflag:$0x4] =	stream.indirect.gather [hbm4b:s4+s22], $0x10, s19, s22, $0xb8;
	[tilespmem:$0x1A200] =	vst v63  }
.LBB2_4:
0x4d: {  	s31 =	sadd.s32 $0x20, s31  }
0x4e: {  	p1 =	sne.s32 s31, $0xC20  }
.Ltmp3:
0x4f: {  	_ = 	snop;
	(pc) =	sbr.rel @!p1 .LBB2_5-.Ltmp3, $2  }
0x50: {  	_ =	sdelay $0x2  }
0x51: {  	s30 =	sadd.s32 $0x2, s30  }
.LBB2_2:
0x52: {  	p1 =	sgt.u32 s30, $0x1869  }
.Ltmp4:
0x53: {  	_ = 	snop;
	(pc) =	sbr.rel @p1 .LBB2_4-.Ltmp4, $1  }
0x54: {  	_ =	sdelay $0x3  }
0x55: {  	_ =	swait.ge [sflag:s26], $0x800  }
0x56: {  	[sflag:s26] =	ssyncset.done $0x0  }
0x57: {  	[sflag:s26] =	ssyncadd.s32 $0xFFFFF800  }
0x58: {  	[spmem:s2] =	stream.indirect.scatter.add.f32 [tilespmem:s23], [sflag:$0x5], $0x10, s18, s22, $0xb8;
	[tilespmem:$0x1A200] =	vst v63  }
0x59: {  	p1 =	sgt.u32 s30, $0x1867;
	_ =	swait.ge [sflag:s16], $0x800  }
0x5a: {  	s0 =	sadd.s32 @!p1 s31, s13;
	s5 =	simm.s32 @!p1 $0x0;
	[sflag:s16] =	ssyncset.done $0x0  }
0x5b: {  	s8 =	simm.s32 @!p1 $0xC800;
	s1 =	sadd.s32 @!p1 $0x20, s0;
	[sflag:s16] =	ssyncadd.s32 $0xFFFFF800  }
0x5c: {  	[tilespmem:s8], [sflag:$0x1] =	stream.linear.gather @!p1 [hbm4b:s1+s5], $0x80, $0x38;
	[tilespmem:$0x1A200] =	vst v63  }
0x5d: {  	s0 =	sadd.s32 @!p1 $0x186C0, s0;
	s1 =	simm.s32 @!p1 $0xC880  }
0x5e: {  	[tilespmem:s1], [sflag:$0x1] =	stream.linear.gather @!p1 [hbm4b:s0+s5], $0x80, $0x38;
	[tilespmem:$0x1A200] =	vst v63  }
0x5f: {  	_ =	swait.ge [sflag:s28], $0x800  }
0x60: {  	[sflag:s28] =	ssyncset.done $0x0  }
0x61: {  	p1 =	sgt.u32 s30, $0x1866;
	[sflag:s28] =	ssyncadd.s32 $0xFFFFF800  }
0x62: {  	[spmem:s2] =	stream.indirect.scatter.add.f32 [tilespmem:s25], [sflag:$0x5], $0x10, s20, s22, $0xb8;
	[tilespmem:$0x1A200] =	vst v63  }
0x63: {  	p2 =	sgt.u32 @p1 s30, $0x1867;
	_ =	swait.ge [sflag:s16], $0x800  }
0x64: {  	p2 =	por p2, !p1;
	[sflag:s16] =	ssyncset.done $0x0  }
0x65: {  	s0 =	simm.s32 @!p2 $0x1;
	[sflag:s16] =	ssyncadd.s32 $0xFFFFF800  }
0x66: {  	_ =	swait.ge @!p2 [sflag:s0], $0x80  }
0x67: {  	[sflag:s0] =	ssyncset.done @!p2 $0x0  }
0x68: {  	[sflag:s0] =	ssyncadd.s32 @!p2 $0xFFFFFF80  }
0x69: {  	_ =	swait.ge @!p2 [sflag:s0], $0x80  }
0x6a: {  	s1 =	simm.s32 @!p2 $0xC800;
	[sflag:s0] =	ssyncset.done @!p2 $0x0  }
0x6b: {  	s5 =	simm.s32 @!p2 $0xCA00;
	[sflag:s0] =	ssyncadd.s32 @!p2 $0xFFFFFF80;
	s0 =	simm.s32 @!p2 $0x80  }
0x6c: {  	[tilespmem:s5], [sflag:$0x3] =	stream.indirect.gather @!p2 [hbm4b:s4+s0], $0x10, s1, s0, $0xb8;
	[tilespmem:$0x1A200] =	vst v63  }
0x6d: {  	s0 =	sadd.s32 @!p1 s31, s13  }
0x6e: {  	s8 =	simm.s32 @!p1 $0xC900;
	s5 =	simm.s32 @!p1 $0x0;
	s1 =	sadd.s32 @!p1 $0x30, s0  }
0x6f: {  	[tilespmem:s8], [sflag:$0x2] =	stream.linear.gather @!p1 [hbm4b:s1+s5], $0x80, $0x38;
	[tilespmem:$0x1A200] =	vst v63  }
0x70: {  	s0 =	sadd.s32 @!p1 $0x186D0, s0;
	s1 =	simm.s32 @!p1 $0xC980  }
0x71: {  	[tilespmem:s1], [sflag:$0x2] =	stream.linear.gather @!p1 [hbm4b:s0+s5], $0x80, $0x38;
	[tilespmem:$0x1A200] =	vst v63  }
0x72: {  	s0 =	simm.s32 @!p1 $0x1  }
0x73: {  	_ =	swait.ge @!p1 [sflag:s0], $0x80  }
0x74: {  	[sflag:s0] =	ssyncset.done @!p1 $0x0  }
0x75: {  	[sflag:s0] =	ssyncadd.s32 @!p1 $0xFFFFFF80  }
0x76: {  	_ =	swait.ge @!p1 [sflag:s0], $0x80  }
0x77: {  	s1 =	simm.s32 @!p1 $0xC800;
	[sflag:s0] =	ssyncset.done @!p1 $0x0  }
0x78: {  	s5 =	simm.s32 @!p1 $0xCA00;
	[sflag:s0] =	ssyncadd.s32 @!p1 $0xFFFFFF80;
	s0 =	simm.s32 @!p1 $0x80  }
0x79: {  	[tilespmem:s5], [sflag:$0x3] =	stream.indirect.gather @!p1 [hbm4b:s4+s0], $0x10, s1, s0, $0xb8;
	[tilespmem:$0x1A200] =	vst v63  }
0x7a: {  	s1 =	simm.s32 @!p1 $0x2  }
0x7b: {  	_ =	swait.ge @!p1 [sflag:s1], $0x80  }
0x7c: {  	[sflag:s1] =	ssyncset.done @!p1 $0x0  }
.Ltmp5:
0x7d: {  	[sflag:s1] =	ssyncadd.s32 @!p1 $0xFFFFFF80;
	(pc) =	sbr.rel .LBB2_4-.Ltmp5, $4  }
0x7e: {  	_ =	swait.ge @!p1 [sflag:s1], $0x80  }
0x7f: {  	[sflag:s1] =	ssyncset.done @!p1 $0x0  }
0x80: {  	[sflag:s1] =	ssyncadd.s32 @!p1 $0xFFFFFF80;
	s1 =	simm.s32 @!p1 $0xD200  }
0x81: {  	[tilespmem:s1], [sflag:$0x4] =	stream.indirect.gather @!p1 [hbm4b:s4+s0], $0x10, s8, s0, $0xb8;
	[tilespmem:$0x1A200] =	vst v63  }
.LBB2_6:
0x82: {  	_ =	sfence.sel $0x180000  }
0x83: {  	[bflag:$0x0] =	sbarrier.arrive $0xFFFF  }
0x84: {  	_ =	strace $0x9000004A  }
0x85: {  	s0 =	stileid.u32;
	[bflag:$0x2] =	sbarrier.arrive $0xFFFF  }
0x86: {  	p0 =	sne.s32 s0, $0x0;
	s0 =	rddreg [dreg:$0x2]  }
0x87: {  	s0 =	sadd.s32 @!p0 $0x100000, s0  }
0x88: {  	[sflag:s0] =	ssyncadd.tile.s32 @!p0 $0x1;
	_ =	shalt  }
.Lfunc_end2:
_tile_overlayer_lowered:
.L_overlay_start_2:
0x89: {  	(tag) =	ssettag $0x2  }
0x8a: {  	s0 =	rddreg [dreg:$0x0];
	s2 =	stileid.u32  }
0x8b: {  	s1 =	rddreg [dreg:$0x1];
	p0 =	sne.s32 s2, $0x0  }
0x8c: {  	s3 =	rddreg [dreg:$0x2];
	[bflag:$0x3] =	sbarrier.arrive $0xFFFF;
	s2 =	simm.s32 @!p0 $0x1C05  }
0x8d: {  	[timem:s3], [sflag:s2] =	dma.local @!p0 [hbm:s0], s1  }
0x8e: {  	s0 =	simm.s32 @!p0 $0x5  }
0x8f: {  	_ =	swait.ge @!p0 [sflag:s0], s1  }
0x90: {  	s1 =	ssub.s32 @!p0 $0x0, s1;
	[sflag:s0] =	ssyncset.done @!p0 $0x0  }
0x91: {  	[sflag:s0] =	ssyncadd.s32 @!p0 s1  }
0x92: {  	[bflag:$0x3] =	sbarrier.arrive $0xFFFF  }
0x93: {  	_ =	shalt  }

</sc_bundles>
